<compile_context>
chip_gen: v7x
topology: tpu7x:2x2x1
jax: 0.10.2.dev20260603
libtpu: 0.0.44.dev20260713+nightly
codegen_flags: <defaults>
</compile_context>

<pallas_src>
import functools
import math

import jax
import jax.numpy as jnp
from jax import lax
from jax.experimental import pallas as pl
from jax.experimental.pallas import tpu as pltpu
from jax.experimental.pallas import tpu_sc as plsc

N_NODES = 10000
N_EDGES = 320000
D_FEAT = 128

NC = 2
NS = 16
NW = NC * NS

EPW = N_EDGES // NW
K = 80
NCHUNK = EPW // K
NBUF = 3
NPAD = 10240
RPT = NPAD // NS
DUMMY = N_NODES
LANES = 16


def _sc_aggregate(nf_hbm, packed_hbm, acc_hbm, cnt_hbm,
                  packed_big, radj0, radj1, radj2, col0, col1, col2,
                  rows0, rows1, rows2, ones_v, acc_sh, cnt_sh,
                  gsem0, gsem1, gsem2, ssem0, ssem1, ssem2,
                  csem0, csem1, csem2):
    radj = [radj0, radj1, radj2]
    col = [col0, col1, col2]
    rows = [rows0, rows1, rows2]
    gsem = [gsem0, gsem1, gsem2]
    ssem = [ssem0, ssem1, ssem2]
    csem = [csem0, csem1, csem2]
    cid = lax.axis_index("c")
    sid = lax.axis_index("s")
    wid = sid * NC + cid

    zero16 = jnp.zeros((LANES,), jnp.float32)
    ebase = wid * EPW
    pltpu.sync_copy(packed_hbm.at[pl.ds(ebase, EPW)], packed_big)

    def _zrow(r, carry):
        for j in range(D_FEAT // LANES):
            rows[0][r, pl.ds(j * LANES, LANES)] = zero16
        return carry
    lax.fori_loop(0, K, _zrow, 0)

    one16 = jnp.ones((LANES,), jnp.float32)
    for i in range(K // LANES):
        ones_v[pl.ds(i * LANES, LANES)] = one16

    base_r = sid * RPT
    for k in range(RPT // K):
        pltpu.sync_copy(rows[0], acc_sh.at[pl.ds(base_r + k * K, K), :])
    for k in range(RPT // D_FEAT):
        pltpu.sync_copy(rows[0].at[0], cnt_sh.at[pl.ds(base_r + k * D_FEAT, D_FEAT)])

    plsc.subcore_barrier()

    def _unpack(base, i, radj_v, col_v):
        sl = pl.ds(base + i * LANES, LANES)
        p = packed_big[sl]
        cc = lax.bitwise_and(p, 16383)
        r = lax.shift_right_logical(p, 14)
        dst = pl.ds(i * LANES, LANES)
        col_v[dst] = cc
        radj_v[dst] = jnp.where(r == cc, DUMMY, r)

    def _prep(c, j):
        base = c * K
        for i in range(K // LANES):
            _unpack(base, i, radj[j], col[j])
        pltpu.async_copy(nf_hbm.at[col[j]], rows[j], gsem[j])

    def _wait_scat(j):
        pltpu.make_async_copy(rows[j], acc_sh.at[radj[j]], ssem[j]).wait()
        pltpu.make_async_copy(ones_v, cnt_sh.at[radj[j]], csem[j]).wait()

    def _scat(j):
        pltpu.make_async_copy(nf_hbm.at[col[j]], rows[j], gsem[j]).wait()
        pltpu.async_copy(rows[j], acc_sh.at[radj[j]], ssem[j], add=True)
        pltpu.async_copy(ones_v, cnt_sh.at[radj[j]], csem[j], add=True)

    def _body(c, j, first=False, last=False):
        jn = (j + 1) % NBUF
        if not first:
            _wait_scat(jn)
        if not last:
            _prep(c + 1, jn)
        _scat(j)

    _prep(0, 0)
    _body(0, 0, first=True)
    _body(1, 1, first=True)

    def _triple(g, carry):
        c = 3 * g + 2
        _body(c, 2)
        _body(c + 1, 0)
        _body(c + 2, 1)
        return carry
    lax.fori_loop(0, (NCHUNK - 5) // 3, _triple, 0)
    _body(NCHUNK - 3, 2)
    _body(NCHUNK - 2, 0)
    _body(NCHUNK - 1, 1, last=True)
    _wait_scat(0)
    _wait_scat(1)

    plsc.subcore_barrier()

    pltpu.sync_copy(acc_sh.at[pl.ds(base_r, RPT), :], acc_hbm.at[cid, pl.ds(base_r, RPT), :])
    pltpu.sync_copy(cnt_sh.at[pl.ds(base_r, RPT)], cnt_hbm.at[cid, pl.ds(base_r, RPT)])


@functools.cache
def _make_sc_call():
    return functools.partial(
        pl.kernel,
        mesh=plsc.VectorSubcoreMesh(core_axis_name="c", subcore_axis_name="s"),
        out_type=[
            jax.ShapeDtypeStruct((NC, NPAD, D_FEAT), jnp.float32),
            jax.ShapeDtypeStruct((NC, NPAD), jnp.float32),
        ],
        scratch_types=(
            [pltpu.VMEM((EPW,), jnp.int32)]
            + [pltpu.VMEM((K,), jnp.int32)] * NBUF
            + [pltpu.VMEM((K,), jnp.int32)] * NBUF
            + [pltpu.VMEM((K, D_FEAT), jnp.float32)] * NBUF
            + [pltpu.VMEM((K,), jnp.float32)]
            + [pltpu.VMEM_SHARED((NPAD, D_FEAT), jnp.float32)]
            + [pltpu.VMEM_SHARED((NPAD,), jnp.float32)]
            + [pltpu.SemaphoreType.DMA] * (3 * NBUF)
        ),
    )(_sc_aggregate)


BLK = 2048


def _tc_body(acc_ref, cnt_ref, nf_ref, w_ref, b_ref, o_ref):
    cb = cnt_ref[0] + cnt_ref[1]
    inv = 1.0 / jnp.maximum(cb, 1.0)
    invb = jnp.broadcast_to(inv[:, :, None], (BLK // D_FEAT, D_FEAT, D_FEAT))
    s = (acc_ref[0] + acc_ref[1]).reshape(BLK // D_FEAT, D_FEAT, D_FEAT) * invb
    s = s.reshape(BLK, D_FEAT)
    y = (jnp.dot(s, w_ref[0:D_FEAT, :], preferred_element_type=jnp.float32)
         + jnp.dot(nf_ref[...], w_ref[D_FEAT:, :], preferred_element_type=jnp.float32)
         + b_ref[...])
    nrm = jnp.sqrt(jnp.sum(y * y, axis=1, keepdims=True))
    o_ref[...] = y / jnp.maximum(nrm, 1e-12)


def _tc_finish(acc, cnt2d, nf, weight, bias):
    grid = NPAD // BLK
    return pl.pallas_call(
        _tc_body,
        grid=(grid,),
        in_specs=[
            pl.BlockSpec((NC, BLK, D_FEAT), lambda i: (0, i, 0)),
            pl.BlockSpec((NC, BLK // D_FEAT, D_FEAT), lambda i: (0, i, 0)),
            pl.BlockSpec((BLK, D_FEAT), lambda i: (i, 0)),
            pl.BlockSpec((2 * D_FEAT, D_FEAT), lambda i: (0, 0)),
            pl.BlockSpec((1, D_FEAT), lambda i: (0, 0)),
        ],
        out_specs=pl.BlockSpec((BLK, D_FEAT), lambda i: (i, 0)),
        out_shape=jax.ShapeDtypeStruct((N_NODES, D_FEAT), jnp.float32),
    )(acc, cnt2d, nf, weight, bias)


def kernel(node_features, edge_index, weight, bias):
    row = edge_index[0]
    col = edge_index[1]
    packed = row * 16384 + col
    acc, cnt = _make_sc_call()(node_features, packed)
    cnt2d = cnt.reshape(NC, NPAD // D_FEAT, D_FEAT)
    return _tc_finish(acc, cnt2d, node_features, weight, bias)

# --- scband reference (transcript-rebuilt; emitter-appended) ---
"""Pipeline reference for scband-signedconvolutioninit-6871947673678 (READ-ONLY COPY).

The authoritative reference and input builder live on the scoring server;
editing this copy changes nothing except your own understanding.
"""

import jax, jax.numpy as jnp
import numpy as np
import math

N = 10000
E = 320000
D = 128
IN_F = 256
OUT_F = 128

def setup_inputs(seed: int = 0) -> dict:
    key = jax.random.key(seed)
    k1, k2, k3, k4 = jax.random.split(key, 4)
    node_features = jax.random.normal(k1, (N, D), dtype=jnp.float32)
    edge_index = jax.random.randint(k2, (2, E), 0, N, dtype=jnp.int32)
    stdv = 1.0 / math.sqrt(IN_F)
    weight = jax.random.uniform(k3, (IN_F, OUT_F), minval=-stdv, maxval=stdv, dtype=jnp.float32)
    bias = jax.random.uniform(k4, (1, OUT_F), minval=-stdv, maxval=stdv, dtype=jnp.float32)
    return {"node_features": node_features, "edge_index": edge_index, "weight": weight, "bias": bias}

def reference(node_features, edge_index, weight, bias):
    n = node_features.shape[0]
    row = edge_index[0]
    col = edge_index[1]
    # remove_self_loops: mask out edges where row == col
    mask = (row != col).astype(node_features.dtype)
    # scatter_mean(node_features[col], row, dim=0, dim_size=n)
    msgs = jnp.take(node_features, col, axis=0) * mask[:, None]
    summed = jax.ops.segment_sum(msgs, row, num_segments=n)
    counts = jax.ops.segment_sum(mask, row, num_segments=n)
    out = summed / jnp.clip(counts, 1.0)[:, None]
    output = jnp.concatenate((out, node_features), axis=1)
    output = output @ weight
    output = output + bias
    # F.normalize(output, p=2, dim=-1)
    norm = jnp.sqrt(jnp.sum(output * output, axis=-1, keepdims=True))
    output = output / jnp.maximum(norm, 1e-12)
    return output

if __name__ == "__main__":
    import jax
    _d = setup_inputs()
    print(jax.jit(kernel)(*tuple(_d.values())))

</pallas_src>

<mosaic_0001>
#map = affine_map<(d0, d1) -> (0, 0)>
#map1 = affine_map<(d0, d1) -> (0)>
#map2 = affine_map<(d0, d1) -> (0, 0, 0)>
module attributes {stable_mosaic.version = 14 : i64} {
  func.func @_sc_aggregate(%arg0: i32, %arg1: i32, %arg2: memref<10000x128xf32, #tpu.memory_space<hbm>>, %arg3: memref<320000xi32, #tpu.memory_space<hbm>>, %arg4: memref<2x10240x128xf32, #tpu.memory_space<hbm>>, %arg5: memref<2x10240xf32, #tpu.memory_space<hbm>>, %arg6: memref<10000xi32, #tpu.memory_space<vmem>>, %arg7: memref<80xi32, #tpu.memory_space<vmem>>, %arg8: memref<80xi32, #tpu.memory_space<vmem>>, %arg9: memref<80xi32, #tpu.memory_space<vmem>>, %arg10: memref<80xi32, #tpu.memory_space<vmem>>, %arg11: memref<80xi32, #tpu.memory_space<vmem>>, %arg12: memref<80xi32, #tpu.memory_space<vmem>>, %arg13: memref<80x128xf32, #tpu.memory_space<vmem>>, %arg14: memref<80x128xf32, #tpu.memory_space<vmem>>, %arg15: memref<80x128xf32, #tpu.memory_space<vmem>>, %arg16: memref<80xf32, #tpu.memory_space<vmem>>, %arg17: memref<10240x128xf32, #tpu.memory_space<vmem_shared>>, %arg18: memref<10240xf32, #tpu.memory_space<vmem_shared>>, %arg19: memref<!tpu.dma_semaphore, #tpu.memory_space<semaphore_mem>>, %arg20: memref<!tpu.dma_semaphore, #tpu.memory_space<semaphore_mem>>, %arg21: memref<!tpu.dma_semaphore, #tpu.memory_space<semaphore_mem>>, %arg22: memref<!tpu.dma_semaphore, #tpu.memory_space<semaphore_mem>>, %arg23: memref<!tpu.dma_semaphore, #tpu.memory_space<semaphore_mem>>, %arg24: memref<!tpu.dma_semaphore, #tpu.memory_space<semaphore_mem>>, %arg25: memref<!tpu.dma_semaphore, #tpu.memory_space<semaphore_mem>>, %arg26: memref<!tpu.dma_semaphore, #tpu.memory_space<semaphore_mem>>, %arg27: memref<!tpu.dma_semaphore, #tpu.memory_space<semaphore_mem>>) attributes {dimension_semantics = [#tpu.dimension_semantics<core_parallel>, #tpu.dimension_semantics<subcore_parallel>], iteration_bounds = array<i64: 2, 16>, scalar_prefetch = 0 : i64, scratch_operands = 22 : i64, tpu.core_type = #tpu.core_type<sc_vector_subcore>, window_params = [{transform_indices = #map}, {transform_indices = #map1}, {transform_indices = #map2}, {transform_indices = #map}]} {
    %mul3A = arith.constant 2 : i32
    %mul3A_0 = arith.muli %arg1, %mul3A : i32
    %add3A = arith.addi %mul3A_0, %arg0 : i32
    %broadcast_in_dim3A = arith.constant 0.000000e+00 : f32
    %broadcast_in_dim3A_1 = vector.broadcast %broadcast_in_dim3A : f32 to vector<16xf32>
    %mul3A_2 = arith.constant 10000 : i32
    %mul3A_3 = arith.muli %add3A, %mul3A_2 : i32
    "tpu.region"() ({
      %run_scoped3A_666 = tpu.sem_alloc : memref<!tpu.dma_semaphore, #tpu.memory_space<semaphore_mem>>
      %dma_start3A_667 = tpu.memref_slice %arg3[%mul3A_3] : memref<320000xi32, #tpu.memory_space<hbm>> -> memref<10000xi32, #tpu.memory_space<hbm>>
      %dma_start3A_668 = tpu.memref_slice %arg3[%mul3A_3] : memref<320000xi32, #tpu.memory_space<hbm>> -> memref<10000xi32, #tpu.memory_space<hbm>>
      tpu.enqueue_dma source(%dma_start3A_668 : memref<10000xi32, #tpu.memory_space<hbm>>) target(%arg6 : memref<10000xi32, #tpu.memory_space<vmem>>) target_semaphore(%run_scoped3A_666 : memref<!tpu.dma_semaphore, #tpu.memory_space<semaphore_mem>>)
      %dma_wait3A_669 = tpu.memref_slice %arg3[%mul3A_3] : memref<320000xi32, #tpu.memory_space<hbm>> -> memref<10000xi32, #tpu.memory_space<hbm>>
      %dma_wait3A_670 = tpu.memref_slice %arg3[%mul3A_3] : memref<320000xi32, #tpu.memory_space<hbm>> -> memref<10000xi32, #tpu.memory_space<hbm>>
      tpu.wait_dma2 semaphore(%run_scoped3A_666 : memref<!tpu.dma_semaphore, #tpu.memory_space<semaphore_mem>>) src(%dma_wait3A_670 : memref<10000xi32, #tpu.memory_space<hbm>>) dst(%arg6 : memref<10000xi32, #tpu.memory_space<vmem>>)
      tpu.yield
    }) : () -> ()
    %scan3A = arith.constant 0 : i32
    %scan3A_4 = arith.constant 0 : i32
    %scan3A_5 = arith.constant 80 : i32
    %scan3A_6 = arith.addi %scan3A_4, %scan3A_5 : i32
    %scan3A_7 = arith.constant 1 : i32
    scf.for %scan3A_666 = %scan3A_4 to %scan3A_6 step %scan3A_7  : i32 {
      %swap3A_667 = arith.index_cast %scan3A_666 : i32 to index
      %swap3A_668 = arith.constant 0 : index
      %swap3A_669 = tpu.vector_load %arg13[%swap3A_667, %swap3A_668] {strides = array<i32>} : memref<80x128xf32, #tpu.memory_space<vmem>>, vector<1x16xf32>,
      %swap3A_670 = vector.shape_cast %swap3A_669 : vector<1x16xf32> to vector<16xf32>
      %swap3A_671 = vector.shape_cast %broadcast_in_dim3A_1 : vector<16xf32> to vector<1x16xf32>
      tpu.vector_store %arg13[%swap3A_667, %swap3A_668], %swap3A_671 {strides = array<i32>} : memref<80x128xf32, #tpu.memory_space<vmem>>, vector<1x16xf32>,
      %swap3A_672 = arith.index_cast %scan3A_666 : i32 to index
      %swap3A_673 = arith.constant 16 : index
      %swap3A_674 = tpu.vector_load %arg13[%swap3A_672, %swap3A_673] {strides = array<i32>} : memref<80x128xf32, #tpu.memory_space<vmem>>, vector<1x16xf32>,
      %swap3A_675 = vector.shape_cast %swap3A_674 : vector<1x16xf32> to vector<16xf32>
      %swap3A_676 = vector.shape_cast %broadcast_in_dim3A_1 : vector<16xf32> to vector<1x16xf32>
      tpu.vector_store %arg13[%swap3A_672, %swap3A_673], %swap3A_676 {strides = array<i32>} : memref<80x128xf32, #tpu.memory_space<vmem>>, vector<1x16xf32>,
      %swap3A_677 = arith.index_cast %scan3A_666 : i32 to index
      %swap3A_678 = arith.constant 32 : index
      %swap3A_679 = tpu.vector_load %arg13[%swap3A_677, %swap3A_678] {strides = array<i32>} : memref<80x128xf32, #tpu.memory_space<vmem>>, vector<1x16xf32>,
      %swap3A_680 = vector.shape_cast %swap3A_679 : vector<1x16xf32> to vector<16xf32>
      %swap3A_681 = vector.shape_cast %broadcast_in_dim3A_1 : vector<16xf32> to vector<1x16xf32>
      tpu.vector_store %arg13[%swap3A_677, %swap3A_678], %swap3A_681 {strides = array<i32>} : memref<80x128xf32, #tpu.memory_space<vmem>>, vector<1x16xf32>,
      %swap3A_682 = arith.index_cast %scan3A_666 : i32 to index
      %swap3A_683 = arith.constant 48 : index
      %swap3A_684 = tpu.vector_load %arg13[%swap3A_682, %swap3A_683] {strides = array<i32>} : memref<80x128xf32, #tpu.memory_space<vmem>>, vector<1x16xf32>,
      %swap3A_685 = vector.shape_cast %swap3A_684 : vector<1x16xf32> to vector<16xf32>
      %swap3A_686 = vector.shape_cast %broadcast_in_dim3A_1 : vector<16xf32> to vector<1x16xf32>
      tpu.vector_store %arg13[%swap3A_682, %swap3A_683], %swap3A_686 {strides = array<i32>} : memref<80x128xf32, #tpu.memory_space<vmem>>, vector<1x16xf32>,
      %swap3A_687 = arith.index_cast %scan3A_666 : i32 to index
      %swap3A_688 = arith.constant 64 : index
      %swap3A_689 = tpu.vector_load %arg13[%swap3A_687, %swap3A_688] {strides = array<i32>} : memref<80x128xf32, #tpu.memory_space<vmem>>, vector<1x16xf32>,
      %swap3A_690 = vector.shape_cast %swap3A_689 : vector<1x16xf32> to vector<16xf32>
      %swap3A_691 = vector.shape_cast %broadcast_in_dim3A_1 : vector<16xf32> to vector<1x16xf32>
      tpu.vector_store %arg13[%swap3A_687, %swap3A_688], %swap3A_691 {strides = array<i32>} : memref<80x128xf32, #tpu.memory_space<vmem>>, vector<1x16xf32>,
      %swap3A_692 = arith.index_cast %scan3A_666 : i32 to index
      %swap3A_693 = arith.constant 80 : index
      %swap3A_694 = tpu.vector_load %arg13[%swap3A_692, %swap3A_693] {strides = array<i32>} : memref<80x128xf32, #tpu.memory_space<vmem>>, vector<1x16xf32>,
      %swap3A_695 = vector.shape_cast %swap3A_694 : vector<1x16xf32> to vector<16xf32>
      %swap3A_696 = vector.shape_cast %broadcast_in_dim3A_1 : vector<16xf32> to vector<1x16xf32>
      tpu.vector_store %arg13[%swap3A_692, %swap3A_693], %swap3A_696 {strides = array<i32>} : memref<80x128xf32, #tpu.memory_space<vmem>>, vector<1x16xf32>,
      %swap3A_697 = arith.index_cast %scan3A_666 : i32 to index
      %swap3A_698 = arith.constant 96 : index
      %swap3A_699 = tpu.vector_load %arg13[%swap3A_697, %swap3A_698] {strides = array<i32>} : memref<80x128xf32, #tpu.memory_space<vmem>>, vector<1x16xf32>,
      %swap3A_700 = vector.shape_cast %swap3A_699 : vector<1x16xf32> to vector<16xf32>
      %swap3A_701 = vector.shape_cast %broadcast_in_dim3A_1 : vector<16xf32> to vector<1x16xf32>
      tpu.vector_store %arg13[%swap3A_697, %swap3A_698], %swap3A_701 {strides = array<i32>} : memref<80x128xf32, #tpu.memory_space<vmem>>, vector<1x16xf32>,
      %swap3A_702 = arith.index_cast %scan3A_666 : i32 to index
      %swap3A_703 = arith.constant 112 : index
      %swap3A_704 = tpu.vector_load %arg13[%swap3A_702, %swap3A_703] {strides = array<i32>} : memref<80x128xf32, #tpu.memory_space<vmem>>, vector<1x16xf32>,
      %swap3A_705 = vector.shape_cast %swap3A_704 : vector<1x16xf32> to vector<16xf32>
      %swap3A_706 = vector.shape_cast %broadcast_in_dim3A_1 : vector<16xf32> to vector<1x16xf32>
      tpu.vector_store %arg13[%swap3A_702, %swap3A_703], %swap3A_706 {strides = array<i32>} : memref<80x128xf32, #tpu.memory_space<vmem>>, vector<1x16xf32>,
    }
    %scan3A_8 = arith.constant 80 : i32
    %broadcast_in_dim3A_9 = arith.constant 1.000000e+00 : f32
    %broadcast_in_dim3A_10 = vector.broadcast %broadcast_in_dim3A_9 : f32 to vector<16xf32>
    %swap3A = arith.constant 0 : index
    %swap3A_11 = tpu.vector_load %arg16[%swap3A] {strides = array<i32>} : memref<80xf32, #tpu.memory_space<vmem>>, vector<16xf32>,
    %swap3A_12 = vector.shape_cast %swap3A_11 : vector<16xf32> to vector<16xf32>
    %swap3A_13 = vector.shape_cast %broadcast_in_dim3A_10 : vector<16xf32> to vector<16xf32>
    tpu.vector_store %arg16[%swap3A], %swap3A_13 {strides = array<i32>} : memref<80xf32, #tpu.memory_space<vmem>>, vector<16xf32>,
    %swap3A_14 = arith.constant 16 : index
    %swap3A_15 = tpu.vector_load %arg16[%swap3A_14] {strides = array<i32>} : memref<80xf32, #tpu.memory_space<vmem>>, vector<16xf32>,
    %swap3A_16 = vector.shape_cast %swap3A_15 : vector<16xf32> to vector<16xf32>
    %swap3A_17 = vector.shape_cast %broadcast_in_dim3A_10 : vector<16xf32> to vector<16xf32>
    tpu.vector_store %arg16[%swap3A_14], %swap3A_17 {strides = array<i32>} : memref<80xf32, #tpu.memory_space<vmem>>, vector<16xf32>,
    %swap3A_18 = arith.constant 32 : index
    %swap3A_19 = tpu.vector_load %arg16[%swap3A_18] {strides = array<i32>} : memref<80xf32, #tpu.memory_space<vmem>>, vector<16xf32>,
    %swap3A_20 = vector.shape_cast %swap3A_19 : vector<16xf32> to vector<16xf32>
    %swap3A_21 = vector.shape_cast %broadcast_in_dim3A_10 : vector<16xf32> to vector<16xf32>
    tpu.vector_store %arg16[%swap3A_18], %swap3A_21 {strides = array<i32>} : memref<80xf32, #tpu.memory_space<vmem>>, vector<16xf32>,
    %swap3A_22 = arith.constant 48 : index
    %swap3A_23 = tpu.vector_load %arg16[%swap3A_22] {strides = array<i32>} : memref<80xf32, #tpu.memory_space<vmem>>, vector<16xf32>,
    %swap3A_24 = vector.shape_cast %swap3A_23 : vector<16xf32> to vector<16xf32>
    %swap3A_25 = vector.shape_cast %broadcast_in_dim3A_10 : vector<16xf32> to vector<16xf32>
    tpu.vector_store %arg16[%swap3A_22], %swap3A_25 {strides = array<i32>} : memref<80xf32, #tpu.memory_space<vmem>>, vector<16xf32>,
    %swap3A_26 = arith.constant 64 : index
    %swap3A_27 = tpu.vector_load %arg16[%swap3A_26] {strides = array<i32>} : memref<80xf32, #tpu.memory_space<vmem>>, vector<16xf32>,
    %swap3A_28 = vector.shape_cast %swap3A_27 : vector<16xf32> to vector<16xf32>
    %swap3A_29 = vector.shape_cast %broadcast_in_dim3A_10 : vector<16xf32> to vector<16xf32>
    tpu.vector_store %arg16[%swap3A_26], %swap3A_29 {strides = array<i32>} : memref<80xf32, #tpu.memory_space<vmem>>, vector<16xf32>,
    %mul3A_30 = arith.constant 640 : i32
    %mul3A_31 = arith.muli %arg1, %mul3A_30 : i32
    %add3A_32 = arith.constant 0 : i32
    %add3A_33 = arith.addi %mul3A_31, %add3A_32 : i32
    "tpu.region"() ({
      %run_scoped3A_666 = tpu.sem_alloc : memref<!tpu.dma_semaphore, #tpu.memory_space<semaphore_mem>>
      %dma_start3A_667 = arith.constant 0 : i32
      %dma_start3A_668 = tpu.memref_slice %arg17[%add3A_33, %dma_start3A_667] : memref<10240x128xf32, #tpu.memory_space<vmem_shared>> -> memref<80x128xf32, #tpu.memory_space<vmem_shared>>
      %dma_start3A_669 = arith.constant 0 : i32
      %dma_start3A_670 = tpu.memref_slice %arg17[%add3A_33, %dma_start3A_669] : memref<10240x128xf32, #tpu.memory_space<vmem_shared>> -> memref<80x128xf32, #tpu.memory_space<vmem_shared>>
      tpu.enqueue_dma source(%arg13 : memref<80x128xf32, #tpu.memory_space<vmem>>) target(%dma_start3A_670 : memref<80x128xf32, #tpu.memory_space<vmem_shared>>) target_semaphore(%run_scoped3A_666 : memref<!tpu.dma_semaphore, #tpu.memory_space<semaphore_mem>>)
      %dma_wait3A_671 = arith.constant 0 : i32
      %dma_wait3A_672 = tpu.memref_slice %arg17[%add3A_33, %dma_wait3A_671] : memref<10240x128xf32, #tpu.memory_space<vmem_shared>> -> memref<80x128xf32, #tpu.memory_space<vmem_shared>>
      %dma_wait3A_673 = arith.constant 0 : i32
      %dma_wait3A_674 = tpu.memref_slice %arg17[%add3A_33, %dma_wait3A_673] : memref<10240x128xf32, #tpu.memory_space<vmem_shared>> -> memref<80x128xf32, #tpu.memory_space<vmem_shared>>
      tpu.wait_dma2 semaphore(%run_scoped3A_666 : memref<!tpu.dma_semaphore, #tpu.memory_space<semaphore_mem>>) src(%arg13 : memref<80x128xf32, #tpu.memory_space<vmem>>) dst(%dma_wait3A_674 : memref<80x128xf32, #tpu.memory_space<vmem_shared>>)
      tpu.yield
    }) : () -> ()
    %add3A_34 = arith.constant 80 : i32
    %add3A_35 = arith.addi %mul3A_31, %add3A_34 : i32
    "tpu.region"() ({
      %run_scoped3A_666 = tpu.sem_alloc : memref<!tpu.dma_semaphore, #tpu.memory_space<semaphore_mem>>
      %dma_start3A_667 = arith.constant 0 : i32
      %dma_start3A_668 = tpu.memref_slice %arg17[%add3A_35, %dma_start3A_667] : memref<10240x128xf32, #tpu.memory_space<vmem_shared>> -> memref<80x128xf32, #tpu.memory_space<vmem_shared>>
      %dma_start3A_669 = arith.constant 0 : i32
      %dma_start3A_670 = tpu.memref_slice %arg17[%add3A_35, %dma_start3A_669] : memref<10240x128xf32, #tpu.memory_space<vmem_shared>> -> memref<80x128xf32, #tpu.memory_space<vmem_shared>>
      tpu.enqueue_dma source(%arg13 : memref<80x128xf32, #tpu.memory_space<vmem>>) target(%dma_start3A_670 : memref<80x128xf32, #tpu.memory_space<vmem_shared>>) target_semaphore(%run_scoped3A_666 : memref<!tpu.dma_semaphore, #tpu.memory_space<semaphore_mem>>)
      %dma_wait3A_671 = arith.constant 0 : i32
      %dma_wait3A_672 = tpu.memref_slice %arg17[%add3A_35, %dma_wait3A_671] : memref<10240x128xf32, #tpu.memory_space<vmem_shared>> -> memref<80x128xf32, #tpu.memory_space<vmem_shared>>
      %dma_wait3A_673 = arith.constant 0 : i32
      %dma_wait3A_674 = tpu.memref_slice %arg17[%add3A_35, %dma_wait3A_673] : memref<10240x128xf32, #tpu.memory_space<vmem_shared>> -> memref<80x128xf32, #tpu.memory_space<vmem_shared>>
      tpu.wait_dma2 semaphore(%run_scoped3A_666 : memref<!tpu.dma_semaphore, #tpu.memory_space<semaphore_mem>>) src(%arg13 : memref<80x128xf32, #tpu.memory_space<vmem>>) dst(%dma_wait3A_674 : memref<80x128xf32, #tpu.memory_space<vmem_shared>>)
      tpu.yield
    }) : () -> ()
    %add3A_36 = arith.constant 160 : i32
    %add3A_37 = arith.addi %mul3A_31, %add3A_36 : i32
    "tpu.region"() ({
      %run_scoped3A_666 = tpu.sem_alloc : memref<!tpu.dma_semaphore, #tpu.memory_space<semaphore_mem>>
      %dma_start3A_667 = arith.constant 0 : i32
      %dma_start3A_668 = tpu.memref_slice %arg17[%add3A_37, %dma_start3A_667] : memref<10240x128xf32, #tpu.memory_space<vmem_shared>> -> memref<80x128xf32, #tpu.memory_space<vmem_shared>>
      %dma_start3A_669 = arith.constant 0 : i32
      %dma_start3A_670 = tpu.memref_slice %arg17[%add3A_37, %dma_start3A_669] : memref<10240x128xf32, #tpu.memory_space<vmem_shared>> -> memref<80x128xf32, #tpu.memory_space<vmem_shared>>
      tpu.enqueue_dma source(%arg13 : memref<80x128xf32, #tpu.memory_space<vmem>>) target(%dma_start3A_670 : memref<80x128xf32, #tpu.memory_space<vmem_shared>>) target_semaphore(%run_scoped3A_666 : memref<!tpu.dma_semaphore, #tpu.memory_space<semaphore_mem>>)
      %dma_wait3A_671 = arith.constant 0 : i32
      %dma_wait3A_672 = tpu.memref_slice %arg17[%add3A_37, %dma_wait3A_671] : memref<10240x128xf32, #tpu.memory_space<vmem_shared>> -> memref<80x128xf32, #tpu.memory_space<vmem_shared>>
      %dma_wait3A_673 = arith.constant 0 : i32
      %dma_wait3A_674 = tpu.memref_slice %arg17[%add3A_37, %dma_wait3A_673] : memref<10240x128xf32, #tpu.memory_space<vmem_shared>> -> memref<80x128xf32, #tpu.memory_space<vmem_shared>>
      tpu.wait_dma2 semaphore(%run_scoped3A_666 : memref<!tpu.dma_semaphore, #tpu.memory_space<semaphore_mem>>) src(%arg13 : memref<80x128xf32, #tpu.memory_space<vmem>>) dst(%dma_wait3A_674 : memref<80x128xf32, #tpu.memory_space<vmem_shared>>)
      tpu.yield
    }) : () -> ()
    %add3A_38 = arith.constant 240 : i32
    %add3A_39 = arith.addi %mul3A_31, %add3A_38 : i32
    "tpu.region"() ({
      %run_scoped3A_666 = tpu.sem_alloc : memref<!tpu.dma_semaphore, #tpu.memory_space<semaphore_mem>>
      %dma_start3A_667 = arith.constant 0 : i32
      %dma_start3A_668 = tpu.memref_slice %arg17[%add3A_39, %dma_start3A_667] : memref<10240x128xf32, #tpu.memory_space<vmem_shared>> -> memref<80x128xf32, #tpu.memory_space<vmem_shared>>
      %dma_start3A_669 = arith.constant 0 : i32
      %dma_start3A_670 = tpu.memref_slice %arg17[%add3A_39, %dma_start3A_669] : memref<10240x128xf32, #tpu.memory_space<vmem_shared>> -> memref<80x128xf32, #tpu.memory_space<vmem_shared>>
      tpu.enqueue_dma source(%arg13 : memref<80x128xf32, #tpu.memory_space<vmem>>) target(%dma_start3A_670 : memref<80x128xf32, #tpu.memory_space<vmem_shared>>) target_semaphore(%run_scoped3A_666 : memref<!tpu.dma_semaphore, #tpu.memory_space<semaphore_mem>>)
      %dma_wait3A_671 = arith.constant 0 : i32
      %dma_wait3A_672 = tpu.memref_slice %arg17[%add3A_39, %dma_wait3A_671] : memref<10240x128xf32, #tpu.memory_space<vmem_shared>> -> memref<80x128xf32, #tpu.memory_space<vmem_shared>>
      %dma_wait3A_673 = arith.constant 0 : i32
      %dma_wait3A_674 = tpu.memref_slice %arg17[%add3A_39, %dma_wait3A_673] : memref<10240x128xf32, #tpu.memory_space<vmem_shared>> -> memref<80x128xf32, #tpu.memory_space<vmem_shared>>
      tpu.wait_dma2 semaphore(%run_scoped3A_666 : memref<!tpu.dma_semaphore, #tpu.memory_space<semaphore_mem>>) src(%arg13 : memref<80x128xf32, #tpu.memory_space<vmem>>) dst(%dma_wait3A_674 : memref<80x128xf32, #tpu.memory_space<vmem_shared>>)
      tpu.yield
    }) : () -> ()
    %add3A_40 = arith.constant 320 : i32
    %add3A_41 = arith.addi %mul3A_31, %add3A_40 : i32
    "tpu.region"() ({
      %run_scoped3A_666 = tpu.sem_alloc : memref<!tpu.dma_semaphore, #tpu.memory_space<semaphore_mem>>
      %dma_start3A_667 = arith.constant 0 : i32
      %dma_start3A_668 = tpu.memref_slice %arg17[%add3A_41, %dma_start3A_667] : memref<10240x128xf32, #tpu.memory_space<vmem_shared>> -> memref<80x128xf32, #tpu.memory_space<vmem_shared>>
      %dma_start3A_669 = arith.constant 0 : i32
      %dma_start3A_670 = tpu.memref_slice %arg17[%add3A_41, %dma_start3A_669] : memref<10240x128xf32, #tpu.memory_space<vmem_shared>> -> memref<80x128xf32, #tpu.memory_space<vmem_shared>>
      tpu.enqueue_dma source(%arg13 : memref<80x128xf32, #tpu.memory_space<vmem>>) target(%dma_start3A_670 : memref<80x128xf32, #tpu.memory_space<vmem_shared>>) target_semaphore(%run_scoped3A_666 : memref<!tpu.dma_semaphore, #tpu.memory_space<semaphore_mem>>)
      %dma_wait3A_671 = arith.constant 0 : i32
      %dma_wait3A_672 = tpu.memref_slice %arg17[%add3A_41, %dma_wait3A_671] : memref<10240x128xf32, #tpu.memory_space<vmem_shared>> -> memref<80x128xf32, #tpu.memory_space<vmem_shared>>
      %dma_wait3A_673 = arith.constant 0 : i32
      %dma_wait3A_674 = tpu.memref_slice %arg17[%add3A_41, %dma_wait3A_673] : memref<10240x128xf32, #tpu.memory_space<vmem_shared>> -> memref<80x128xf32, #tpu.memory_space<vmem_shared>>
      tpu.wait_dma2 semaphore(%run_scoped3A_666 : memref<!tpu.dma_semaphore, #tpu.memory_space<semaphore_mem>>) src(%arg13 : memref<80x128xf32, #tpu.memory_space<vmem>>) dst(%dma_wait3A_674 : memref<80x128xf32, #tpu.memory_space<vmem_shared>>)
      tpu.yield
    }) : () -> ()
    %add3A_42 = arith.constant 400 : i32
    %add3A_43 = arith.addi %mul3A_31, %add3A_42 : i32
    "tpu.region"() ({
      %run_scoped3A_666 = tpu.sem_alloc : memref<!tpu.dma_semaphore, #tpu.memory_space<semaphore_mem>>
      %dma_start3A_667 = arith.constant 0 : i32
      %dma_start3A_668 = tpu.memref_slice %arg17[%add3A_43, %dma_start3A_667] : memref<10240x128xf32, #tpu.memory_space<vmem_shared>> -> memref<80x128xf32, #tpu.memory_space<vmem_shared>>
      %dma_start3A_669 = arith.constant 0 : i32
      %dma_start3A_670 = tpu.memref_slice %arg17[%add3A_43, %dma_start3A_669] : memref<10240x128xf32, #tpu.memory_space<vmem_shared>> -> memref<80x128xf32, #tpu.memory_space<vmem_shared>>
      tpu.enqueue_dma source(%arg13 : memref<80x128xf32, #tpu.memory_space<vmem>>) target(%dma_start3A_670 : memref<80x128xf32, #tpu.memory_space<vmem_shared>>) target_semaphore(%run_scoped3A_666 : memref<!tpu.dma_semaphore, #tpu.memory_space<semaphore_mem>>)
      %dma_wait3A_671 = arith.constant 0 : i32
      %dma_wait3A_672 = tpu.memref_slice %arg17[%add3A_43, %dma_wait3A_671] : memref<10240x128xf32, #tpu.memory_space<vmem_shared>> -> memref<80x128xf32, #tpu.memory_space<vmem_shared>>
      %dma_wait3A_673 = arith.constant 0 : i32
      %dma_wait3A_674 = tpu.memref_slice %arg17[%add3A_43, %dma_wait3A_673] : memref<10240x128xf32, #tpu.memory_space<vmem_shared>> -> memref<80x128xf32, #tpu.memory_space<vmem_shared>>
      tpu.wait_dma2 semaphore(%run_scoped3A_666 : memref<!tpu.dma_semaphore, #tpu.memory_space<semaphore_mem>>) src(%arg13 : memref<80x128xf32, #tpu.memory_space<vmem>>) dst(%dma_wait3A_674 : memref<80x128xf32, #tpu.memory_space<vmem_shared>>)
      tpu.yield
    }) : () -> ()
    %add3A_44 = arith.constant 480 : i32
    %add3A_45 = arith.addi %mul3A_31, %add3A_44 : i32
    "tpu.region"() ({
      %run_scoped3A_666 = tpu.sem_alloc : memref<!tpu.dma_semaphore, #tpu.memory_space<semaphore_mem>>
      %dma_start3A_667 = arith.constant 0 : i32
      %dma_start3A_668 = tpu.memref_slice %arg17[%add3A_45, %dma_start3A_667] : memref<10240x128xf32, #tpu.memory_space<vmem_shared>> -> memref<80x128xf32, #tpu.memory_space<vmem_shared>>
      %dma_start3A_669 = arith.constant 0 : i32
      %dma_start3A_670 = tpu.memref_slice %arg17[%add3A_45, %dma_start3A_669] : memref<10240x128xf32, #tpu.memory_space<vmem_shared>> -> memref<80x128xf32, #tpu.memory_space<vmem_shared>>
      tpu.enqueue_dma source(%arg13 : memref<80x128xf32, #tpu.memory_space<vmem>>) target(%dma_start3A_670 : memref<80x128xf32, #tpu.memory_space<vmem_shared>>) target_semaphore(%run_scoped3A_666 : memref<!tpu.dma_semaphore, #tpu.memory_space<semaphore_mem>>)
      %dma_wait3A_671 = arith.constant 0 : i32
      %dma_wait3A_672 = tpu.memref_slice %arg17[%add3A_45, %dma_wait3A_671] : memref<10240x128xf32, #tpu.memory_space<vmem_shared>> -> memref<80x128xf32, #tpu.memory_space<vmem_shared>>
      %dma_wait3A_673 = arith.constant 0 : i32
      %dma_wait3A_674 = tpu.memref_slice %arg17[%add3A_45, %dma_wait3A_673] : memref<10240x128xf32, #tpu.memory_space<vmem_shared>> -> memref<80x128xf32, #tpu.memory_space<vmem_shared>>
      tpu.wait_dma2 semaphore(%run_scoped3A_666 : memref<!tpu.dma_semaphore, #tpu.memory_space<semaphore_mem>>) src(%arg13 : memref<80x128xf32, #tpu.memory_space<vmem>>) dst(%dma_wait3A_674 : memref<80x128xf32, #tpu.memory_space<vmem_shared>>)
      tpu.yield
    }) : () -> ()
    %add3A_46 = arith.constant 560 : i32
    %add3A_47 = arith.addi %mul3A_31, %add3A_46 : i32
    "tpu.region"() ({
      %run_scoped3A_666 = tpu.sem_alloc : memref<!tpu.dma_semaphore, #tpu.memory_space<semaphore_mem>>
      %dma_start3A_667 = arith.constant 0 : i32
      %dma_start3A_668 = tpu.memref_slice %arg17[%add3A_47, %dma_start3A_667] : memref<10240x128xf32, #tpu.memory_space<vmem_shared>> -> memref<80x128xf32, #tpu.memory_space<vmem_shared>>
      %dma_start3A_669 = arith.constant 0 : i32
      %dma_start3A_670 = tpu.memref_slice %arg17[%add3A_47, %dma_start3A_669] : memref<10240x128xf32, #tpu.memory_space<vmem_shared>> -> memref<80x128xf32, #tpu.memory_space<vmem_shared>>
      tpu.enqueue_dma source(%arg13 : memref<80x128xf32, #tpu.memory_space<vmem>>) target(%dma_start3A_670 : memref<80x128xf32, #tpu.memory_space<vmem_shared>>) target_semaphore(%run_scoped3A_666 : memref<!tpu.dma_semaphore, #tpu.memory_space<semaphore_mem>>)
      %dma_wait3A_671 = arith.constant 0 : i32
      %dma_wait3A_672 = tpu.memref_slice %arg17[%add3A_47, %dma_wait3A_671] : memref<10240x128xf32, #tpu.memory_space<vmem_shared>> -> memref<80x128xf32, #tpu.memory_space<vmem_shared>>
      %dma_wait3A_673 = arith.constant 0 : i32
      %dma_wait3A_674 = tpu.memref_slice %arg17[%add3A_47, %dma_wait3A_673] : memref<10240x128xf32, #tpu.memory_space<vmem_shared>> -> memref<80x128xf32, #tpu.memory_space<vmem_shared>>
      tpu.wait_dma2 semaphore(%run_scoped3A_666 : memref<!tpu.dma_semaphore, #tpu.memory_space<semaphore_mem>>) src(%arg13 : memref<80x128xf32, #tpu.memory_space<vmem>>) dst(%dma_wait3A_674 : memref<80x128xf32, #tpu.memory_space<vmem_shared>>)
      tpu.yield
    }) : () -> ()
    %add3A_48 = arith.constant 0 : i32
    %add3A_49 = arith.addi %mul3A_31, %add3A_48 : i32
    %run_scoped3A = arith.constant 0 : i32
    "tpu.region"() ({
      %run_scoped3A_666 = tpu.sem_alloc : memref<!tpu.dma_semaphore, #tpu.memory_space<semaphore_mem>>
      %dma_start3A_667 = arith.constant 0 : i32
      %dma_start3A_668 = tpu.memref_slice %arg13[%run_scoped3A, %dma_start3A_667] : memref<80x128xf32, #tpu.memory_space<vmem>> -> memref<1x128xf32, #tpu.memory_space<vmem>>
      %dma_start3A_669 = tpu.memref_squeeze %dma_start3A_668 : memref<1x128xf32, #tpu.memory_space<vmem>> -> memref<128xf32, #tpu.memory_space<vmem>>
      %dma_start3A_670 = tpu.memref_slice %arg18[%add3A_49] : memref<10240xf32, #tpu.memory_space<vmem_shared>> -> memref<128xf32, #tpu.memory_space<vmem_shared>>
      %dma_start3A_671 = tpu.memref_slice %arg18[%add3A_49] : memref<10240xf32, #tpu.memory_space<vmem_shared>> -> memref<128xf32, #tpu.memory_space<vmem_shared>>
      %dma_start3A_672 = arith.constant 0 : i32
      %dma_start3A_673 = tpu.memref_slice %arg13[%run_scoped3A, %dma_start3A_672] : memref<80x128xf32, #tpu.memory_space<vmem>> -> memref<1x128xf32, #tpu.memory_space<vmem>>
      %dma_start3A_674 = tpu.memref_squeeze %dma_start3A_673 : memref<1x128xf32, #tpu.memory_space<vmem>> -> memref<128xf32, #tpu.memory_space<vmem>>
      tpu.enqueue_dma source(%dma_start3A_674 : memref<128xf32, #tpu.memory_space<vmem>>) target(%dma_start3A_671 : memref<128xf32, #tpu.memory_space<vmem_shared>>) target_semaphore(%run_scoped3A_666 : memref<!tpu.dma_semaphore, #tpu.memory_space<semaphore_mem>>)
      %dma_wait3A_675 = arith.constant 0 : i32
      %dma_wait3A_676 = tpu.memref_slice %arg13[%run_scoped3A, %dma_wait3A_675] : memref<80x128xf32, #tpu.memory_space<vmem>> -> memref<1x128xf32, #tpu.memory_space<vmem>>
      %dma_wait3A_677 = tpu.memref_squeeze %dma_wait3A_676 : memref<1x128xf32, #tpu.memory_space<vmem>> -> memref<128xf32, #tpu.memory_space<vmem>>
      %dma_wait3A_678 = tpu.memref_slice %arg18[%add3A_49] : memref<10240xf32, #tpu.memory_space<vmem_shared>> -> memref<128xf32, #tpu.memory_space<vmem_shared>>
      %dma_wait3A_679 = tpu.memref_slice %arg18[%add3A_49] : memref<10240xf32, #tpu.memory_space<vmem_shared>> -> memref<128xf32, #tpu.memory_space<vmem_shared>>
      %dma_wait3A_680 = arith.constant 0 : i32
      %dma_wait3A_681 = tpu.memref_slice %arg13[%run_scoped3A, %dma_wait3A_680] : memref<80x128xf32, #tpu.memory_space<vmem>> -> memref<1x128xf32, #tpu.memory_space<vmem>>
      %dma_wait3A_682 = tpu.memref_squeeze %dma_wait3A_681 : memref<1x128xf32, #tpu.memory_space<vmem>> -> memref<128xf32, #tpu.memory_space<vmem>>
      tpu.wait_dma2 semaphore(%run_scoped3A_666 : memref<!tpu.dma_semaphore, #tpu.memory_space<semaphore_mem>>) src(%dma_wait3A_682 : memref<128xf32, #tpu.memory_space<vmem>>) dst(%dma_wait3A_679 : memref<128xf32, #tpu.memory_space<vmem_shared>>)
      tpu.yield
    }) : () -> ()
    %add3A_50 = arith.constant 128 : i32
    %add3A_51 = arith.addi %mul3A_31, %add3A_50 : i32
    %run_scoped3A_52 = arith.constant 0 : i32
    "tpu.region"() ({
      %run_scoped3A_666 = tpu.sem_alloc : memref<!tpu.dma_semaphore, #tpu.memory_space<semaphore_mem>>
      %dma_start3A_667 = arith.constant 0 : i32
      %dma_start3A_668 = tpu.memref_slice %arg13[%run_scoped3A_52, %dma_start3A_667] : memref<80x128xf32, #tpu.memory_space<vmem>> -> memref<1x128xf32, #tpu.memory_space<vmem>>
      %dma_start3A_669 = tpu.memref_squeeze %dma_start3A_668 : memref<1x128xf32, #tpu.memory_space<vmem>> -> memref<128xf32, #tpu.memory_space<vmem>>
      %dma_start3A_670 = tpu.memref_slice %arg18[%add3A_51] : memref<10240xf32, #tpu.memory_space<vmem_shared>> -> memref<128xf32, #tpu.memory_space<vmem_shared>>
      %dma_start3A_671 = tpu.memref_slice %arg18[%add3A_51] : memref<10240xf32, #tpu.memory_space<vmem_shared>> -> memref<128xf32, #tpu.memory_space<vmem_shared>>
      %dma_start3A_672 = arith.constant 0 : i32
      %dma_start3A_673 = tpu.memref_slice %arg13[%run_scoped3A_52, %dma_start3A_672] : memref<80x128xf32, #tpu.memory_space<vmem>> -> memref<1x128xf32, #tpu.memory_space<vmem>>
      %dma_start3A_674 = tpu.memref_squeeze %dma_start3A_673 : memref<1x128xf32, #tpu.memory_space<vmem>> -> memref<128xf32, #tpu.memory_space<vmem>>
      tpu.enqueue_dma source(%dma_start3A_674 : memref<128xf32, #tpu.memory_space<vmem>>) target(%dma_start3A_671 : memref<128xf32, #tpu.memory_space<vmem_shared>>) target_semaphore(%run_scoped3A_666 : memref<!tpu.dma_semaphore, #tpu.memory_space<semaphore_mem>>)
      %dma_wait3A_675 = arith.constant 0 : i32
      %dma_wait3A_676 = tpu.memref_slice %arg13[%run_scoped3A_52, %dma_wait3A_675] : memref<80x128xf32, #tpu.memory_space<vmem>> -> memref<1x128xf32, #tpu.memory_space<vmem>>
      %dma_wait3A_677 = tpu.memref_squeeze %dma_wait3A_676 : memref<1x128xf32, #tpu.memory_space<vmem>> -> memref<128xf32, #tpu.memory_space<vmem>>
      %dma_wait3A_678 = tpu.memref_slice %arg18[%add3A_51] : memref<10240xf32, #tpu.memory_space<vmem_shared>> -> memref<128xf32, #tpu.memory_space<vmem_shared>>
      %dma_wait3A_679 = tpu.memref_slice %arg18[%add3A_51] : memref<10240xf32, #tpu.memory_space<vmem_shared>> -> memref<128xf32, #tpu.memory_space<vmem_shared>>
      %dma_wait3A_680 = arith.constant 0 : i32
      %dma_wait3A_681 = tpu.memref_slice %arg13[%run_scoped3A_52, %dma_wait3A_680] : memref<80x128xf32, #tpu.memory_space<vmem>> -> memref<1x128xf32, #tpu.memory_space<vmem>>
      %dma_wait3A_682 = tpu.memref_squeeze %dma_wait3A_681 : memref<1x128xf32, #tpu.memory_space<vmem>> -> memref<128xf32, #tpu.memory_space<vmem>>
      tpu.wait_dma2 semaphore(%run_scoped3A_666 : memref<!tpu.dma_semaphore, #tpu.memory_space<semaphore_mem>>) src(%dma_wait3A_682 : memref<128xf32, #tpu.memory_space<vmem>>) dst(%dma_wait3A_679 : memref<128xf32, #tpu.memory_space<vmem_shared>>)
      tpu.yield
    }) : () -> ()
    %add3A_53 = arith.constant 256 : i32
    %add3A_54 = arith.addi %mul3A_31, %add3A_53 : i32
    %run_scoped3A_55 = arith.constant 0 : i32
    "tpu.region"() ({
      %run_scoped3A_666 = tpu.sem_alloc : memref<!tpu.dma_semaphore, #tpu.memory_space<semaphore_mem>>
      %dma_start3A_667 = arith.constant 0 : i32
      %dma_start3A_668 = tpu.memref_slice %arg13[%run_scoped3A_55, %dma_start3A_667] : memref<80x128xf32, #tpu.memory_space<vmem>> -> memref<1x128xf32, #tpu.memory_space<vmem>>
      %dma_start3A_669 = tpu.memref_squeeze %dma_start3A_668 : memref<1x128xf32, #tpu.memory_space<vmem>> -> memref<128xf32, #tpu.memory_space<vmem>>
      %dma_start3A_670 = tpu.memref_slice %arg18[%add3A_54] : memref<10240xf32, #tpu.memory_space<vmem_shared>> -> memref<128xf32, #tpu.memory_space<vmem_shared>>
      %dma_start3A_671 = tpu.memref_slice %arg18[%add3A_54] : memref<10240xf32, #tpu.memory_space<vmem_shared>> -> memref<128xf32, #tpu.memory_space<vmem_shared>>
      %dma_start3A_672 = arith.constant 0 : i32
      %dma_start3A_673 = tpu.memref_slice %arg13[%run_scoped3A_55, %dma_start3A_672] : memref<80x128xf32, #tpu.memory_space<vmem>> -> memref<1x128xf32, #tpu.memory_space<vmem>>
      %dma_start3A_674 = tpu.memref_squeeze %dma_start3A_673 : memref<1x128xf32, #tpu.memory_space<vmem>> -> memref<128xf32, #tpu.memory_space<vmem>>
      tpu.enqueue_dma source(%dma_start3A_674 : memref<128xf32, #tpu.memory_space<vmem>>) target(%dma_start3A_671 : memref<128xf32, #tpu.memory_space<vmem_shared>>) target_semaphore(%run_scoped3A_666 : memref<!tpu.dma_semaphore, #tpu.memory_space<semaphore_mem>>)
      %dma_wait3A_675 = arith.constant 0 : i32
      %dma_wait3A_676 = tpu.memref_slice %arg13[%run_scoped3A_55, %dma_wait3A_675] : memref<80x128xf32, #tpu.memory_space<vmem>> -> memref<1x128xf32, #tpu.memory_space<vmem>>
      %dma_wait3A_677 = tpu.memref_squeeze %dma_wait3A_676 : memref<1x128xf32, #tpu.memory_space<vmem>> -> memref<128xf32, #tpu.memory_space<vmem>>
      %dma_wait3A_678 = tpu.memref_slice %arg18[%add3A_54] : memref<10240xf32, #tpu.memory_space<vmem_shared>> -> memref<128xf32, #tpu.memory_space<vmem_shared>>
      %dma_wait3A_679 = tpu.memref_slice %arg18[%add3A_54] : memref<10240xf32, #tpu.memory_space<vmem_shared>> -> memref<128xf32, #tpu.memory_space<vmem_shared>>
      %dma_wait3A_680 = arith.constant 0 : i32
      %dma_wait3A_681 = tpu.memref_slice %arg13[%run_scoped3A_55, %dma_wait3A_680] : memref<80x128xf32, #tpu.memory_space<vmem>> -> memref<1x128xf32, #tpu.memory_space<vmem>>
      %dma_wait3A_682 = tpu.memref_squeeze %dma_wait3A_681 : memref<1x128xf32, #tpu.memory_space<vmem>> -> memref<128xf32, #tpu.memory_space<vmem>>
      tpu.wait_dma2 semaphore(%run_scoped3A_666 : memref<!tpu.dma_semaphore, #tpu.memory_space<semaphore_mem>>) src(%dma_wait3A_682 : memref<128xf32, #tpu.memory_space<vmem>>) dst(%dma_wait3A_679 : memref<128xf32, #tpu.memory_space<vmem_shared>>)
      tpu.yield
    }) : () -> ()
    %add3A_56 = arith.constant 384 : i32
    %add3A_57 = arith.addi %mul3A_31, %add3A_56 : i32
    %run_scoped3A_58 = arith.constant 0 : i32
    "tpu.region"() ({
      %run_scoped3A_666 = tpu.sem_alloc : memref<!tpu.dma_semaphore, #tpu.memory_space<semaphore_mem>>
      %dma_start3A_667 = arith.constant 0 : i32
      %dma_start3A_668 = tpu.memref_slice %arg13[%run_scoped3A_58, %dma_start3A_667] : memref<80x128xf32, #tpu.memory_space<vmem>> -> memref<1x128xf32, #tpu.memory_space<vmem>>
      %dma_start3A_669 = tpu.memref_squeeze %dma_start3A_668 : memref<1x128xf32, #tpu.memory_space<vmem>> -> memref<128xf32, #tpu.memory_space<vmem>>
      %dma_start3A_670 = tpu.memref_slice %arg18[%add3A_57] : memref<10240xf32, #tpu.memory_space<vmem_shared>> -> memref<128xf32, #tpu.memory_space<vmem_shared>>
      %dma_start3A_671 = tpu.memref_slice %arg18[%add3A_57] : memref<10240xf32, #tpu.memory_space<vmem_shared>> -> memref<128xf32, #tpu.memory_space<vmem_shared>>
      %dma_start3A_672 = arith.constant 0 : i32
      %dma_start3A_673 = tpu.memref_slice %arg13[%run_scoped3A_58, %dma_start3A_672] : memref<80x128xf32, #tpu.memory_space<vmem>> -> memref<1x128xf32, #tpu.memory_space<vmem>>
      %dma_start3A_674 = tpu.memref_squeeze %dma_start3A_673 : memref<1x128xf32, #tpu.memory_space<vmem>> -> memref<128xf32, #tpu.memory_space<vmem>>
      tpu.enqueue_dma source(%dma_start3A_674 : memref<128xf32, #tpu.memory_space<vmem>>) target(%dma_start3A_671 : memref<128xf32, #tpu.memory_space<vmem_shared>>) target_semaphore(%run_scoped3A_666 : memref<!tpu.dma_semaphore, #tpu.memory_space<semaphore_mem>>)
      %dma_wait3A_675 = arith.constant 0 : i32
      %dma_wait3A_676 = tpu.memref_slice %arg13[%run_scoped3A_58, %dma_wait3A_675] : memref<80x128xf32, #tpu.memory_space<vmem>> -> memref<1x128xf32, #tpu.memory_space<vmem>>
      %dma_wait3A_677 = tpu.memref_squeeze %dma_wait3A_676 : memref<1x128xf32, #tpu.memory_space<vmem>> -> memref<128xf32, #tpu.memory_space<vmem>>
      %dma_wait3A_678 = tpu.memref_slice %arg18[%add3A_57] : memref<10240xf32, #tpu.memory_space<vmem_shared>> -> memref<128xf32, #tpu.memory_space<vmem_shared>>
      %dma_wait3A_679 = tpu.memref_slice %arg18[%add3A_57] : memref<10240xf32, #tpu.memory_space<vmem_shared>> -> memref<128xf32, #tpu.memory_space<vmem_shared>>
      %dma_wait3A_680 = arith.constant 0 : i32
      %dma_wait3A_681 = tpu.memref_slice %arg13[%run_scoped3A_58, %dma_wait3A_680] : memref<80x128xf32, #tpu.memory_space<vmem>> -> memref<1x128xf32, #tpu.memory_space<vmem>>
      %dma_wait3A_682 = tpu.memref_squeeze %dma_wait3A_681 : memref<1x128xf32, #tpu.memory_space<vmem>> -> memref<128xf32, #tpu.memory_space<vmem>>
      tpu.wait_dma2 semaphore(%run_scoped3A_666 : memref<!tpu.dma_semaphore, #tpu.memory_space<semaphore_mem>>) src(%dma_wait3A_682 : memref<128xf32, #tpu.memory_space<vmem>>) dst(%dma_wait3A_679 : memref<128xf32, #tpu.memory_space<vmem_shared>>)
      tpu.yield
    }) : () -> ()
    %add3A_59 = arith.constant 512 : i32
    %add3A_60 = arith.addi %mul3A_31, %add3A_59 : i32
    %run_scoped3A_61 = arith.constant 0 : i32
    "tpu.region"() ({
      %run_scoped3A_666 = tpu.sem_alloc : memref<!tpu.dma_semaphore, #tpu.memory_space<semaphore_mem>>
      %dma_start3A_667 = arith.constant 0 : i32
      %dma_start3A_668 = tpu.memref_slice %arg13[%run_scoped3A_61, %dma_start3A_667] : memref<80x128xf32, #tpu.memory_space<vmem>> -> memref<1x128xf32, #tpu.memory_space<vmem>>
      %dma_start3A_669 = tpu.memref_squeeze %dma_start3A_668 : memref<1x128xf32, #tpu.memory_space<vmem>> -> memref<128xf32, #tpu.memory_space<vmem>>
      %dma_start3A_670 = tpu.memref_slice %arg18[%add3A_60] : memref<10240xf32, #tpu.memory_space<vmem_shared>> -> memref<128xf32, #tpu.memory_space<vmem_shared>>
      %dma_start3A_671 = tpu.memref_slice %arg18[%add3A_60] : memref<10240xf32, #tpu.memory_space<vmem_shared>> -> memref<128xf32, #tpu.memory_space<vmem_shared>>
      %dma_start3A_672 = arith.constant 0 : i32
      %dma_start3A_673 = tpu.memref_slice %arg13[%run_scoped3A_61, %dma_start3A_672] : memref<80x128xf32, #tpu.memory_space<vmem>> -> memref<1x128xf32, #tpu.memory_space<vmem>>
      %dma_start3A_674 = tpu.memref_squeeze %dma_start3A_673 : memref<1x128xf32, #tpu.memory_space<vmem>> -> memref<128xf32, #tpu.memory_space<vmem>>
      tpu.enqueue_dma source(%dma_start3A_674 : memref<128xf32, #tpu.memory_space<vmem>>) target(%dma_start3A_671 : memref<128xf32, #tpu.memory_space<vmem_shared>>) target_semaphore(%run_scoped3A_666 : memref<!tpu.dma_semaphore, #tpu.memory_space<semaphore_mem>>)
      %dma_wait3A_675 = arith.constant 0 : i32
      %dma_wait3A_676 = tpu.memref_slice %arg13[%run_scoped3A_61, %dma_wait3A_675] : memref<80x128xf32, #tpu.memory_space<vmem>> -> memref<1x128xf32, #tpu.memory_space<vmem>>
      %dma_wait3A_677 = tpu.memref_squeeze %dma_wait3A_676 : memref<1x128xf32, #tpu.memory_space<vmem>> -> memref<128xf32, #tpu.memory_space<vmem>>
      %dma_wait3A_678 = tpu.memref_slice %arg18[%add3A_60] : memref<10240xf32, #tpu.memory_space<vmem_shared>> -> memref<128xf32, #tpu.memory_space<vmem_shared>>
      %dma_wait3A_679 = tpu.memref_slice %arg18[%add3A_60] : memref<10240xf32, #tpu.memory_space<vmem_shared>> -> memref<128xf32, #tpu.memory_space<vmem_shared>>
      %dma_wait3A_680 = arith.constant 0 : i32
      %dma_wait3A_681 = tpu.memref_slice %arg13[%run_scoped3A_61, %dma_wait3A_680] : memref<80x128xf32, #tpu.memory_space<vmem>> -> memref<1x128xf32, #tpu.memory_space<vmem>>
      %dma_wait3A_682 = tpu.memref_squeeze %dma_wait3A_681 : memref<1x128xf32, #tpu.memory_space<vmem>> -> memref<128xf32, #tpu.memory_space<vmem>>
      tpu.wait_dma2 semaphore(%run_scoped3A_666 : memref<!tpu.dma_semaphore, #tpu.memory_space<semaphore_mem>>) src(%dma_wait3A_682 : memref<128xf32, #tpu.memory_space<vmem>>) dst(%dma_wait3A_679 : memref<128xf32, #tpu.memory_space<vmem_shared>>)
      tpu.yield
    }) : () -> ()
    %barrier3A = arith.constant 0 : index
    tpu.barrier barrier_id(%barrier3A)
    %get3A = arith.constant 0 : index
    %get3A_62 = tpu.vector_load %arg6[%get3A] {strides = array<i32>} : memref<10000xi32, #tpu.memory_space<vmem>>, vector<16xi32>,
    %get3A_63 = vector.shape_cast %get3A_62 : vector<16xi32> to vector<16xi32>
    %and3A = arith.constant 16383 : i32
    %and3A_64 = vector.broadcast %and3A : i32 to vector<16xi32>
    %and3A_65 = arith.andi %get3A_63, %and3A_64 : vector<16xi32>
    %shift_right_logical3A = arith.constant 14 : i32
    %shift_right_logical3A_66 = vector.broadcast %shift_right_logical3A : i32 to vector<16xi32>
    %shift_right_logical3A_67 = arith.shrui %get3A_63, %shift_right_logical3A_66 : vector<16xi32>
    %swap3A_68 = arith.constant 0 : index
    %swap3A_69 = tpu.vector_load %arg10[%swap3A_68] {strides = array<i32>} : memref<80xi32, #tpu.memory_space<vmem>>, vector<16xi32>,
    %swap3A_70 = vector.shape_cast %swap3A_69 : vector<16xi32> to vector<16xi32>
    %swap3A_71 = vector.shape_cast %and3A_65 : vector<16xi32> to vector<16xi32>
    tpu.vector_store %arg10[%swap3A_68], %swap3A_71 {strides = array<i32>} : memref<80xi32, #tpu.memory_space<vmem>>, vector<16xi32>,
    %eq3A = arith.cmpi eq, %shift_right_logical3A_67, %and3A_65 : vector<16xi32>
    %jit3A = arith.constant 10000 : i32
    %broadcast_in_dim3A_72 = vector.broadcast %jit3A : i32 to vector<16xi32>
    %select_n3A = arith.select %eq3A, %broadcast_in_dim3A_72, %shift_right_logical3A_67 : vector<16xi1>, vector<16xi32>
    %swap3A_73 = arith.constant 0 : index
    %swap3A_74 = tpu.vector_load %arg7[%swap3A_73] {strides = array<i32>} : memref<80xi32, #tpu.memory_space<vmem>>, vector<16xi32>,
    %swap3A_75 = vector.shape_cast %swap3A_74 : vector<16xi32> to vector<16xi32>
    %swap3A_76 = vector.shape_cast %select_n3A : vector<16xi32> to vector<16xi32>
    tpu.vector_store %arg7[%swap3A_73], %swap3A_76 {strides = array<i32>} : memref<80xi32, #tpu.memory_space<vmem>>, vector<16xi32>,
    %get3A_77 = arith.constant 16 : index
    %get3A_78 = tpu.vector_load %arg6[%get3A_77] {strides = array<i32>} : memref<10000xi32, #tpu.memory_space<vmem>>, vector<16xi32>,
    %get3A_79 = vector.shape_cast %get3A_78 : vector<16xi32> to vector<16xi32>
    %and3A_80 = arith.constant 16383 : i32
    %and3A_81 = vector.broadcast %and3A_80 : i32 to vector<16xi32>
    %and3A_82 = arith.andi %get3A_79, %and3A_81 : vector<16xi32>
    %shift_right_logical3A_83 = arith.constant 14 : i32
    %shift_right_logical3A_84 = vector.broadcast %shift_right_logical3A_83 : i32 to vector<16xi32>
    %shift_right_logical3A_85 = arith.shrui %get3A_79, %shift_right_logical3A_84 : vector<16xi32>
    %swap3A_86 = arith.constant 16 : index
    %swap3A_87 = tpu.vector_load %arg10[%swap3A_86] {strides = array<i32>} : memref<80xi32, #tpu.memory_space<vmem>>, vector<16xi32>,
    %swap3A_88 = vector.shape_cast %swap3A_87 : vector<16xi32> to vector<16xi32>
    %swap3A_89 = vector.shape_cast %and3A_82 : vector<16xi32> to vector<16xi32>
    tpu.vector_store %arg10[%swap3A_86], %swap3A_89 {strides = array<i32>} : memref<80xi32, #tpu.memory_space<vmem>>, vector<16xi32>,
    %eq3A_90 = arith.cmpi eq, %shift_right_logical3A_85, %and3A_82 : vector<16xi32>
    %jit3A_91 = arith.constant 10000 : i32
    %broadcast_in_dim3A_92 = vector.broadcast %jit3A_91 : i32 to vector<16xi32>
    %select_n3A_93 = arith.select %eq3A_90, %broadcast_in_dim3A_92, %shift_right_logical3A_85 : vector<16xi1>, vector<16xi32>
    %swap3A_94 = arith.constant 16 : index
    %swap3A_95 = tpu.vector_load %arg7[%swap3A_94] {strides = array<i32>} : memref<80xi32, #tpu.memory_space<vmem>>, vector<16xi32>,
    %swap3A_96 = vector.shape_cast %swap3A_95 : vector<16xi32> to vector<16xi32>
    %swap3A_97 = vector.shape_cast %select_n3A_93 : vector<16xi32> to vector<16xi32>
    tpu.vector_store %arg7[%swap3A_94], %swap3A_97 {strides = array<i32>} : memref<80xi32, #tpu.memory_space<vmem>>, vector<16xi32>,
    %get3A_98 = arith.constant 32 : index
    %get3A_99 = tpu.vector_load %arg6[%get3A_98] {strides = array<i32>} : memref<10000xi32, #tpu.memory_space<vmem>>, vector<16xi32>,
    %get3A_100 = vector.shape_cast %get3A_99 : vector<16xi32> to vector<16xi32>
    %and3A_101 = arith.constant 16383 : i32
    %and3A_102 = vector.broadcast %and3A_101 : i32 to vector<16xi32>
    %and3A_103 = arith.andi %get3A_100, %and3A_102 : vector<16xi32>
    %shift_right_logical3A_104 = arith.constant 14 : i32
    %shift_right_logical3A_105 = vector.broadcast %shift_right_logical3A_104 : i32 to vector<16xi32>
    %shift_right_logical3A_106 = arith.shrui %get3A_100, %shift_right_logical3A_105 : vector<16xi32>
    %swap3A_107 = arith.constant 32 : index
    %swap3A_108 = tpu.vector_load %arg10[%swap3A_107] {strides = array<i32>} : memref<80xi32, #tpu.memory_space<vmem>>, vector<16xi32>,
    %swap3A_109 = vector.shape_cast %swap3A_108 : vector<16xi32> to vector<16xi32>
    %swap3A_110 = vector.shape_cast %and3A_103 : vector<16xi32> to vector<16xi32>
    tpu.vector_store %arg10[%swap3A_107], %swap3A_110 {strides = array<i32>} : memref<80xi32, #tpu.memory_space<vmem>>, vector<16xi32>,
    %eq3A_111 = arith.cmpi eq, %shift_right_logical3A_106, %and3A_103 : vector<16xi32>
    %jit3A_112 = arith.constant 10000 : i32
    %broadcast_in_dim3A_113 = vector.broadcast %jit3A_112 : i32 to vector<16xi32>
    %select_n3A_114 = arith.select %eq3A_111, %broadcast_in_dim3A_113, %shift_right_logical3A_106 : vector<16xi1>, vector<16xi32>
    %swap3A_115 = arith.constant 32 : index
    %swap3A_116 = tpu.vector_load %arg7[%swap3A_115] {strides = array<i32>} : memref<80xi32, #tpu.memory_space<vmem>>, vector<16xi32>,
    %swap3A_117 = vector.shape_cast %swap3A_116 : vector<16xi32> to vector<16xi32>
    %swap3A_118 = vector.shape_cast %select_n3A_114 : vector<16xi32> to vector<16xi32>
    tpu.vector_store %arg7[%swap3A_115], %swap3A_118 {strides = array<i32>} : memref<80xi32, #tpu.memory_space<vmem>>, vector<16xi32>,
    %get3A_119 = arith.constant 48 : index
    %get3A_120 = tpu.vector_load %arg6[%get3A_119] {strides = array<i32>} : memref<10000xi32, #tpu.memory_space<vmem>>, vector<16xi32>,
    %get3A_121 = vector.shape_cast %get3A_120 : vector<16xi32> to vector<16xi32>
    %and3A_122 = arith.constant 16383 : i32
    %and3A_123 = vector.broadcast %and3A_122 : i32 to vector<16xi32>
    %and3A_124 = arith.andi %get3A_121, %and3A_123 : vector<16xi32>
    %shift_right_logical3A_125 = arith.constant 14 : i32
    %shift_right_logical3A_126 = vector.broadcast %shift_right_logical3A_125 : i32 to vector<16xi32>
    %shift_right_logical3A_127 = arith.shrui %get3A_121, %shift_right_logical3A_126 : vector<16xi32>
    %swap3A_128 = arith.constant 48 : index
    %swap3A_129 = tpu.vector_load %arg10[%swap3A_128] {strides = array<i32>} : memref<80xi32, #tpu.memory_space<vmem>>, vector<16xi32>,
    %swap3A_130 = vector.shape_cast %swap3A_129 : vector<16xi32> to vector<16xi32>
    %swap3A_131 = vector.shape_cast %and3A_124 : vector<16xi32> to vector<16xi32>
    tpu.vector_store %arg10[%swap3A_128], %swap3A_131 {strides = array<i32>} : memref<80xi32, #tpu.memory_space<vmem>>, vector<16xi32>,
    %eq3A_132 = arith.cmpi eq, %shift_right_logical3A_127, %and3A_124 : vector<16xi32>
    %jit3A_133 = arith.constant 10000 : i32
    %broadcast_in_dim3A_134 = vector.broadcast %jit3A_133 : i32 to vector<16xi32>
    %select_n3A_135 = arith.select %eq3A_132, %broadcast_in_dim3A_134, %shift_right_logical3A_127 : vector<16xi1>, vector<16xi32>
    %swap3A_136 = arith.constant 48 : index
    %swap3A_137 = tpu.vector_load %arg7[%swap3A_136] {strides = array<i32>} : memref<80xi32, #tpu.memory_space<vmem>>, vector<16xi32>,
    %swap3A_138 = vector.shape_cast %swap3A_137 : vector<16xi32> to vector<16xi32>
    %swap3A_139 = vector.shape_cast %select_n3A_135 : vector<16xi32> to vector<16xi32>
    tpu.vector_store %arg7[%swap3A_136], %swap3A_139 {strides = array<i32>} : memref<80xi32, #tpu.memory_space<vmem>>, vector<16xi32>,
    %get3A_140 = arith.constant 64 : index
    %get3A_141 = tpu.vector_load %arg6[%get3A_140] {strides = array<i32>} : memref<10000xi32, #tpu.memory_space<vmem>>, vector<16xi32>,
    %get3A_142 = vector.shape_cast %get3A_141 : vector<16xi32> to vector<16xi32>
    %and3A_143 = arith.constant 16383 : i32
    %and3A_144 = vector.broadcast %and3A_143 : i32 to vector<16xi32>
    %and3A_145 = arith.andi %get3A_142, %and3A_144 : vector<16xi32>
    %shift_right_logical3A_146 = arith.constant 14 : i32
    %shift_right_logical3A_147 = vector.broadcast %shift_right_logical3A_146 : i32 to vector<16xi32>
    %shift_right_logical3A_148 = arith.shrui %get3A_142, %shift_right_logical3A_147 : vector<16xi32>
    %swap3A_149 = arith.constant 64 : index
    %swap3A_150 = tpu.vector_load %arg10[%swap3A_149] {strides = array<i32>} : memref<80xi32, #tpu.memory_space<vmem>>, vector<16xi32>,
    %swap3A_151 = vector.shape_cast %swap3A_150 : vector<16xi32> to vector<16xi32>
    %swap3A_152 = vector.shape_cast %and3A_145 : vector<16xi32> to vector<16xi32>
    tpu.vector_store %arg10[%swap3A_149], %swap3A_152 {strides = array<i32>} : memref<80xi32, #tpu.memory_space<vmem>>, vector<16xi32>,
    %eq3A_153 = arith.cmpi eq, %shift_right_logical3A_148, %and3A_145 : vector<16xi32>
    %jit3A_154 = arith.constant 10000 : i32
    %broadcast_in_dim3A_155 = vector.broadcast %jit3A_154 : i32 to vector<16xi32>
    %select_n3A_156 = arith.select %eq3A_153, %broadcast_in_dim3A_155, %shift_right_logical3A_148 : vector<16xi1>, vector<16xi32>
    %swap3A_157 = arith.constant 64 : index
    %swap3A_158 = tpu.vector_load %arg7[%swap3A_157] {strides = array<i32>} : memref<80xi32, #tpu.memory_space<vmem>>, vector<16xi32>,
    %swap3A_159 = vector.shape_cast %swap3A_158 : vector<16xi32> to vector<16xi32>
    %swap3A_160 = vector.shape_cast %select_n3A_156 : vector<16xi32> to vector<16xi32>
    tpu.vector_store %arg7[%swap3A_157], %swap3A_160 {strides = array<i32>} : memref<80xi32, #tpu.memory_space<vmem>>, vector<16xi32>,
    %dma_start3A = arith.constant 0 : i32
    %dma_start3A_161 = arith.constant 0 : i32
    %dma_start3A_162 = tpu.memref_slice %arg2[%dma_start3A, %dma_start3A_161] : memref<10000x128xf32, #tpu.memory_space<hbm>> -> memref<10000x128xf32, #tpu.memory_space<hbm>>
    tpu.enqueue_indirect_dma source(%dma_start3A_162 : memref<10000x128xf32, #tpu.memory_space<hbm>>) target(%arg13 : memref<80x128xf32, #tpu.memory_space<vmem>>) offsets(%arg10 : memref<80xi32, #tpu.memory_space<vmem>>) semaphore(%arg19 : memref<!tpu.dma_semaphore, #tpu.memory_space<semaphore_mem>>)
    %get3A_163 = arith.constant 80 : index
    %get3A_164 = tpu.vector_load %arg6[%get3A_163] {strides = array<i32>} : memref<10000xi32, #tpu.memory_space<vmem>>, vector<16xi32>,
    %get3A_165 = vector.shape_cast %get3A_164 : vector<16xi32> to vector<16xi32>
    %and3A_166 = arith.constant 16383 : i32
    %and3A_167 = vector.broadcast %and3A_166 : i32 to vector<16xi32>
    %and3A_168 = arith.andi %get3A_165, %and3A_167 : vector<16xi32>
    %shift_right_logical3A_169 = arith.constant 14 : i32
    %shift_right_logical3A_170 = vector.broadcast %shift_right_logical3A_169 : i32 to vector<16xi32>
    %shift_right_logical3A_171 = arith.shrui %get3A_165, %shift_right_logical3A_170 : vector<16xi32>
    %swap3A_172 = arith.constant 0 : index
    %swap3A_173 = tpu.vector_load %arg11[%swap3A_172] {strides = array<i32>} : memref<80xi32, #tpu.memory_space<vmem>>, vector<16xi32>,
    %swap3A_174 = vector.shape_cast %swap3A_173 : vector<16xi32> to vector<16xi32>
    %swap3A_175 = vector.shape_cast %and3A_168 : vector<16xi32> to vector<16xi32>
    tpu.vector_store %arg11[%swap3A_172], %swap3A_175 {strides = array<i32>} : memref<80xi32, #tpu.memory_space<vmem>>, vector<16xi32>,
    %eq3A_176 = arith.cmpi eq, %shift_right_logical3A_171, %and3A_168 : vector<16xi32>
    %jit3A_177 = arith.constant 10000 : i32
    %broadcast_in_dim3A_178 = vector.broadcast %jit3A_177 : i32 to vector<16xi32>
    %select_n3A_179 = arith.select %eq3A_176, %broadcast_in_dim3A_178, %shift_right_logical3A_171 : vector<16xi1>, vector<16xi32>
    %swap3A_180 = arith.constant 0 : index
    %swap3A_181 = tpu.vector_load %arg8[%swap3A_180] {strides = array<i32>} : memref<80xi32, #tpu.memory_space<vmem>>, vector<16xi32>,
    %swap3A_182 = vector.shape_cast %swap3A_181 : vector<16xi32> to vector<16xi32>
    %swap3A_183 = vector.shape_cast %select_n3A_179 : vector<16xi32> to vector<16xi32>
    tpu.vector_store %arg8[%swap3A_180], %swap3A_183 {strides = array<i32>} : memref<80xi32, #tpu.memory_space<vmem>>, vector<16xi32>,
    %get3A_184 = arith.constant 96 : index
    %get3A_185 = tpu.vector_load %arg6[%get3A_184] {strides = array<i32>} : memref<10000xi32, #tpu.memory_space<vmem>>, vector<16xi32>,
    %get3A_186 = vector.shape_cast %get3A_185 : vector<16xi32> to vector<16xi32>
    %and3A_187 = arith.constant 16383 : i32
    %and3A_188 = vector.broadcast %and3A_187 : i32 to vector<16xi32>
    %and3A_189 = arith.andi %get3A_186, %and3A_188 : vector<16xi32>
    %shift_right_logical3A_190 = arith.constant 14 : i32
    %shift_right_logical3A_191 = vector.broadcast %shift_right_logical3A_190 : i32 to vector<16xi32>
    %shift_right_logical3A_192 = arith.shrui %get3A_186, %shift_right_logical3A_191 : vector<16xi32>
    %swap3A_193 = arith.constant 16 : index
    %swap3A_194 = tpu.vector_load %arg11[%swap3A_193] {strides = array<i32>} : memref<80xi32, #tpu.memory_space<vmem>>, vector<16xi32>,
    %swap3A_195 = vector.shape_cast %swap3A_194 : vector<16xi32> to vector<16xi32>
    %swap3A_196 = vector.shape_cast %and3A_189 : vector<16xi32> to vector<16xi32>
    tpu.vector_store %arg11[%swap3A_193], %swap3A_196 {strides = array<i32>} : memref<80xi32, #tpu.memory_space<vmem>>, vector<16xi32>,
    %eq3A_197 = arith.cmpi eq, %shift_right_logical3A_192, %and3A_189 : vector<16xi32>
    %jit3A_198 = arith.constant 10000 : i32
    %broadcast_in_dim3A_199 = vector.broadcast %jit3A_198 : i32 to vector<16xi32>
    %select_n3A_200 = arith.select %eq3A_197, %broadcast_in_dim3A_199, %shift_right_logical3A_192 : vector<16xi1>, vector<16xi32>
    %swap3A_201 = arith.constant 16 : index
    %swap3A_202 = tpu.vector_load %arg8[%swap3A_201] {strides = array<i32>} : memref<80xi32, #tpu.memory_space<vmem>>, vector<16xi32>,
    %swap3A_203 = vector.shape_cast %swap3A_202 : vector<16xi32> to vector<16xi32>
    %swap3A_204 = vector.shape_cast %select_n3A_200 : vector<16xi32> to vector<16xi32>
    tpu.vector_store %arg8[%swap3A_201], %swap3A_204 {strides = array<i32>} : memref<80xi32, #tpu.memory_space<vmem>>, vector<16xi32>,
    %get3A_205 = arith.constant 112 : index
    %get3A_206 = tpu.vector_load %arg6[%get3A_205] {strides = array<i32>} : memref<10000xi32, #tpu.memory_space<vmem>>, vector<16xi32>,
    %get3A_207 = vector.shape_cast %get3A_206 : vector<16xi32> to vector<16xi32>
    %and3A_208 = arith.constant 16383 : i32
    %and3A_209 = vector.broadcast %and3A_208 : i32 to vector<16xi32>
    %and3A_210 = arith.andi %get3A_207, %and3A_209 : vector<16xi32>
    %shift_right_logical3A_211 = arith.constant 14 : i32
    %shift_right_logical3A_212 = vector.broadcast %shift_right_logical3A_211 : i32 to vector<16xi32>
    %shift_right_logical3A_213 = arith.shrui %get3A_207, %shift_right_logical3A_212 : vector<16xi32>
    %swap3A_214 = arith.constant 32 : index
    %swap3A_215 = tpu.vector_load %arg11[%swap3A_214] {strides = array<i32>} : memref<80xi32, #tpu.memory_space<vmem>>, vector<16xi32>,
    %swap3A_216 = vector.shape_cast %swap3A_215 : vector<16xi32> to vector<16xi32>
    %swap3A_217 = vector.shape_cast %and3A_210 : vector<16xi32> to vector<16xi32>
    tpu.vector_store %arg11[%swap3A_214], %swap3A_217 {strides = array<i32>} : memref<80xi32, #tpu.memory_space<vmem>>, vector<16xi32>,
    %eq3A_218 = arith.cmpi eq, %shift_right_logical3A_213, %and3A_210 : vector<16xi32>
    %jit3A_219 = arith.constant 10000 : i32
    %broadcast_in_dim3A_220 = vector.broadcast %jit3A_219 : i32 to vector<16xi32>
    %select_n3A_221 = arith.select %eq3A_218, %broadcast_in_dim3A_220, %shift_right_logical3A_213 : vector<16xi1>, vector<16xi32>
    %swap3A_222 = arith.constant 32 : index
    %swap3A_223 = tpu.vector_load %arg8[%swap3A_222] {strides = array<i32>} : memref<80xi32, #tpu.memory_space<vmem>>, vector<16xi32>,
    %swap3A_224 = vector.shape_cast %swap3A_223 : vector<16xi32> to vector<16xi32>
    %swap3A_225 = vector.shape_cast %select_n3A_221 : vector<16xi32> to vector<16xi32>
    tpu.vector_store %arg8[%swap3A_222], %swap3A_225 {strides = array<i32>} : memref<80xi32, #tpu.memory_space<vmem>>, vector<16xi32>,
    %get3A_226 = arith.constant 128 : index
    %get3A_227 = tpu.vector_load %arg6[%get3A_226] {strides = array<i32>} : memref<10000xi32, #tpu.memory_space<vmem>>, vector<16xi32>,
    %get3A_228 = vector.shape_cast %get3A_227 : vector<16xi32> to vector<16xi32>
    %and3A_229 = arith.constant 16383 : i32
    %and3A_230 = vector.broadcast %and3A_229 : i32 to vector<16xi32>
    %and3A_231 = arith.andi %get3A_228, %and3A_230 : vector<16xi32>
    %shift_right_logical3A_232 = arith.constant 14 : i32
    %shift_right_logical3A_233 = vector.broadcast %shift_right_logical3A_232 : i32 to vector<16xi32>
    %shift_right_logical3A_234 = arith.shrui %get3A_228, %shift_right_logical3A_233 : vector<16xi32>
    %swap3A_235 = arith.constant 48 : index
    %swap3A_236 = tpu.vector_load %arg11[%swap3A_235] {strides = array<i32>} : memref<80xi32, #tpu.memory_space<vmem>>, vector<16xi32>,
    %swap3A_237 = vector.shape_cast %swap3A_236 : vector<16xi32> to vector<16xi32>
    %swap3A_238 = vector.shape_cast %and3A_231 : vector<16xi32> to vector<16xi32>
    tpu.vector_store %arg11[%swap3A_235], %swap3A_238 {strides = array<i32>} : memref<80xi32, #tpu.memory_space<vmem>>, vector<16xi32>,
    %eq3A_239 = arith.cmpi eq, %shift_right_logical3A_234, %and3A_231 : vector<16xi32>
    %jit3A_240 = arith.constant 10000 : i32
    %broadcast_in_dim3A_241 = vector.broadcast %jit3A_240 : i32 to vector<16xi32>
    %select_n3A_242 = arith.select %eq3A_239, %broadcast_in_dim3A_241, %shift_right_logical3A_234 : vector<16xi1>, vector<16xi32>
    %swap3A_243 = arith.constant 48 : index
    %swap3A_244 = tpu.vector_load %arg8[%swap3A_243] {strides = array<i32>} : memref<80xi32, #tpu.memory_space<vmem>>, vector<16xi32>,
    %swap3A_245 = vector.shape_cast %swap3A_244 : vector<16xi32> to vector<16xi32>
    %swap3A_246 = vector.shape_cast %select_n3A_242 : vector<16xi32> to vector<16xi32>
    tpu.vector_store %arg8[%swap3A_243], %swap3A_246 {strides = array<i32>} : memref<80xi32, #tpu.memory_space<vmem>>, vector<16xi32>,
    %get3A_247 = arith.constant 144 : index
    %get3A_248 = tpu.vector_load %arg6[%get3A_247] {strides = array<i32>} : memref<10000xi32, #tpu.memory_space<vmem>>, vector<16xi32>,
    %get3A_249 = vector.shape_cast %get3A_248 : vector<16xi32> to vector<16xi32>
    %and3A_250 = arith.constant 16383 : i32
    %and3A_251 = vector.broadcast %and3A_250 : i32 to vector<16xi32>
    %and3A_252 = arith.andi %get3A_249, %and3A_251 : vector<16xi32>
    %shift_right_logical3A_253 = arith.constant 14 : i32
    %shift_right_logical3A_254 = vector.broadcast %shift_right_logical3A_253 : i32 to vector<16xi32>
    %shift_right_logical3A_255 = arith.shrui %get3A_249, %shift_right_logical3A_254 : vector<16xi32>
    %swap3A_256 = arith.constant 64 : index
    %swap3A_257 = tpu.vector_load %arg11[%swap3A_256] {strides = array<i32>} : memref<80xi32, #tpu.memory_space<vmem>>, vector<16xi32>,
    %swap3A_258 = vector.shape_cast %swap3A_257 : vector<16xi32> to vector<16xi32>
    %swap3A_259 = vector.shape_cast %and3A_252 : vector<16xi32> to vector<16xi32>
    tpu.vector_store %arg11[%swap3A_256], %swap3A_259 {strides = array<i32>} : memref<80xi32, #tpu.memory_space<vmem>>, vector<16xi32>,
    %eq3A_260 = arith.cmpi eq, %shift_right_logical3A_255, %and3A_252 : vector<16xi32>
    %jit3A_261 = arith.constant 10000 : i32
    %broadcast_in_dim3A_262 = vector.broadcast %jit3A_261 : i32 to vector<16xi32>
    %select_n3A_263 = arith.select %eq3A_260, %broadcast_in_dim3A_262, %shift_right_logical3A_255 : vector<16xi1>, vector<16xi32>
    %swap3A_264 = arith.constant 64 : index
    %swap3A_265 = tpu.vector_load %arg8[%swap3A_264] {strides = array<i32>} : memref<80xi32, #tpu.memory_space<vmem>>, vector<16xi32>,
    %swap3A_266 = vector.shape_cast %swap3A_265 : vector<16xi32> to vector<16xi32>
    %swap3A_267 = vector.shape_cast %select_n3A_263 : vector<16xi32> to vector<16xi32>
    tpu.vector_store %arg8[%swap3A_264], %swap3A_267 {strides = array<i32>} : memref<80xi32, #tpu.memory_space<vmem>>, vector<16xi32>,
    %dma_start3A_268 = arith.constant 0 : i32
    %dma_start3A_269 = arith.constant 0 : i32
    %dma_start3A_270 = tpu.memref_slice %arg2[%dma_start3A_268, %dma_start3A_269] : memref<10000x128xf32, #tpu.memory_space<hbm>> -> memref<10000x128xf32, #tpu.memory_space<hbm>>
    tpu.enqueue_indirect_dma source(%dma_start3A_270 : memref<10000x128xf32, #tpu.memory_space<hbm>>) target(%arg14 : memref<80x128xf32, #tpu.memory_space<vmem>>) offsets(%arg11 : memref<80xi32, #tpu.memory_space<vmem>>) semaphore(%arg20 : memref<!tpu.dma_semaphore, #tpu.memory_space<semaphore_mem>>)
    %dma_wait3A = arith.constant 0 : i32
    %dma_wait3A_271 = arith.constant 0 : i32
    %dma_wait3A_272 = tpu.memref_slice %arg2[%dma_wait3A, %dma_wait3A_271] : memref<10000x128xf32, #tpu.memory_space<hbm>> -> memref<10000x128xf32, #tpu.memory_space<hbm>>
    tpu.wait_indirect_dma semaphore(%arg19 : memref<!tpu.dma_semaphore, #tpu.memory_space<semaphore_mem>>) src(%dma_wait3A_272 : memref<10000x128xf32, #tpu.memory_space<hbm>>) dst(%arg13 : memref<80x128xf32, #tpu.memory_space<vmem>>)
    %dma_start3A_273 = arith.constant 0 : i32
    %dma_start3A_274 = arith.constant 0 : i32
    %dma_start3A_275 = tpu.memref_slice %arg17[%dma_start3A_273, %dma_start3A_274] : memref<10240x128xf32, #tpu.memory_space<vmem_shared>> -> memref<10240x128xf32, #tpu.memory_space<vmem_shared>>
    tpu.enqueue_indirect_dma source(%arg13 : memref<80x128xf32, #tpu.memory_space<vmem>>) target(%dma_start3A_275 : memref<10240x128xf32, #tpu.memory_space<vmem_shared>>) offsets(%arg7 : memref<80xi32, #tpu.memory_space<vmem>>) semaphore(%arg22 : memref<!tpu.dma_semaphore, #tpu.memory_space<semaphore_mem>>) {add = true}
    %dma_start3A_276 = arith.constant 0 : i32
    %dma_start3A_277 = tpu.memref_slice %arg18[%dma_start3A_276] : memref<10240xf32, #tpu.memory_space<vmem_shared>> -> memref<10240xf32, #tpu.memory_space<vmem_shared>>
    tpu.enqueue_indirect_dma source(%arg16 : memref<80xf32, #tpu.memory_space<vmem>>) target(%dma_start3A_277 : memref<10240xf32, #tpu.memory_space<vmem_shared>>) offsets(%arg7 : memref<80xi32, #tpu.memory_space<vmem>>) semaphore(%arg25 : memref<!tpu.dma_semaphore, #tpu.memory_space<semaphore_mem>>) {add = true}
    %get3A_278 = arith.constant 160 : index
    %get3A_279 = tpu.vector_load %arg6[%get3A_278] {strides = array<i32>} : memref<10000xi32, #tpu.memory_space<vmem>>, vector<16xi32>,
    %get3A_280 = vector.shape_cast %get3A_279 : vector<16xi32> to vector<16xi32>
    %and3A_281 = arith.constant 16383 : i32
    %and3A_282 = vector.broadcast %and3A_281 : i32 to vector<16xi32>
    %and3A_283 = arith.andi %get3A_280, %and3A_282 : vector<16xi32>
    %shift_right_logical3A_284 = arith.constant 14 : i32
    %shift_right_logical3A_285 = vector.broadcast %shift_right_logical3A_284 : i32 to vector<16xi32>
    %shift_right_logical3A_286 = arith.shrui %get3A_280, %shift_right_logical3A_285 : vector<16xi32>
    %swap3A_287 = arith.constant 0 : index
    %swap3A_288 = tpu.vector_load %arg12[%swap3A_287] {strides = array<i32>} : memref<80xi32, #tpu.memory_space<vmem>>, vector<16xi32>,
    %swap3A_289 = vector.shape_cast %swap3A_288 : vector<16xi32> to vector<16xi32>
    %swap3A_290 = vector.shape_cast %and3A_283 : vector<16xi32> to vector<16xi32>
    tpu.vector_store %arg12[%swap3A_287], %swap3A_290 {strides = array<i32>} : memref<80xi32, #tpu.memory_space<vmem>>, vector<16xi32>,
    %eq3A_291 = arith.cmpi eq, %shift_right_logical3A_286, %and3A_283 : vector<16xi32>
    %jit3A_292 = arith.constant 10000 : i32
    %broadcast_in_dim3A_293 = vector.broadcast %jit3A_292 : i32 to vector<16xi32>
    %select_n3A_294 = arith.select %eq3A_291, %broadcast_in_dim3A_293, %shift_right_logical3A_286 : vector<16xi1>, vector<16xi32>
    %swap3A_295 = arith.constant 0 : index
    %swap3A_296 = tpu.vector_load %arg9[%swap3A_295] {strides = array<i32>} : memref<80xi32, #tpu.memory_space<vmem>>, vector<16xi32>,
    %swap3A_297 = vector.shape_cast %swap3A_296 : vector<16xi32> to vector<16xi32>
    %swap3A_298 = vector.shape_cast %select_n3A_294 : vector<16xi32> to vector<16xi32>
    tpu.vector_store %arg9[%swap3A_295], %swap3A_298 {strides = array<i32>} : memref<80xi32, #tpu.memory_space<vmem>>, vector<16xi32>,
    %get3A_299 = arith.constant 176 : index
    %get3A_300 = tpu.vector_load %arg6[%get3A_299] {strides = array<i32>} : memref<10000xi32, #tpu.memory_space<vmem>>, vector<16xi32>,
    %get3A_301 = vector.shape_cast %get3A_300 : vector<16xi32> to vector<16xi32>
    %and3A_302 = arith.constant 16383 : i32
    %and3A_303 = vector.broadcast %and3A_302 : i32 to vector<16xi32>
    %and3A_304 = arith.andi %get3A_301, %and3A_303 : vector<16xi32>
    %shift_right_logical3A_305 = arith.constant 14 : i32
    %shift_right_logical3A_306 = vector.broadcast %shift_right_logical3A_305 : i32 to vector<16xi32>
    %shift_right_logical3A_307 = arith.shrui %get3A_301, %shift_right_logical3A_306 : vector<16xi32>
    %swap3A_308 = arith.constant 16 : index
    %swap3A_309 = tpu.vector_load %arg12[%swap3A_308] {strides = array<i32>} : memref<80xi32, #tpu.memory_space<vmem>>, vector<16xi32>,
    %swap3A_310 = vector.shape_cast %swap3A_309 : vector<16xi32> to vector<16xi32>
    %swap3A_311 = vector.shape_cast %and3A_304 : vector<16xi32> to vector<16xi32>
    tpu.vector_store %arg12[%swap3A_308], %swap3A_311 {strides = array<i32>} : memref<80xi32, #tpu.memory_space<vmem>>, vector<16xi32>,
    %eq3A_312 = arith.cmpi eq, %shift_right_logical3A_307, %and3A_304 : vector<16xi32>
    %jit3A_313 = arith.constant 10000 : i32
    %broadcast_in_dim3A_314 = vector.broadcast %jit3A_313 : i32 to vector<16xi32>
    %select_n3A_315 = arith.select %eq3A_312, %broadcast_in_dim3A_314, %shift_right_logical3A_307 : vector<16xi1>, vector<16xi32>
    %swap3A_316 = arith.constant 16 : index
    %swap3A_317 = tpu.vector_load %arg9[%swap3A_316] {strides = array<i32>} : memref<80xi32, #tpu.memory_space<vmem>>, vector<16xi32>,
    %swap3A_318 = vector.shape_cast %swap3A_317 : vector<16xi32> to vector<16xi32>
    %swap3A_319 = vector.shape_cast %select_n3A_315 : vector<16xi32> to vector<16xi32>
    tpu.vector_store %arg9[%swap3A_316], %swap3A_319 {strides = array<i32>} : memref<80xi32, #tpu.memory_space<vmem>>, vector<16xi32>,
    %get3A_320 = arith.constant 192 : index
    %get3A_321 = tpu.vector_load %arg6[%get3A_320] {strides = array<i32>} : memref<10000xi32, #tpu.memory_space<vmem>>, vector<16xi32>,
    %get3A_322 = vector.shape_cast %get3A_321 : vector<16xi32> to vector<16xi32>
    %and3A_323 = arith.constant 16383 : i32
    %and3A_324 = vector.broadcast %and3A_323 : i32 to vector<16xi32>
    %and3A_325 = arith.andi %get3A_322, %and3A_324 : vector<16xi32>
    %shift_right_logical3A_326 = arith.constant 14 : i32
    %shift_right_logical3A_327 = vector.broadcast %shift_right_logical3A_326 : i32 to vector<16xi32>
    %shift_right_logical3A_328 = arith.shrui %get3A_322, %shift_right_logical3A_327 : vector<16xi32>
    %swap3A_329 = arith.constant 32 : index
    %swap3A_330 = tpu.vector_load %arg12[%swap3A_329] {strides = array<i32>} : memref<80xi32, #tpu.memory_space<vmem>>, vector<16xi32>,
    %swap3A_331 = vector.shape_cast %swap3A_330 : vector<16xi32> to vector<16xi32>
    %swap3A_332 = vector.shape_cast %and3A_325 : vector<16xi32> to vector<16xi32>
    tpu.vector_store %arg12[%swap3A_329], %swap3A_332 {strides = array<i32>} : memref<80xi32, #tpu.memory_space<vmem>>, vector<16xi32>,
    %eq3A_333 = arith.cmpi eq, %shift_right_logical3A_328, %and3A_325 : vector<16xi32>
    %jit3A_334 = arith.constant 10000 : i32
    %broadcast_in_dim3A_335 = vector.broadcast %jit3A_334 : i32 to vector<16xi32>
    %select_n3A_336 = arith.select %eq3A_333, %broadcast_in_dim3A_335, %shift_right_logical3A_328 : vector<16xi1>, vector<16xi32>
    %swap3A_337 = arith.constant 32 : index
    %swap3A_338 = tpu.vector_load %arg9[%swap3A_337] {strides = array<i32>} : memref<80xi32, #tpu.memory_space<vmem>>, vector<16xi32>,
    %swap3A_339 = vector.shape_cast %swap3A_338 : vector<16xi32> to vector<16xi32>
    %swap3A_340 = vector.shape_cast %select_n3A_336 : vector<16xi32> to vector<16xi32>
    tpu.vector_store %arg9[%swap3A_337], %swap3A_340 {strides = array<i32>} : memref<80xi32, #tpu.memory_space<vmem>>, vector<16xi32>,
    %get3A_341 = arith.constant 208 : index
    %get3A_342 = tpu.vector_load %arg6[%get3A_341] {strides = array<i32>} : memref<10000xi32, #tpu.memory_space<vmem>>, vector<16xi32>,
    %get3A_343 = vector.shape_cast %get3A_342 : vector<16xi32> to vector<16xi32>
    %and3A_344 = arith.constant 16383 : i32
    %and3A_345 = vector.broadcast %and3A_344 : i32 to vector<16xi32>
    %and3A_346 = arith.andi %get3A_343, %and3A_345 : vector<16xi32>
    %shift_right_logical3A_347 = arith.constant 14 : i32
    %shift_right_logical3A_348 = vector.broadcast %shift_right_logical3A_347 : i32 to vector<16xi32>
    %shift_right_logical3A_349 = arith.shrui %get3A_343, %shift_right_logical3A_348 : vector<16xi32>
    %swap3A_350 = arith.constant 48 : index
    %swap3A_351 = tpu.vector_load %arg12[%swap3A_350] {strides = array<i32>} : memref<80xi32, #tpu.memory_space<vmem>>, vector<16xi32>,
    %swap3A_352 = vector.shape_cast %swap3A_351 : vector<16xi32> to vector<16xi32>
    %swap3A_353 = vector.shape_cast %and3A_346 : vector<16xi32> to vector<16xi32>
    tpu.vector_store %arg12[%swap3A_350], %swap3A_353 {strides = array<i32>} : memref<80xi32, #tpu.memory_space<vmem>>, vector<16xi32>,
    %eq3A_354 = arith.cmpi eq, %shift_right_logical3A_349, %and3A_346 : vector<16xi32>
    %jit3A_355 = arith.constant 10000 : i32
    %broadcast_in_dim3A_356 = vector.broadcast %jit3A_355 : i32 to vector<16xi32>
    %select_n3A_357 = arith.select %eq3A_354, %broadcast_in_dim3A_356, %shift_right_logical3A_349 : vector<16xi1>, vector<16xi32>
    %swap3A_358 = arith.constant 48 : index
    %swap3A_359 = tpu.vector_load %arg9[%swap3A_358] {strides = array<i32>} : memref<80xi32, #tpu.memory_space<vmem>>, vector<16xi32>,
    %swap3A_360 = vector.shape_cast %swap3A_359 : vector<16xi32> to vector<16xi32>
    %swap3A_361 = vector.shape_cast %select_n3A_357 : vector<16xi32> to vector<16xi32>
    tpu.vector_store %arg9[%swap3A_358], %swap3A_361 {strides = array<i32>} : memref<80xi32, #tpu.memory_space<vmem>>, vector<16xi32>,
    %get3A_362 = arith.constant 224 : index
    %get3A_363 = tpu.vector_load %arg6[%get3A_362] {strides = array<i32>} : memref<10000xi32, #tpu.memory_space<vmem>>, vector<16xi32>,
    %get3A_364 = vector.shape_cast %get3A_363 : vector<16xi32> to vector<16xi32>
    %and3A_365 = arith.constant 16383 : i32
    %and3A_366 = vector.broadcast %and3A_365 : i32 to vector<16xi32>
    %and3A_367 = arith.andi %get3A_364, %and3A_366 : vector<16xi32>
    %shift_right_logical3A_368 = arith.constant 14 : i32
    %shift_right_logical3A_369 = vector.broadcast %shift_right_logical3A_368 : i32 to vector<16xi32>
    %shift_right_logical3A_370 = arith.shrui %get3A_364, %shift_right_logical3A_369 : vector<16xi32>
    %swap3A_371 = arith.constant 64 : index
    %swap3A_372 = tpu.vector_load %arg12[%swap3A_371] {strides = array<i32>} : memref<80xi32, #tpu.memory_space<vmem>>, vector<16xi32>,
    %swap3A_373 = vector.shape_cast %swap3A_372 : vector<16xi32> to vector<16xi32>
    %swap3A_374 = vector.shape_cast %and3A_367 : vector<16xi32> to vector<16xi32>
    tpu.vector_store %arg12[%swap3A_371], %swap3A_374 {strides = array<i32>} : memref<80xi32, #tpu.memory_space<vmem>>, vector<16xi32>,
    %eq3A_375 = arith.cmpi eq, %shift_right_logical3A_370, %and3A_367 : vector<16xi32>
    %jit3A_376 = arith.constant 10000 : i32
    %broadcast_in_dim3A_377 = vector.broadcast %jit3A_376 : i32 to vector<16xi32>
    %select_n3A_378 = arith.select %eq3A_375, %broadcast_in_dim3A_377, %shift_right_logical3A_370 : vector<16xi1>, vector<16xi32>
    %swap3A_379 = arith.constant 64 : index
    %swap3A_380 = tpu.vector_load %arg9[%swap3A_379] {strides = array<i32>} : memref<80xi32, #tpu.memory_space<vmem>>, vector<16xi32>,
    %swap3A_381 = vector.shape_cast %swap3A_380 : vector<16xi32> to vector<16xi32>
    %swap3A_382 = vector.shape_cast %select_n3A_378 : vector<16xi32> to vector<16xi32>
    tpu.vector_store %arg9[%swap3A_379], %swap3A_382 {strides = array<i32>} : memref<80xi32, #tpu.memory_space<vmem>>, vector<16xi32>,
    %dma_start3A_383 = arith.constant 0 : i32
    %dma_start3A_384 = arith.constant 0 : i32
    %dma_start3A_385 = tpu.memref_slice %arg2[%dma_start3A_383, %dma_start3A_384] : memref<10000x128xf32, #tpu.memory_space<hbm>> -> memref<10000x128xf32, #tpu.memory_space<hbm>>
    tpu.enqueue_indirect_dma source(%dma_start3A_385 : memref<10000x128xf32, #tpu.memory_space<hbm>>) target(%arg15 : memref<80x128xf32, #tpu.memory_space<vmem>>) offsets(%arg12 : memref<80xi32, #tpu.memory_space<vmem>>) semaphore(%arg21 : memref<!tpu.dma_semaphore, #tpu.memory_space<semaphore_mem>>)
    %dma_wait3A_386 = arith.constant 0 : i32
    %dma_wait3A_387 = arith.constant 0 : i32
    %dma_wait3A_388 = tpu.memref_slice %arg2[%dma_wait3A_386, %dma_wait3A_387] : memref<10000x128xf32, #tpu.memory_space<hbm>> -> memref<10000x128xf32, #tpu.memory_space<hbm>>
    tpu.wait_indirect_dma semaphore(%arg20 : memref<!tpu.dma_semaphore, #tpu.memory_space<semaphore_mem>>) src(%dma_wait3A_388 : memref<10000x128xf32, #tpu.memory_space<hbm>>) dst(%arg14 : memref<80x128xf32, #tpu.memory_space<vmem>>)
    %dma_start3A_389 = arith.constant 0 : i32
    %dma_start3A_390 = arith.constant 0 : i32
    %dma_start3A_391 = tpu.memref_slice %arg17[%dma_start3A_389, %dma_start3A_390] : memref<10240x128xf32, #tpu.memory_space<vmem_shared>> -> memref<10240x128xf32, #tpu.memory_space<vmem_shared>>
    tpu.enqueue_indirect_dma source(%arg14 : memref<80x128xf32, #tpu.memory_space<vmem>>) target(%dma_start3A_391 : memref<10240x128xf32, #tpu.memory_space<vmem_shared>>) offsets(%arg8 : memref<80xi32, #tpu.memory_space<vmem>>) semaphore(%arg23 : memref<!tpu.dma_semaphore, #tpu.memory_space<semaphore_mem>>) {add = true}
    %dma_start3A_392 = arith.constant 0 : i32
    %dma_start3A_393 = tpu.memref_slice %arg18[%dma_start3A_392] : memref<10240xf32, #tpu.memory_space<vmem_shared>> -> memref<10240xf32, #tpu.memory_space<vmem_shared>>
    tpu.enqueue_indirect_dma source(%arg16 : memref<80xf32, #tpu.memory_space<vmem>>) target(%dma_start3A_393 : memref<10240xf32, #tpu.memory_space<vmem_shared>>) offsets(%arg8 : memref<80xi32, #tpu.memory_space<vmem>>) semaphore(%arg26 : memref<!tpu.dma_semaphore, #tpu.memory_space<semaphore_mem>>) {add = true}
    %scan3A_394 = arith.constant 0 : i32
    %scan3A_395 = arith.constant 0 : i32
    %scan3A_396 = arith.constant 40 : i32
    %scan3A_397 = arith.addi %scan3A_395, %scan3A_396 : i32
    %scan3A_398 = arith.constant 1 : i32
    scf.for %scan3A_666 = %scan3A_395 to %scan3A_397 step %scan3A_398  : i32 {
      %mul3A_667 = arith.constant 3 : i32
      %mul3A_668 = arith.muli %mul3A_667, %scan3A_666 : i32
      %add3A_669 = arith.constant 2 : i32
      %add3A_670 = arith.addi %mul3A_668, %add3A_669 : i32
      %dma_wait3A_671 = arith.constant 0 : i32
      %dma_wait3A_672 = arith.constant 0 : i32
      %dma_wait3A_673 = tpu.memref_slice %arg17[%dma_wait3A_671, %dma_wait3A_672] : memref<10240x128xf32, #tpu.memory_space<vmem_shared>> -> memref<10240x128xf32, #tpu.memory_space<vmem_shared>>
      tpu.wait_indirect_dma semaphore(%arg22 : memref<!tpu.dma_semaphore, #tpu.memory_space<semaphore_mem>>) src(%arg13 : memref<80x128xf32, #tpu.memory_space<vmem>>) dst(%dma_wait3A_673 : memref<10240x128xf32, #tpu.memory_space<vmem_shared>>)
      %dma_wait3A_674 = arith.constant 0 : i32
      %dma_wait3A_675 = tpu.memref_slice %arg18[%dma_wait3A_674] : memref<10240xf32, #tpu.memory_space<vmem_shared>> -> memref<10240xf32, #tpu.memory_space<vmem_shared>>
      tpu.wait_indirect_dma semaphore(%arg25 : memref<!tpu.dma_semaphore, #tpu.memory_space<semaphore_mem>>) src(%arg16 : memref<80xf32, #tpu.memory_space<vmem>>) dst(%dma_wait3A_675 : memref<10240xf32, #tpu.memory_space<vmem_shared>>)
      %add3A_676 = arith.constant 1 : i32
      %add3A_677 = arith.addi %add3A_670, %add3A_676 : i32
      %mul3A_678 = arith.constant 80 : i32
      %mul3A_679 = arith.muli %add3A_677, %mul3A_678 : i32
      %add3A_680 = arith.constant 0 : i32
      %add3A_681 = arith.addi %mul3A_679, %add3A_680 : i32
      %get3A_682 = arith.index_cast %add3A_681 : i32 to index
      %get3A_683 = tpu.vector_load %arg6[%get3A_682] {strides = array<i32>} : memref<10000xi32, #tpu.memory_space<vmem>>, vector<16xi32>,
      %get3A_684 = vector.shape_cast %get3A_683 : vector<16xi32> to vector<16xi32>
      %and3A_685 = arith.constant 16383 : i32
      %and3A_686 = vector.broadcast %and3A_685 : i32 to vector<16xi32>
      %and3A_687 = arith.andi %get3A_684, %and3A_686 : vector<16xi32>
      %shift_right_logical3A_688 = arith.constant 14 : i32
      %shift_right_logical3A_689 = vector.broadcast %shift_right_logical3A_688 : i32 to vector<16xi32>
      %shift_right_logical3A_690 = arith.shrui %get3A_684, %shift_right_logical3A_689 : vector<16xi32>
      %swap3A_691 = arith.constant 0 : index
      %swap3A_692 = tpu.vector_load %arg10[%swap3A_691] {strides = array<i32>} : memref<80xi32, #tpu.memory_space<vmem>>, vector<16xi32>,
      %swap3A_693 = vector.shape_cast %swap3A_692 : vector<16xi32> to vector<16xi32>
      %swap3A_694 = vector.shape_cast %and3A_687 : vector<16xi32> to vector<16xi32>
      tpu.vector_store %arg10[%swap3A_691], %swap3A_694 {strides = array<i32>} : memref<80xi32, #tpu.memory_space<vmem>>, vector<16xi32>,
      %eq3A_695 = arith.cmpi eq, %shift_right_logical3A_690, %and3A_687 : vector<16xi32>
      %jit3A_696 = arith.constant 10000 : i32
      %broadcast_in_dim3A_697 = vector.broadcast %jit3A_696 : i32 to vector<16xi32>
      %select_n3A_698 = arith.select %eq3A_695, %broadcast_in_dim3A_697, %shift_right_logical3A_690 : vector<16xi1>, vector<16xi32>
      %swap3A_699 = arith.constant 0 : index
      %swap3A_700 = tpu.vector_load %arg7[%swap3A_699] {strides = array<i32>} : memref<80xi32, #tpu.memory_space<vmem>>, vector<16xi32>,
      %swap3A_701 = vector.shape_cast %swap3A_700 : vector<16xi32> to vector<16xi32>
      %swap3A_702 = vector.shape_cast %select_n3A_698 : vector<16xi32> to vector<16xi32>
      tpu.vector_store %arg7[%swap3A_699], %swap3A_702 {strides = array<i32>} : memref<80xi32, #tpu.memory_space<vmem>>, vector<16xi32>,
      %add3A_703 = arith.constant 16 : i32
      %add3A_704 = arith.addi %mul3A_679, %add3A_703 : i32
      %get3A_705 = arith.index_cast %add3A_704 : i32 to index
      %get3A_706 = tpu.vector_load %arg6[%get3A_705] {strides = array<i32>} : memref<10000xi32, #tpu.memory_space<vmem>>, vector<16xi32>,
      %get3A_707 = vector.shape_cast %get3A_706 : vector<16xi32> to vector<16xi32>
      %and3A_708 = arith.constant 16383 : i32
      %and3A_709 = vector.broadcast %and3A_708 : i32 to vector<16xi32>
      %and3A_710 = arith.andi %get3A_707, %and3A_709 : vector<16xi32>
      %shift_right_logical3A_711 = arith.constant 14 : i32
      %shift_right_logical3A_712 = vector.broadcast %shift_right_logical3A_711 : i32 to vector<16xi32>
      %shift_right_logical3A_713 = arith.shrui %get3A_707, %shift_right_logical3A_712 : vector<16xi32>
      %swap3A_714 = arith.constant 16 : index
      %swap3A_715 = tpu.vector_load %arg10[%swap3A_714] {strides = array<i32>} : memref<80xi32, #tpu.memory_space<vmem>>, vector<16xi32>,
      %swap3A_716 = vector.shape_cast %swap3A_715 : vector<16xi32> to vector<16xi32>
      %swap3A_717 = vector.shape_cast %and3A_710 : vector<16xi32> to vector<16xi32>
      tpu.vector_store %arg10[%swap3A_714], %swap3A_717 {strides = array<i32>} : memref<80xi32, #tpu.memory_space<vmem>>, vector<16xi32>,
      %eq3A_718 = arith.cmpi eq, %shift_right_logical3A_713, %and3A_710 : vector<16xi32>
      %jit3A_719 = arith.constant 10000 : i32
      %broadcast_in_dim3A_720 = vector.broadcast %jit3A_719 : i32 to vector<16xi32>
      %select_n3A_721 = arith.select %eq3A_718, %broadcast_in_dim3A_720, %shift_right_logical3A_713 : vector<16xi1>, vector<16xi32>
      %swap3A_722 = arith.constant 16 : index
      %swap3A_723 = tpu.vector_load %arg7[%swap3A_722] {strides = array<i32>} : memref<80xi32, #tpu.memory_space<vmem>>, vector<16xi32>,
      %swap3A_724 = vector.shape_cast %swap3A_723 : vector<16xi32> to vector<16xi32>
      %swap3A_725 = vector.shape_cast %select_n3A_721 : vector<16xi32> to vector<16xi32>
      tpu.vector_store %arg7[%swap3A_722], %swap3A_725 {strides = array<i32>} : memref<80xi32, #tpu.memory_space<vmem>>, vector<16xi32>,
      %add3A_726 = arith.constant 32 : i32
      %add3A_727 = arith.addi %mul3A_679, %add3A_726 : i32
      %get3A_728 = arith.index_cast %add3A_727 : i32 to index
      %get3A_729 = tpu.vector_load %arg6[%get3A_728] {strides = array<i32>} : memref<10000xi32, #tpu.memory_space<vmem>>, vector<16xi32>,
      %get3A_730 = vector.shape_cast %get3A_729 : vector<16xi32> to vector<16xi32>
      %and3A_731 = arith.constant 16383 : i32
      %and3A_732 = vector.broadcast %and3A_731 : i32 to vector<16xi32>
      %and3A_733 = arith.andi %get3A_730, %and3A_732 : vector<16xi32>
      %shift_right_logical3A_734 = arith.constant 14 : i32
      %shift_right_logical3A_735 = vector.broadcast %shift_right_logical3A_734 : i32 to vector<16xi32>
      %shift_right_logical3A_736 = arith.shrui %get3A_730, %shift_right_logical3A_735 : vector<16xi32>
      %swap3A_737 = arith.constant 32 : index
      %swap3A_738 = tpu.vector_load %arg10[%swap3A_737] {strides = array<i32>} : memref<80xi32, #tpu.memory_space<vmem>>, vector<16xi32>,
      %swap3A_739 = vector.shape_cast %swap3A_738 : vector<16xi32> to vector<16xi32>
      %swap3A_740 = vector.shape_cast %and3A_733 : vector<16xi32> to vector<16xi32>
      tpu.vector_store %arg10[%swap3A_737], %swap3A_740 {strides = array<i32>} : memref<80xi32, #tpu.memory_space<vmem>>, vector<16xi32>,
      %eq3A_741 = arith.cmpi eq, %shift_right_logical3A_736, %and3A_733 : vector<16xi32>
      %jit3A_742 = arith.constant 10000 : i32
      %broadcast_in_dim3A_743 = vector.broadcast %jit3A_742 : i32 to vector<16xi32>
      %select_n3A_744 = arith.select %eq3A_741, %broadcast_in_dim3A_743, %shift_right_logical3A_736 : vector<16xi1>, vector<16xi32>
      %swap3A_745 = arith.constant 32 : index
      %swap3A_746 = tpu.vector_load %arg7[%swap3A_745] {strides = array<i32>} : memref<80xi32, #tpu.memory_space<vmem>>, vector<16xi32>,
      %swap3A_747 = vector.shape_cast %swap3A_746 : vector<16xi32> to vector<16xi32>
      %swap3A_748 = vector.shape_cast %select_n3A_744 : vector<16xi32> to vector<16xi32>
      tpu.vector_store %arg7[%swap3A_745], %swap3A_748 {strides = array<i32>} : memref<80xi32, #tpu.memory_space<vmem>>, vector<16xi32>,
      %add3A_749 = arith.constant 48 : i32
      %add3A_750 = arith.addi %mul3A_679, %add3A_749 : i32
      %get3A_751 = arith.index_cast %add3A_750 : i32 to index
      %get3A_752 = tpu.vector_load %arg6[%get3A_751] {strides = array<i32>} : memref<10000xi32, #tpu.memory_space<vmem>>, vector<16xi32>,
      %get3A_753 = vector.shape_cast %get3A_752 : vector<16xi32> to vector<16xi32>
      %and3A_754 = arith.constant 16383 : i32
      %and3A_755 = vector.broadcast %and3A_754 : i32 to vector<16xi32>
      %and3A_756 = arith.andi %get3A_753, %and3A_755 : vector<16xi32>
      %shift_right_logical3A_757 = arith.constant 14 : i32
      %shift_right_logical3A_758 = vector.broadcast %shift_right_logical3A_757 : i32 to vector<16xi32>
      %shift_right_logical3A_759 = arith.shrui %get3A_753, %shift_right_logical3A_758 : vector<16xi32>
      %swap3A_760 = arith.constant 48 : index
      %swap3A_761 = tpu.vector_load %arg10[%swap3A_760] {strides = array<i32>} : memref<80xi32, #tpu.memory_space<vmem>>, vector<16xi32>,
      %swap3A_762 = vector.shape_cast %swap3A_761 : vector<16xi32> to vector<16xi32>
      %swap3A_763 = vector.shape_cast %and3A_756 : vector<16xi32> to vector<16xi32>
      tpu.vector_store %arg10[%swap3A_760], %swap3A_763 {strides = array<i32>} : memref<80xi32, #tpu.memory_space<vmem>>, vector<16xi32>,
      %eq3A_764 = arith.cmpi eq, %shift_right_logical3A_759, %and3A_756 : vector<16xi32>
      %jit3A_765 = arith.constant 10000 : i32
      %broadcast_in_dim3A_766 = vector.broadcast %jit3A_765 : i32 to vector<16xi32>
      %select_n3A_767 = arith.select %eq3A_764, %broadcast_in_dim3A_766, %shift_right_logical3A_759 : vector<16xi1>, vector<16xi32>
      %swap3A_768 = arith.constant 48 : index
      %swap3A_769 = tpu.vector_load %arg7[%swap3A_768] {strides = array<i32>} : memref<80xi32, #tpu.memory_space<vmem>>, vector<16xi32>,
      %swap3A_770 = vector.shape_cast %swap3A_769 : vector<16xi32> to vector<16xi32>
      %swap3A_771 = vector.shape_cast %select_n3A_767 : vector<16xi32> to vector<16xi32>
      tpu.vector_store %arg7[%swap3A_768], %swap3A_771 {strides = array<i32>} : memref<80xi32, #tpu.memory_space<vmem>>, vector<16xi32>,
      %add3A_772 = arith.constant 64 : i32
      %add3A_773 = arith.addi %mul3A_679, %add3A_772 : i32
      %get3A_774 = arith.index_cast %add3A_773 : i32 to index
      %get3A_775 = tpu.vector_load %arg6[%get3A_774] {strides = array<i32>} : memref<10000xi32, #tpu.memory_space<vmem>>, vector<16xi32>,
      %get3A_776 = vector.shape_cast %get3A_775 : vector<16xi32> to vector<16xi32>
      %and3A_777 = arith.constant 16383 : i32
      %and3A_778 = vector.broadcast %and3A_777 : i32 to vector<16xi32>
      %and3A_779 = arith.andi %get3A_776, %and3A_778 : vector<16xi32>
      %shift_right_logical3A_780 = arith.constant 14 : i32
      %shift_right_logical3A_781 = vector.broadcast %shift_right_logical3A_780 : i32 to vector<16xi32>
      %shift_right_logical3A_782 = arith.shrui %get3A_776, %shift_right_logical3A_781 : vector<16xi32>
      %swap3A_783 = arith.constant 64 : index
      %swap3A_784 = tpu.vector_load %arg10[%swap3A_783] {strides = array<i32>} : memref<80xi32, #tpu.memory_space<vmem>>, vector<16xi32>,
      %swap3A_785 = vector.shape_cast %swap3A_784 : vector<16xi32> to vector<16xi32>
      %swap3A_786 = vector.shape_cast %and3A_779 : vector<16xi32> to vector<16xi32>
      tpu.vector_store %arg10[%swap3A_783], %swap3A_786 {strides = array<i32>} : memref<80xi32, #tpu.memory_space<vmem>>, vector<16xi32>,
      %eq3A_787 = arith.cmpi eq, %shift_right_logical3A_782, %and3A_779 : vector<16xi32>
      %jit3A_788 = arith.constant 10000 : i32
      %broadcast_in_dim3A_789 = vector.broadcast %jit3A_788 : i32 to vector<16xi32>
      %select_n3A_790 = arith.select %eq3A_787, %broadcast_in_dim3A_789, %shift_right_logical3A_782 : vector<16xi1>, vector<16xi32>
      %swap3A_791 = arith.constant 64 : index
      %swap3A_792 = tpu.vector_load %arg7[%swap3A_791] {strides = array<i32>} : memref<80xi32, #tpu.memory_space<vmem>>, vector<16xi32>,
      %swap3A_793 = vector.shape_cast %swap3A_792 : vector<16xi32> to vector<16xi32>
      %swap3A_794 = vector.shape_cast %select_n3A_790 : vector<16xi32> to vector<16xi32>
      tpu.vector_store %arg7[%swap3A_791], %swap3A_794 {strides = array<i32>} : memref<80xi32, #tpu.memory_space<vmem>>, vector<16xi32>,
      %dma_start3A_795 = arith.constant 0 : i32
      %dma_start3A_796 = arith.constant 0 : i32
      %dma_start3A_797 = tpu.memref_slice %arg2[%dma_start3A_795, %dma_start3A_796] : memref<10000x128xf32, #tpu.memory_space<hbm>> -> memref<10000x128xf32, #tpu.memory_space<hbm>>
      tpu.enqueue_indirect_dma source(%dma_start3A_797 : memref<10000x128xf32, #tpu.memory_space<hbm>>) target(%arg13 : memref<80x128xf32, #tpu.memory_space<vmem>>) offsets(%arg10 : memref<80xi32, #tpu.memory_space<vmem>>) semaphore(%arg19 : memref<!tpu.dma_semaphore, #tpu.memory_space<semaphore_mem>>)
      %dma_wait3A_798 = arith.constant 0 : i32
      %dma_wait3A_799 = arith.constant 0 : i32
      %dma_wait3A_800 = tpu.memref_slice %arg2[%dma_wait3A_798, %dma_wait3A_799] : memref<10000x128xf32, #tpu.memory_space<hbm>> -> memref<10000x128xf32, #tpu.memory_space<hbm>>
      tpu.wait_indirect_dma semaphore(%arg21 : memref<!tpu.dma_semaphore, #tpu.memory_space<semaphore_mem>>) src(%dma_wait3A_800 : memref<10000x128xf32, #tpu.memory_space<hbm>>) dst(%arg15 : memref<80x128xf32, #tpu.memory_space<vmem>>)
      %dma_start3A_801 = arith.constant 0 : i32
      %dma_start3A_802 = arith.constant 0 : i32
      %dma_start3A_803 = tpu.memref_slice %arg17[%dma_start3A_801, %dma_start3A_802] : memref<10240x128xf32, #tpu.memory_space<vmem_shared>> -> memref<10240x128xf32, #tpu.memory_space<vmem_shared>>
      tpu.enqueue_indirect_dma source(%arg15 : memref<80x128xf32, #tpu.memory_space<vmem>>) target(%dma_start3A_803 : memref<10240x128xf32, #tpu.memory_space<vmem_shared>>) offsets(%arg9 : memref<80xi32, #tpu.memory_space<vmem>>) semaphore(%arg24 : memref<!tpu.dma_semaphore, #tpu.memory_space<semaphore_mem>>) {add = true}
      %dma_start3A_804 = arith.constant 0 : i32
      %dma_start3A_805 = tpu.memref_slice %arg18[%dma_start3A_804] : memref<10240xf32, #tpu.memory_space<vmem_shared>> -> memref<10240xf32, #tpu.memory_space<vmem_shared>>
      tpu.enqueue_indirect_dma source(%arg16 : memref<80xf32, #tpu.memory_space<vmem>>) target(%dma_start3A_805 : memref<10240xf32, #tpu.memory_space<vmem_shared>>) offsets(%arg9 : memref<80xi32, #tpu.memory_space<vmem>>) semaphore(%arg27 : memref<!tpu.dma_semaphore, #tpu.memory_space<semaphore_mem>>) {add = true}
      %add3A_806 = arith.constant 1 : i32
      %add3A_807 = arith.addi %add3A_670, %add3A_806 : i32
      %dma_wait3A_808 = arith.constant 0 : i32
      %dma_wait3A_809 = arith.constant 0 : i32
      %dma_wait3A_810 = tpu.memref_slice %arg17[%dma_wait3A_808, %dma_wait3A_809] : memref<10240x128xf32, #tpu.memory_space<vmem_shared>> -> memref<10240x128xf32, #tpu.memory_space<vmem_shared>>
      tpu.wait_indirect_dma semaphore(%arg23 : memref<!tpu.dma_semaphore, #tpu.memory_space<semaphore_mem>>) src(%arg14 : memref<80x128xf32, #tpu.memory_space<vmem>>) dst(%dma_wait3A_810 : memref<10240x128xf32, #tpu.memory_space<vmem_shared>>)
      %dma_wait3A_811 = arith.constant 0 : i32
      %dma_wait3A_812 = tpu.memref_slice %arg18[%dma_wait3A_811] : memref<10240xf32, #tpu.memory_space<vmem_shared>> -> memref<10240xf32, #tpu.memory_space<vmem_shared>>
      tpu.wait_indirect_dma semaphore(%arg26 : memref<!tpu.dma_semaphore, #tpu.memory_space<semaphore_mem>>) src(%arg16 : memref<80xf32, #tpu.memory_space<vmem>>) dst(%dma_wait3A_812 : memref<10240xf32, #tpu.memory_space<vmem_shared>>)
      %add3A_813 = arith.constant 1 : i32
      %add3A_814 = arith.addi %add3A_807, %add3A_813 : i32
      %mul3A_815 = arith.constant 80 : i32
      %mul3A_816 = arith.muli %add3A_814, %mul3A_815 : i32
      %add3A_817 = arith.constant 0 : i32
      %add3A_818 = arith.addi %mul3A_816, %add3A_817 : i32
      %get3A_819 = arith.index_cast %add3A_818 : i32 to index
      %get3A_820 = tpu.vector_load %arg6[%get3A_819] {strides = array<i32>} : memref<10000xi32, #tpu.memory_space<vmem>>, vector<16xi32>,
      %get3A_821 = vector.shape_cast %get3A_820 : vector<16xi32> to vector<16xi32>
      %and3A_822 = arith.constant 16383 : i32
      %and3A_823 = vector.broadcast %and3A_822 : i32 to vector<16xi32>
      %and3A_824 = arith.andi %get3A_821, %and3A_823 : vector<16xi32>
      %shift_right_logical3A_825 = arith.constant 14 : i32
      %shift_right_logical3A_826 = vector.broadcast %shift_right_logical3A_825 : i32 to vector<16xi32>
      %shift_right_logical3A_827 = arith.shrui %get3A_821, %shift_right_logical3A_826 : vector<16xi32>
      %swap3A_828 = arith.constant 0 : index
      %swap3A_829 = tpu.vector_load %arg11[%swap3A_828] {strides = array<i32>} : memref<80xi32, #tpu.memory_space<vmem>>, vector<16xi32>,
      %swap3A_830 = vector.shape_cast %swap3A_829 : vector<16xi32> to vector<16xi32>
      %swap3A_831 = vector.shape_cast %and3A_824 : vector<16xi32> to vector<16xi32>
      tpu.vector_store %arg11[%swap3A_828], %swap3A_831 {strides = array<i32>} : memref<80xi32, #tpu.memory_space<vmem>>, vector<16xi32>,
      %eq3A_832 = arith.cmpi eq, %shift_right_logical3A_827, %and3A_824 : vector<16xi32>
      %jit3A_833 = arith.constant 10000 : i32
      %broadcast_in_dim3A_834 = vector.broadcast %jit3A_833 : i32 to vector<16xi32>
      %select_n3A_835 = arith.select %eq3A_832, %broadcast_in_dim3A_834, %shift_right_logical3A_827 : vector<16xi1>, vector<16xi32>
      %swap3A_836 = arith.constant 0 : index
      %swap3A_837 = tpu.vector_load %arg8[%swap3A_836] {strides = array<i32>} : memref<80xi32, #tpu.memory_space<vmem>>, vector<16xi32>,
      %swap3A_838 = vector.shape_cast %swap3A_837 : vector<16xi32> to vector<16xi32>
      %swap3A_839 = vector.shape_cast %select_n3A_835 : vector<16xi32> to vector<16xi32>
      tpu.vector_store %arg8[%swap3A_836], %swap3A_839 {strides = array<i32>} : memref<80xi32, #tpu.memory_space<vmem>>, vector<16xi32>,
      %add3A_840 = arith.constant 16 : i32
      %add3A_841 = arith.addi %mul3A_816, %add3A_840 : i32
      %get3A_842 = arith.index_cast %add3A_841 : i32 to index
      %get3A_843 = tpu.vector_load %arg6[%get3A_842] {strides = array<i32>} : memref<10000xi32, #tpu.memory_space<vmem>>, vector<16xi32>,
      %get3A_844 = vector.shape_cast %get3A_843 : vector<16xi32> to vector<16xi32>
      %and3A_845 = arith.constant 16383 : i32
      %and3A_846 = vector.broadcast %and3A_845 : i32 to vector<16xi32>
      %and3A_847 = arith.andi %get3A_844, %and3A_846 : vector<16xi32>
      %shift_right_logical3A_848 = arith.constant 14 : i32
      %shift_right_logical3A_849 = vector.broadcast %shift_right_logical3A_848 : i32 to vector<16xi32>
      %shift_right_logical3A_850 = arith.shrui %get3A_844, %shift_right_logical3A_849 : vector<16xi32>
      %swap3A_851 = arith.constant 16 : index
      %swap3A_852 = tpu.vector_load %arg11[%swap3A_851] {strides = array<i32>} : memref<80xi32, #tpu.memory_space<vmem>>, vector<16xi32>,
      %swap3A_853 = vector.shape_cast %swap3A_852 : vector<16xi32> to vector<16xi32>
      %swap3A_854 = vector.shape_cast %and3A_847 : vector<16xi32> to vector<16xi32>
      tpu.vector_store %arg11[%swap3A_851], %swap3A_854 {strides = array<i32>} : memref<80xi32, #tpu.memory_space<vmem>>, vector<16xi32>,
      %eq3A_855 = arith.cmpi eq, %shift_right_logical3A_850, %and3A_847 : vector<16xi32>
      %jit3A_856 = arith.constant 10000 : i32
      %broadcast_in_dim3A_857 = vector.broadcast %jit3A_856 : i32 to vector<16xi32>
      %select_n3A_858 = arith.select %eq3A_855, %broadcast_in_dim3A_857, %shift_right_logical3A_850 : vector<16xi1>, vector<16xi32>
      %swap3A_859 = arith.constant 16 : index
      %swap3A_860 = tpu.vector_load %arg8[%swap3A_859] {strides = array<i32>} : memref<80xi32, #tpu.memory_space<vmem>>, vector<16xi32>,
      %swap3A_861 = vector.shape_cast %swap3A_860 : vector<16xi32> to vector<16xi32>
      %swap3A_862 = vector.shape_cast %select_n3A_858 : vector<16xi32> to vector<16xi32>
      tpu.vector_store %arg8[%swap3A_859], %swap3A_862 {strides = array<i32>} : memref<80xi32, #tpu.memory_space<vmem>>, vector<16xi32>,
      %add3A_863 = arith.constant 32 : i32
      %add3A_864 = arith.addi %mul3A_816, %add3A_863 : i32
      %get3A_865 = arith.index_cast %add3A_864 : i32 to index
      %get3A_866 = tpu.vector_load %arg6[%get3A_865] {strides = array<i32>} : memref<10000xi32, #tpu.memory_space<vmem>>, vector<16xi32>,
      %get3A_867 = vector.shape_cast %get3A_866 : vector<16xi32> to vector<16xi32>
      %and3A_868 = arith.constant 16383 : i32
      %and3A_869 = vector.broadcast %and3A_868 : i32 to vector<16xi32>
      %and3A_870 = arith.andi %get3A_867, %and3A_869 : vector<16xi32>
      %shift_right_logical3A_871 = arith.constant 14 : i32
      %shift_right_logical3A_872 = vector.broadcast %shift_right_logical3A_871 : i32 to vector<16xi32>
      %shift_right_logical3A_873 = arith.shrui %get3A_867, %shift_right_logical3A_872 : vector<16xi32>
      %swap3A_874 = arith.constant 32 : index
      %swap3A_875 = tpu.vector_load %arg11[%swap3A_874] {strides = array<i32>} : memref<80xi32, #tpu.memory_space<vmem>>, vector<16xi32>,
      %swap3A_876 = vector.shape_cast %swap3A_875 : vector<16xi32> to vector<16xi32>
      %swap3A_877 = vector.shape_cast %and3A_870 : vector<16xi32> to vector<16xi32>
      tpu.vector_store %arg11[%swap3A_874], %swap3A_877 {strides = array<i32>} : memref<80xi32, #tpu.memory_space<vmem>>, vector<16xi32>,
      %eq3A_878 = arith.cmpi eq, %shift_right_logical3A_873, %and3A_870 : vector<16xi32>
      %jit3A_879 = arith.constant 10000 : i32
      %broadcast_in_dim3A_880 = vector.broadcast %jit3A_879 : i32 to vector<16xi32>
      %select_n3A_881 = arith.select %eq3A_878, %broadcast_in_dim3A_880, %shift_right_logical3A_873 : vector<16xi1>, vector<16xi32>
      %swap3A_882 = arith.constant 32 : index
      %swap3A_883 = tpu.vector_load %arg8[%swap3A_882] {strides = array<i32>} : memref<80xi32, #tpu.memory_space<vmem>>, vector<16xi32>,
      %swap3A_884 = vector.shape_cast %swap3A_883 : vector<16xi32> to vector<16xi32>
      %swap3A_885 = vector.shape_cast %select_n3A_881 : vector<16xi32> to vector<16xi32>
      tpu.vector_store %arg8[%swap3A_882], %swap3A_885 {strides = array<i32>} : memref<80xi32, #tpu.memory_space<vmem>>, vector<16xi32>,
      %add3A_886 = arith.constant 48 : i32
      %add3A_887 = arith.addi %mul3A_816, %add3A_886 : i32
      %get3A_888 = arith.index_cast %add3A_887 : i32 to index
      %get3A_889 = tpu.vector_load %arg6[%get3A_888] {strides = array<i32>} : memref<10000xi32, #tpu.memory_space<vmem>>, vector<16xi32>,
      %get3A_890 = vector.shape_cast %get3A_889 : vector<16xi32> to vector<16xi32>
      %and3A_891 = arith.constant 16383 : i32
      %and3A_892 = vector.broadcast %and3A_891 : i32 to vector<16xi32>
      %and3A_893 = arith.andi %get3A_890, %and3A_892 : vector<16xi32>
      %shift_right_logical3A_894 = arith.constant 14 : i32
      %shift_right_logical3A_895 = vector.broadcast %shift_right_logical3A_894 : i32 to vector<16xi32>
      %shift_right_logical3A_896 = arith.shrui %get3A_890, %shift_right_logical3A_895 : vector<16xi32>
      %swap3A_897 = arith.constant 48 : index
      %swap3A_898 = tpu.vector_load %arg11[%swap3A_897] {strides = array<i32>} : memref<80xi32, #tpu.memory_space<vmem>>, vector<16xi32>,
      %swap3A_899 = vector.shape_cast %swap3A_898 : vector<16xi32> to vector<16xi32>
      %swap3A_900 = vector.shape_cast %and3A_893 : vector<16xi32> to vector<16xi32>
      tpu.vector_store %arg11[%swap3A_897], %swap3A_900 {strides = array<i32>} : memref<80xi32, #tpu.memory_space<vmem>>, vector<16xi32>,
      %eq3A_901 = arith.cmpi eq, %shift_right_logical3A_896, %and3A_893 : vector<16xi32>
      %jit3A_902 = arith.constant 10000 : i32
      %broadcast_in_dim3A_903 = vector.broadcast %jit3A_902 : i32 to vector<16xi32>
      %select_n3A_904 = arith.select %eq3A_901, %broadcast_in_dim3A_903, %shift_right_logical3A_896 : vector<16xi1>, vector<16xi32>
      %swap3A_905 = arith.constant 48 : index
      %swap3A_906 = tpu.vector_load %arg8[%swap3A_905] {strides = array<i32>} : memref<80xi32, #tpu.memory_space<vmem>>, vector<16xi32>,
      %swap3A_907 = vector.shape_cast %swap3A_906 : vector<16xi32> to vector<16xi32>
      %swap3A_908 = vector.shape_cast %select_n3A_904 : vector<16xi32> to vector<16xi32>
      tpu.vector_store %arg8[%swap3A_905], %swap3A_908 {strides = array<i32>} : memref<80xi32, #tpu.memory_space<vmem>>, vector<16xi32>,
      %add3A_909 = arith.constant 64 : i32
      %add3A_910 = arith.addi %mul3A_816, %add3A_909 : i32
      %get3A_911 = arith.index_cast %add3A_910 : i32 to index
      %get3A_912 = tpu.vector_load %arg6[%get3A_911] {strides = array<i32>} : memref<10000xi32, #tpu.memory_space<vmem>>, vector<16xi32>,
      %get3A_913 = vector.shape_cast %get3A_912 : vector<16xi32> to vector<16xi32>
      %and3A_914 = arith.constant 16383 : i32
      %and3A_915 = vector.broadcast %and3A_914 : i32 to vector<16xi32>
      %and3A_916 = arith.andi %get3A_913, %and3A_915 : vector<16xi32>
      %shift_right_logical3A_917 = arith.constant 14 : i32
      %shift_right_logical3A_918 = vector.broadcast %shift_right_logical3A_917 : i32 to vector<16xi32>
      %shift_right_logical3A_919 = arith.shrui %get3A_913, %shift_right_logical3A_918 : vector<16xi32>
      %swap3A_920 = arith.constant 64 : index
      %swap3A_921 = tpu.vector_load %arg11[%swap3A_920] {strides = array<i32>} : memref<80xi32, #tpu.memory_space<vmem>>, vector<16xi32>,
      %swap3A_922 = vector.shape_cast %swap3A_921 : vector<16xi32> to vector<16xi32>
      %swap3A_923 = vector.shape_cast %and3A_916 : vector<16xi32> to vector<16xi32>
      tpu.vector_store %arg11[%swap3A_920], %swap3A_923 {strides = array<i32>} : memref<80xi32, #tpu.memory_space<vmem>>, vector<16xi32>,
      %eq3A_924 = arith.cmpi eq, %shift_right_logical3A_919, %and3A_916 : vector<16xi32>
      %jit3A_925 = arith.constant 10000 : i32
      %broadcast_in_dim3A_926 = vector.broadcast %jit3A_925 : i32 to vector<16xi32>
      %select_n3A_927 = arith.select %eq3A_924, %broadcast_in_dim3A_926, %shift_right_logical3A_919 : vector<16xi1>, vector<16xi32>
      %swap3A_928 = arith.constant 64 : index
      %swap3A_929 = tpu.vector_load %arg8[%swap3A_928] {strides = array<i32>} : memref<80xi32, #tpu.memory_space<vmem>>, vector<16xi32>,
      %swap3A_930 = vector.shape_cast %swap3A_929 : vector<16xi32> to vector<16xi32>
      %swap3A_931 = vector.shape_cast %select_n3A_927 : vector<16xi32> to vector<16xi32>
      tpu.vector_store %arg8[%swap3A_928], %swap3A_931 {strides = array<i32>} : memref<80xi32, #tpu.memory_space<vmem>>, vector<16xi32>,
      %dma_start3A_932 = arith.constant 0 : i32
      %dma_start3A_933 = arith.constant 0 : i32
      %dma_start3A_934 = tpu.memref_slice %arg2[%dma_start3A_932, %dma_start3A_933] : memref<10000x128xf32, #tpu.memory_space<hbm>> -> memref<10000x128xf32, #tpu.memory_space<hbm>>
      tpu.enqueue_indirect_dma source(%dma_start3A_934 : memref<10000x128xf32, #tpu.memory_space<hbm>>) target(%arg14 : memref<80x128xf32, #tpu.memory_space<vmem>>) offsets(%arg11 : memref<80xi32, #tpu.memory_space<vmem>>) semaphore(%arg20 : memref<!tpu.dma_semaphore, #tpu.memory_space<semaphore_mem>>)
      %dma_wait3A_935 = arith.constant 0 : i32
      %dma_wait3A_936 = arith.constant 0 : i32
      %dma_wait3A_937 = tpu.memref_slice %arg2[%dma_wait3A_935, %dma_wait3A_936] : memref<10000x128xf32, #tpu.memory_space<hbm>> -> memref<10000x128xf32, #tpu.memory_space<hbm>>
      tpu.wait_indirect_dma semaphore(%arg19 : memref<!tpu.dma_semaphore, #tpu.memory_space<semaphore_mem>>) src(%dma_wait3A_937 : memref<10000x128xf32, #tpu.memory_space<hbm>>) dst(%arg13 : memref<80x128xf32, #tpu.memory_space<vmem>>)
      %dma_start3A_938 = arith.constant 0 : i32
      %dma_start3A_939 = arith.constant 0 : i32
      %dma_start3A_940 = tpu.memref_slice %arg17[%dma_start3A_938, %dma_start3A_939] : memref<10240x128xf32, #tpu.memory_space<vmem_shared>> -> memref<10240x128xf32, #tpu.memory_space<vmem_shared>>
      tpu.enqueue_indirect_dma source(%arg13 : memref<80x128xf32, #tpu.memory_space<vmem>>) target(%dma_start3A_940 : memref<10240x128xf32, #tpu.memory_space<vmem_shared>>) offsets(%arg7 : memref<80xi32, #tpu.memory_space<vmem>>) semaphore(%arg22 : memref<!tpu.dma_semaphore, #tpu.memory_space<semaphore_mem>>) {add = true}
      %dma_start3A_941 = arith.constant 0 : i32
      %dma_start3A_942 = tpu.memref_slice %arg18[%dma_start3A_941] : memref<10240xf32, #tpu.memory_space<vmem_shared>> -> memref<10240xf32, #tpu.memory_space<vmem_shared>>
      tpu.enqueue_indirect_dma source(%arg16 : memref<80xf32, #tpu.memory_space<vmem>>) target(%dma_start3A_942 : memref<10240xf32, #tpu.memory_space<vmem_shared>>) offsets(%arg7 : memref<80xi32, #tpu.memory_space<vmem>>) semaphore(%arg25 : memref<!tpu.dma_semaphore, #tpu.memory_space<semaphore_mem>>) {add = true}
      %add3A_943 = arith.constant 2 : i32
      %add3A_944 = arith.addi %add3A_670, %add3A_943 : i32
      %dma_wait3A_945 = arith.constant 0 : i32
      %dma_wait3A_946 = arith.constant 0 : i32
      %dma_wait3A_947 = tpu.memref_slice %arg17[%dma_wait3A_945, %dma_wait3A_946] : memref<10240x128xf32, #tpu.memory_space<vmem_shared>> -> memref<10240x128xf32, #tpu.memory_space<vmem_shared>>
      tpu.wait_indirect_dma semaphore(%arg24 : memref<!tpu.dma_semaphore, #tpu.memory_space<semaphore_mem>>) src(%arg15 : memref<80x128xf32, #tpu.memory_space<vmem>>) dst(%dma_wait3A_947 : memref<10240x128xf32, #tpu.memory_space<vmem_shared>>)
      %dma_wait3A_948 = arith.constant 0 : i32
      %dma_wait3A_949 = tpu.memref_slice %arg18[%dma_wait3A_948] : memref<10240xf32, #tpu.memory_space<vmem_shared>> -> memref<10240xf32, #tpu.memory_space<vmem_shared>>
      tpu.wait_indirect_dma semaphore(%arg27 : memref<!tpu.dma_semaphore, #tpu.memory_space<semaphore_mem>>) src(%arg16 : memref<80xf32, #tpu.memory_space<vmem>>) dst(%dma_wait3A_949 : memref<10240xf32, #tpu.memory_space<vmem_shared>>)
      %add3A_950 = arith.constant 1 : i32
      %add3A_951 = arith.addi %add3A_944, %add3A_950 : i32
      %mul3A_952 = arith.constant 80 : i32
      %mul3A_953 = arith.muli %add3A_951, %mul3A_952 : i32
      %add3A_954 = arith.constant 0 : i32
      %add3A_955 = arith.addi %mul3A_953, %add3A_954 : i32
      %get3A_956 = arith.index_cast %add3A_955 : i32 to index
      %get3A_957 = tpu.vector_load %arg6[%get3A_956] {strides = array<i32>} : memref<10000xi32, #tpu.memory_space<vmem>>, vector<16xi32>,
      %get3A_958 = vector.shape_cast %get3A_957 : vector<16xi32> to vector<16xi32>
      %and3A_959 = arith.constant 16383 : i32
      %and3A_960 = vector.broadcast %and3A_959 : i32 to vector<16xi32>
      %and3A_961 = arith.andi %get3A_958, %and3A_960 : vector<16xi32>
      %shift_right_logical3A_962 = arith.constant 14 : i32
      %shift_right_logical3A_963 = vector.broadcast %shift_right_logical3A_962 : i32 to vector<16xi32>
      %shift_right_logical3A_964 = arith.shrui %get3A_958, %shift_right_logical3A_963 : vector<16xi32>
      %swap3A_965 = arith.constant 0 : index
      %swap3A_966 = tpu.vector_load %arg12[%swap3A_965] {strides = array<i32>} : memref<80xi32, #tpu.memory_space<vmem>>, vector<16xi32>,
      %swap3A_967 = vector.shape_cast %swap3A_966 : vector<16xi32> to vector<16xi32>
      %swap3A_968 = vector.shape_cast %and3A_961 : vector<16xi32> to vector<16xi32>
      tpu.vector_store %arg12[%swap3A_965], %swap3A_968 {strides = array<i32>} : memref<80xi32, #tpu.memory_space<vmem>>, vector<16xi32>,
      %eq3A_969 = arith.cmpi eq, %shift_right_logical3A_964, %and3A_961 : vector<16xi32>
      %jit3A_970 = arith.constant 10000 : i32
      %broadcast_in_dim3A_971 = vector.broadcast %jit3A_970 : i32 to vector<16xi32>
      %select_n3A_972 = arith.select %eq3A_969, %broadcast_in_dim3A_971, %shift_right_logical3A_964 : vector<16xi1>, vector<16xi32>
      %swap3A_973 = arith.constant 0 : index
      %swap3A_974 = tpu.vector_load %arg9[%swap3A_973] {strides = array<i32>} : memref<80xi32, #tpu.memory_space<vmem>>, vector<16xi32>,
      %swap3A_975 = vector.shape_cast %swap3A_974 : vector<16xi32> to vector<16xi32>
      %swap3A_976 = vector.shape_cast %select_n3A_972 : vector<16xi32> to vector<16xi32>
      tpu.vector_store %arg9[%swap3A_973], %swap3A_976 {strides = array<i32>} : memref<80xi32, #tpu.memory_space<vmem>>, vector<16xi32>,
      %add3A_977 = arith.constant 16 : i32
      %add3A_978 = arith.addi %mul3A_953, %add3A_977 : i32
      %get3A_979 = arith.index_cast %add3A_978 : i32 to index
      %get3A_980 = tpu.vector_load %arg6[%get3A_979] {strides = array<i32>} : memref<10000xi32, #tpu.memory_space<vmem>>, vector<16xi32>,
      %get3A_981 = vector.shape_cast %get3A_980 : vector<16xi32> to vector<16xi32>
      %and3A_982 = arith.constant 16383 : i32
      %and3A_983 = vector.broadcast %and3A_982 : i32 to vector<16xi32>
      %and3A_984 = arith.andi %get3A_981, %and3A_983 : vector<16xi32>
      %shift_right_logical3A_985 = arith.constant 14 : i32
      %shift_right_logical3A_986 = vector.broadcast %shift_right_logical3A_985 : i32 to vector<16xi32>
      %shift_right_logical3A_987 = arith.shrui %get3A_981, %shift_right_logical3A_986 : vector<16xi32>
      %swap3A_988 = arith.constant 16 : index
      %swap3A_989 = tpu.vector_load %arg12[%swap3A_988] {strides = array<i32>} : memref<80xi32, #tpu.memory_space<vmem>>, vector<16xi32>,
      %swap3A_990 = vector.shape_cast %swap3A_989 : vector<16xi32> to vector<16xi32>
      %swap3A_991 = vector.shape_cast %and3A_984 : vector<16xi32> to vector<16xi32>
      tpu.vector_store %arg12[%swap3A_988], %swap3A_991 {strides = array<i32>} : memref<80xi32, #tpu.memory_space<vmem>>, vector<16xi32>,
      %eq3A_992 = arith.cmpi eq, %shift_right_logical3A_987, %and3A_984 : vector<16xi32>
      %jit3A_993 = arith.constant 10000 : i32
      %broadcast_in_dim3A_994 = vector.broadcast %jit3A_993 : i32 to vector<16xi32>
      %select_n3A_995 = arith.select %eq3A_992, %broadcast_in_dim3A_994, %shift_right_logical3A_987 : vector<16xi1>, vector<16xi32>
      %swap3A_996 = arith.constant 16 : index
      %swap3A_997 = tpu.vector_load %arg9[%swap3A_996] {strides = array<i32>} : memref<80xi32, #tpu.memory_space<vmem>>, vector<16xi32>,
      %swap3A_998 = vector.shape_cast %swap3A_997 : vector<16xi32> to vector<16xi32>
      %swap3A_999 = vector.shape_cast %select_n3A_995 : vector<16xi32> to vector<16xi32>
      tpu.vector_store %arg9[%swap3A_996], %swap3A_999 {strides = array<i32>} : memref<80xi32, #tpu.memory_space<vmem>>, vector<16xi32>,
      %add3A_1000 = arith.constant 32 : i32
      %add3A_1001 = arith.addi %mul3A_953, %add3A_1000 : i32
      %get3A_1002 = arith.index_cast %add3A_1001 : i32 to index
      %get3A_1003 = tpu.vector_load %arg6[%get3A_1002] {strides = array<i32>} : memref<10000xi32, #tpu.memory_space<vmem>>, vector<16xi32>,
      %get3A_1004 = vector.shape_cast %get3A_1003 : vector<16xi32> to vector<16xi32>
      %and3A_1005 = arith.constant 16383 : i32
      %and3A_1006 = vector.broadcast %and3A_1005 : i32 to vector<16xi32>
      %and3A_1007 = arith.andi %get3A_1004, %and3A_1006 : vector<16xi32>
      %shift_right_logical3A_1008 = arith.constant 14 : i32
      %shift_right_logical3A_1009 = vector.broadcast %shift_right_logical3A_1008 : i32 to vector<16xi32>
      %shift_right_logical3A_1010 = arith.shrui %get3A_1004, %shift_right_logical3A_1009 : vector<16xi32>
      %swap3A_1011 = arith.constant 32 : index
      %swap3A_1012 = tpu.vector_load %arg12[%swap3A_1011] {strides = array<i32>} : memref<80xi32, #tpu.memory_space<vmem>>, vector<16xi32>,
      %swap3A_1013 = vector.shape_cast %swap3A_1012 : vector<16xi32> to vector<16xi32>
      %swap3A_1014 = vector.shape_cast %and3A_1007 : vector<16xi32> to vector<16xi32>
      tpu.vector_store %arg12[%swap3A_1011], %swap3A_1014 {strides = array<i32>} : memref<80xi32, #tpu.memory_space<vmem>>, vector<16xi32>,
      %eq3A_1015 = arith.cmpi eq, %shift_right_logical3A_1010, %and3A_1007 : vector<16xi32>
      %jit3A_1016 = arith.constant 10000 : i32
      %broadcast_in_dim3A_1017 = vector.broadcast %jit3A_1016 : i32 to vector<16xi32>
      %select_n3A_1018 = arith.select %eq3A_1015, %broadcast_in_dim3A_1017, %shift_right_logical3A_1010 : vector<16xi1>, vector<16xi32>
      %swap3A_1019 = arith.constant 32 : index
      %swap3A_1020 = tpu.vector_load %arg9[%swap3A_1019] {strides = array<i32>} : memref<80xi32, #tpu.memory_space<vmem>>, vector<16xi32>,
      %swap3A_1021 = vector.shape_cast %swap3A_1020 : vector<16xi32> to vector<16xi32>
      %swap3A_1022 = vector.shape_cast %select_n3A_1018 : vector<16xi32> to vector<16xi32>
      tpu.vector_store %arg9[%swap3A_1019], %swap3A_1022 {strides = array<i32>} : memref<80xi32, #tpu.memory_space<vmem>>, vector<16xi32>,
      %add3A_1023 = arith.constant 48 : i32
      %add3A_1024 = arith.addi %mul3A_953, %add3A_1023 : i32
      %get3A_1025 = arith.index_cast %add3A_1024 : i32 to index
      %get3A_1026 = tpu.vector_load %arg6[%get3A_1025] {strides = array<i32>} : memref<10000xi32, #tpu.memory_space<vmem>>, vector<16xi32>,
      %get3A_1027 = vector.shape_cast %get3A_1026 : vector<16xi32> to vector<16xi32>
      %and3A_1028 = arith.constant 16383 : i32
      %and3A_1029 = vector.broadcast %and3A_1028 : i32 to vector<16xi32>
      %and3A_1030 = arith.andi %get3A_1027, %and3A_1029 : vector<16xi32>
      %shift_right_logical3A_1031 = arith.constant 14 : i32
      %shift_right_logical3A_1032 = vector.broadcast %shift_right_logical3A_1031 : i32 to vector<16xi32>
      %shift_right_logical3A_1033 = arith.shrui %get3A_1027, %shift_right_logical3A_1032 : vector<16xi32>
      %swap3A_1034 = arith.constant 48 : index
      %swap3A_1035 = tpu.vector_load %arg12[%swap3A_1034] {strides = array<i32>} : memref<80xi32, #tpu.memory_space<vmem>>, vector<16xi32>,
      %swap3A_1036 = vector.shape_cast %swap3A_1035 : vector<16xi32> to vector<16xi32>
      %swap3A_1037 = vector.shape_cast %and3A_1030 : vector<16xi32> to vector<16xi32>
      tpu.vector_store %arg12[%swap3A_1034], %swap3A_1037 {strides = array<i32>} : memref<80xi32, #tpu.memory_space<vmem>>, vector<16xi32>,
      %eq3A_1038 = arith.cmpi eq, %shift_right_logical3A_1033, %and3A_1030 : vector<16xi32>
      %jit3A_1039 = arith.constant 10000 : i32
      %broadcast_in_dim3A_1040 = vector.broadcast %jit3A_1039 : i32 to vector<16xi32>
      %select_n3A_1041 = arith.select %eq3A_1038, %broadcast_in_dim3A_1040, %shift_right_logical3A_1033 : vector<16xi1>, vector<16xi32>
      %swap3A_1042 = arith.constant 48 : index
      %swap3A_1043 = tpu.vector_load %arg9[%swap3A_1042] {strides = array<i32>} : memref<80xi32, #tpu.memory_space<vmem>>, vector<16xi32>,
      %swap3A_1044 = vector.shape_cast %swap3A_1043 : vector<16xi32> to vector<16xi32>
      %swap3A_1045 = vector.shape_cast %select_n3A_1041 : vector<16xi32> to vector<16xi32>
      tpu.vector_store %arg9[%swap3A_1042], %swap3A_1045 {strides = array<i32>} : memref<80xi32, #tpu.memory_space<vmem>>, vector<16xi32>,
      %add3A_1046 = arith.constant 64 : i32
      %add3A_1047 = arith.addi %mul3A_953, %add3A_1046 : i32
      %get3A_1048 = arith.index_cast %add3A_1047 : i32 to index
      %get3A_1049 = tpu.vector_load %arg6[%get3A_1048] {strides = array<i32>} : memref<10000xi32, #tpu.memory_space<vmem>>, vector<16xi32>,
      %get3A_1050 = vector.shape_cast %get3A_1049 : vector<16xi32> to vector<16xi32>
      %and3A_1051 = arith.constant 16383 : i32
      %and3A_1052 = vector.broadcast %and3A_1051 : i32 to vector<16xi32>
      %and3A_1053 = arith.andi %get3A_1050, %and3A_1052 : vector<16xi32>
      %shift_right_logical3A_1054 = arith.constant 14 : i32
      %shift_right_logical3A_1055 = vector.broadcast %shift_right_logical3A_1054 : i32 to vector<16xi32>
      %shift_right_logical3A_1056 = arith.shrui %get3A_1050, %shift_right_logical3A_1055 : vector<16xi32>
      %swap3A_1057 = arith.constant 64 : index
      %swap3A_1058 = tpu.vector_load %arg12[%swap3A_1057] {strides = array<i32>} : memref<80xi32, #tpu.memory_space<vmem>>, vector<16xi32>,
      %swap3A_1059 = vector.shape_cast %swap3A_1058 : vector<16xi32> to vector<16xi32>
      %swap3A_1060 = vector.shape_cast %and3A_1053 : vector<16xi32> to vector<16xi32>
      tpu.vector_store %arg12[%swap3A_1057], %swap3A_1060 {strides = array<i32>} : memref<80xi32, #tpu.memory_space<vmem>>, vector<16xi32>,
      %eq3A_1061 = arith.cmpi eq, %shift_right_logical3A_1056, %and3A_1053 : vector<16xi32>
      %jit3A_1062 = arith.constant 10000 : i32
      %broadcast_in_dim3A_1063 = vector.broadcast %jit3A_1062 : i32 to vector<16xi32>
      %select_n3A_1064 = arith.select %eq3A_1061, %broadcast_in_dim3A_1063, %shift_right_logical3A_1056 : vector<16xi1>, vector<16xi32>
      %swap3A_1065 = arith.constant 64 : index
      %swap3A_1066 = tpu.vector_load %arg9[%swap3A_1065] {strides = array<i32>} : memref<80xi32, #tpu.memory_space<vmem>>, vector<16xi32>,
      %swap3A_1067 = vector.shape_cast %swap3A_1066 : vector<16xi32> to vector<16xi32>
      %swap3A_1068 = vector.shape_cast %select_n3A_1064 : vector<16xi32> to vector<16xi32>
      tpu.vector_store %arg9[%swap3A_1065], %swap3A_1068 {strides = array<i32>} : memref<80xi32, #tpu.memory_space<vmem>>, vector<16xi32>,
      %dma_start3A_1069 = arith.constant 0 : i32
      %dma_start3A_1070 = arith.constant 0 : i32
      %dma_start3A_1071 = tpu.memref_slice %arg2[%dma_start3A_1069, %dma_start3A_1070] : memref<10000x128xf32, #tpu.memory_space<hbm>> -> memref<10000x128xf32, #tpu.memory_space<hbm>>
      tpu.enqueue_indirect_dma source(%dma_start3A_1071 : memref<10000x128xf32, #tpu.memory_space<hbm>>) target(%arg15 : memref<80x128xf32, #tpu.memory_space<vmem>>) offsets(%arg12 : memref<80xi32, #tpu.memory_space<vmem>>) semaphore(%arg21 : memref<!tpu.dma_semaphore, #tpu.memory_space<semaphore_mem>>)
      %dma_wait3A_1072 = arith.constant 0 : i32
      %dma_wait3A_1073 = arith.constant 0 : i32
      %dma_wait3A_1074 = tpu.memref_slice %arg2[%dma_wait3A_1072, %dma_wait3A_1073] : memref<10000x128xf32, #tpu.memory_space<hbm>> -> memref<10000x128xf32, #tpu.memory_space<hbm>>
      tpu.wait_indirect_dma semaphore(%arg20 : memref<!tpu.dma_semaphore, #tpu.memory_space<semaphore_mem>>) src(%dma_wait3A_1074 : memref<10000x128xf32, #tpu.memory_space<hbm>>) dst(%arg14 : memref<80x128xf32, #tpu.memory_space<vmem>>)
      %dma_start3A_1075 = arith.constant 0 : i32
      %dma_start3A_1076 = arith.constant 0 : i32
      %dma_start3A_1077 = tpu.memref_slice %arg17[%dma_start3A_1075, %dma_start3A_1076] : memref<10240x128xf32, #tpu.memory_space<vmem_shared>> -> memref<10240x128xf32, #tpu.memory_space<vmem_shared>>
      tpu.enqueue_indirect_dma source(%arg14 : memref<80x128xf32, #tpu.memory_space<vmem>>) target(%dma_start3A_1077 : memref<10240x128xf32, #tpu.memory_space<vmem_shared>>) offsets(%arg8 : memref<80xi32, #tpu.memory_space<vmem>>) semaphore(%arg23 : memref<!tpu.dma_semaphore, #tpu.memory_space<semaphore_mem>>) {add = true}
      %dma_start3A_1078 = arith.constant 0 : i32
      %dma_start3A_1079 = tpu.memref_slice %arg18[%dma_start3A_1078] : memref<10240xf32, #tpu.memory_space<vmem_shared>> -> memref<10240xf32, #tpu.memory_space<vmem_shared>>
      tpu.enqueue_indirect_dma source(%arg16 : memref<80xf32, #tpu.memory_space<vmem>>) target(%dma_start3A_1079 : memref<10240xf32, #tpu.memory_space<vmem_shared>>) offsets(%arg8 : memref<80xi32, #tpu.memory_space<vmem>>) semaphore(%arg26 : memref<!tpu.dma_semaphore, #tpu.memory_space<semaphore_mem>>) {add = true}
    }
    %scan3A_399 = arith.constant 40 : i32
    %dma_wait3A_400 = arith.constant 0 : i32
    %dma_wait3A_401 = arith.constant 0 : i32
    %dma_wait3A_402 = tpu.memref_slice %arg17[%dma_wait3A_400, %dma_wait3A_401] : memref<10240x128xf32, #tpu.memory_space<vmem_shared>> -> memref<10240x128xf32, #tpu.memory_space<vmem_shared>>
    tpu.wait_indirect_dma semaphore(%arg22 : memref<!tpu.dma_semaphore, #tpu.memory_space<semaphore_mem>>) src(%arg13 : memref<80x128xf32, #tpu.memory_space<vmem>>) dst(%dma_wait3A_402 : memref<10240x128xf32, #tpu.memory_space<vmem_shared>>)
    %dma_wait3A_403 = arith.constant 0 : i32
    %dma_wait3A_404 = tpu.memref_slice %arg18[%dma_wait3A_403] : memref<10240xf32, #tpu.memory_space<vmem_shared>> -> memref<10240xf32, #tpu.memory_space<vmem_shared>>
    tpu.wait_indirect_dma semaphore(%arg25 : memref<!tpu.dma_semaphore, #tpu.memory_space<semaphore_mem>>) src(%arg16 : memref<80xf32, #tpu.memory_space<vmem>>) dst(%dma_wait3A_404 : memref<10240xf32, #tpu.memory_space<vmem_shared>>)
    %get3A_405 = arith.constant 9840 : index
    %get3A_406 = tpu.vector_load %arg6[%get3A_405] {strides = array<i32>} : memref<10000xi32, #tpu.memory_space<vmem>>, vector<16xi32>,
    %get3A_407 = vector.shape_cast %get3A_406 : vector<16xi32> to vector<16xi32>
    %and3A_408 = arith.constant 16383 : i32
    %and3A_409 = vector.broadcast %and3A_408 : i32 to vector<16xi32>
    %and3A_410 = arith.andi %get3A_407, %and3A_409 : vector<16xi32>
    %shift_right_logical3A_411 = arith.constant 14 : i32
    %shift_right_logical3A_412 = vector.broadcast %shift_right_logical3A_411 : i32 to vector<16xi32>
    %shift_right_logical3A_413 = arith.shrui %get3A_407, %shift_right_logical3A_412 : vector<16xi32>
    %swap3A_414 = arith.constant 0 : index
    %swap3A_415 = tpu.vector_load %arg10[%swap3A_414] {strides = array<i32>} : memref<80xi32, #tpu.memory_space<vmem>>, vector<16xi32>,
    %swap3A_416 = vector.shape_cast %swap3A_415 : vector<16xi32> to vector<16xi32>
    %swap3A_417 = vector.shape_cast %and3A_410 : vector<16xi32> to vector<16xi32>
    tpu.vector_store %arg10[%swap3A_414], %swap3A_417 {strides = array<i32>} : memref<80xi32, #tpu.memory_space<vmem>>, vector<16xi32>,
    %eq3A_418 = arith.cmpi eq, %shift_right_logical3A_413, %and3A_410 : vector<16xi32>
    %jit3A_419 = arith.constant 10000 : i32
    %broadcast_in_dim3A_420 = vector.broadcast %jit3A_419 : i32 to vector<16xi32>
    %select_n3A_421 = arith.select %eq3A_418, %broadcast_in_dim3A_420, %shift_right_logical3A_413 : vector<16xi1>, vector<16xi32>
    %swap3A_422 = arith.constant 0 : index
    %swap3A_423 = tpu.vector_load %arg7[%swap3A_422] {strides = array<i32>} : memref<80xi32, #tpu.memory_space<vmem>>, vector<16xi32>,
    %swap3A_424 = vector.shape_cast %swap3A_423 : vector<16xi32> to vector<16xi32>
    %swap3A_425 = vector.shape_cast %select_n3A_421 : vector<16xi32> to vector<16xi32>
    tpu.vector_store %arg7[%swap3A_422], %swap3A_425 {strides = array<i32>} : memref<80xi32, #tpu.memory_space<vmem>>, vector<16xi32>,
    %get3A_426 = arith.constant 9856 : index
    %get3A_427 = tpu.vector_load %arg6[%get3A_426] {strides = array<i32>} : memref<10000xi32, #tpu.memory_space<vmem>>, vector<16xi32>,
    %get3A_428 = vector.shape_cast %get3A_427 : vector<16xi32> to vector<16xi32>
    %and3A_429 = arith.constant 16383 : i32
    %and3A_430 = vector.broadcast %and3A_429 : i32 to vector<16xi32>
    %and3A_431 = arith.andi %get3A_428, %and3A_430 : vector<16xi32>
    %shift_right_logical3A_432 = arith.constant 14 : i32
    %shift_right_logical3A_433 = vector.broadcast %shift_right_logical3A_432 : i32 to vector<16xi32>
    %shift_right_logical3A_434 = arith.shrui %get3A_428, %shift_right_logical3A_433 : vector<16xi32>
    %swap3A_435 = arith.constant 16 : index
    %swap3A_436 = tpu.vector_load %arg10[%swap3A_435] {strides = array<i32>} : memref<80xi32, #tpu.memory_space<vmem>>, vector<16xi32>,
    %swap3A_437 = vector.shape_cast %swap3A_436 : vector<16xi32> to vector<16xi32>
    %swap3A_438 = vector.shape_cast %and3A_431 : vector<16xi32> to vector<16xi32>
    tpu.vector_store %arg10[%swap3A_435], %swap3A_438 {strides = array<i32>} : memref<80xi32, #tpu.memory_space<vmem>>, vector<16xi32>,
    %eq3A_439 = arith.cmpi eq, %shift_right_logical3A_434, %and3A_431 : vector<16xi32>
    %jit3A_440 = arith.constant 10000 : i32
    %broadcast_in_dim3A_441 = vector.broadcast %jit3A_440 : i32 to vector<16xi32>
    %select_n3A_442 = arith.select %eq3A_439, %broadcast_in_dim3A_441, %shift_right_logical3A_434 : vector<16xi1>, vector<16xi32>
    %swap3A_443 = arith.constant 16 : index
    %swap3A_444 = tpu.vector_load %arg7[%swap3A_443] {strides = array<i32>} : memref<80xi32, #tpu.memory_space<vmem>>, vector<16xi32>,
    %swap3A_445 = vector.shape_cast %swap3A_444 : vector<16xi32> to vector<16xi32>
    %swap3A_446 = vector.shape_cast %select_n3A_442 : vector<16xi32> to vector<16xi32>
    tpu.vector_store %arg7[%swap3A_443], %swap3A_446 {strides = array<i32>} : memref<80xi32, #tpu.memory_space<vmem>>, vector<16xi32>,
    %get3A_447 = arith.constant 9872 : index
    %get3A_448 = tpu.vector_load %arg6[%get3A_447] {strides = array<i32>} : memref<10000xi32, #tpu.memory_space<vmem>>, vector<16xi32>,
    %get3A_449 = vector.shape_cast %get3A_448 : vector<16xi32> to vector<16xi32>
    %and3A_450 = arith.constant 16383 : i32
    %and3A_451 = vector.broadcast %and3A_450 : i32 to vector<16xi32>
    %and3A_452 = arith.andi %get3A_449, %and3A_451 : vector<16xi32>
    %shift_right_logical3A_453 = arith.constant 14 : i32
    %shift_right_logical3A_454 = vector.broadcast %shift_right_logical3A_453 : i32 to vector<16xi32>
    %shift_right_logical3A_455 = arith.shrui %get3A_449, %shift_right_logical3A_454 : vector<16xi32>
    %swap3A_456 = arith.constant 32 : index
    %swap3A_457 = tpu.vector_load %arg10[%swap3A_456] {strides = array<i32>} : memref<80xi32, #tpu.memory_space<vmem>>, vector<16xi32>,
    %swap3A_458 = vector.shape_cast %swap3A_457 : vector<16xi32> to vector<16xi32>
    %swap3A_459 = vector.shape_cast %and3A_452 : vector<16xi32> to vector<16xi32>
    tpu.vector_store %arg10[%swap3A_456], %swap3A_459 {strides = array<i32>} : memref<80xi32, #tpu.memory_space<vmem>>, vector<16xi32>,
    %eq3A_460 = arith.cmpi eq, %shift_right_logical3A_455, %and3A_452 : vector<16xi32>
    %jit3A_461 = arith.constant 10000 : i32
    %broadcast_in_dim3A_462 = vector.broadcast %jit3A_461 : i32 to vector<16xi32>
    %select_n3A_463 = arith.select %eq3A_460, %broadcast_in_dim3A_462, %shift_right_logical3A_455 : vector<16xi1>, vector<16xi32>
    %swap3A_464 = arith.constant 32 : index
    %swap3A_465 = tpu.vector_load %arg7[%swap3A_464] {strides = array<i32>} : memref<80xi32, #tpu.memory_space<vmem>>, vector<16xi32>,
    %swap3A_466 = vector.shape_cast %swap3A_465 : vector<16xi32> to vector<16xi32>
    %swap3A_467 = vector.shape_cast %select_n3A_463 : vector<16xi32> to vector<16xi32>
    tpu.vector_store %arg7[%swap3A_464], %swap3A_467 {strides = array<i32>} : memref<80xi32, #tpu.memory_space<vmem>>, vector<16xi32>,
    %get3A_468 = arith.constant 9888 : index
    %get3A_469 = tpu.vector_load %arg6[%get3A_468] {strides = array<i32>} : memref<10000xi32, #tpu.memory_space<vmem>>, vector<16xi32>,
    %get3A_470 = vector.shape_cast %get3A_469 : vector<16xi32> to vector<16xi32>
    %and3A_471 = arith.constant 16383 : i32
    %and3A_472 = vector.broadcast %and3A_471 : i32 to vector<16xi32>
    %and3A_473 = arith.andi %get3A_470, %and3A_472 : vector<16xi32>
    %shift_right_logical3A_474 = arith.constant 14 : i32
    %shift_right_logical3A_475 = vector.broadcast %shift_right_logical3A_474 : i32 to vector<16xi32>
    %shift_right_logical3A_476 = arith.shrui %get3A_470, %shift_right_logical3A_475 : vector<16xi32>
    %swap3A_477 = arith.constant 48 : index
    %swap3A_478 = tpu.vector_load %arg10[%swap3A_477] {strides = array<i32>} : memref<80xi32, #tpu.memory_space<vmem>>, vector<16xi32>,
    %swap3A_479 = vector.shape_cast %swap3A_478 : vector<16xi32> to vector<16xi32>
    %swap3A_480 = vector.shape_cast %and3A_473 : vector<16xi32> to vector<16xi32>
    tpu.vector_store %arg10[%swap3A_477], %swap3A_480 {strides = array<i32>} : memref<80xi32, #tpu.memory_space<vmem>>, vector<16xi32>,
    %eq3A_481 = arith.cmpi eq, %shift_right_logical3A_476, %and3A_473 : vector<16xi32>
    %jit3A_482 = arith.constant 10000 : i32
    %broadcast_in_dim3A_483 = vector.broadcast %jit3A_482 : i32 to vector<16xi32>
    %select_n3A_484 = arith.select %eq3A_481, %broadcast_in_dim3A_483, %shift_right_logical3A_476 : vector<16xi1>, vector<16xi32>
    %swap3A_485 = arith.constant 48 : index
    %swap3A_486 = tpu.vector_load %arg7[%swap3A_485] {strides = array<i32>} : memref<80xi32, #tpu.memory_space<vmem>>, vector<16xi32>,
    %swap3A_487 = vector.shape_cast %swap3A_486 : vector<16xi32> to vector<16xi32>
    %swap3A_488 = vector.shape_cast %select_n3A_484 : vector<16xi32> to vector<16xi32>
    tpu.vector_store %arg7[%swap3A_485], %swap3A_488 {strides = array<i32>} : memref<80xi32, #tpu.memory_space<vmem>>, vector<16xi32>,
    %get3A_489 = arith.constant 9904 : index
    %get3A_490 = tpu.vector_load %arg6[%get3A_489] {strides = array<i32>} : memref<10000xi32, #tpu.memory_space<vmem>>, vector<16xi32>,
    %get3A_491 = vector.shape_cast %get3A_490 : vector<16xi32> to vector<16xi32>
    %and3A_492 = arith.constant 16383 : i32
    %and3A_493 = vector.broadcast %and3A_492 : i32 to vector<16xi32>
    %and3A_494 = arith.andi %get3A_491, %and3A_493 : vector<16xi32>
    %shift_right_logical3A_495 = arith.constant 14 : i32
    %shift_right_logical3A_496 = vector.broadcast %shift_right_logical3A_495 : i32 to vector<16xi32>
    %shift_right_logical3A_497 = arith.shrui %get3A_491, %shift_right_logical3A_496 : vector<16xi32>
    %swap3A_498 = arith.constant 64 : index
    %swap3A_499 = tpu.vector_load %arg10[%swap3A_498] {strides = array<i32>} : memref<80xi32, #tpu.memory_space<vmem>>, vector<16xi32>,
    %swap3A_500 = vector.shape_cast %swap3A_499 : vector<16xi32> to vector<16xi32>
    %swap3A_501 = vector.shape_cast %and3A_494 : vector<16xi32> to vector<16xi32>
    tpu.vector_store %arg10[%swap3A_498], %swap3A_501 {strides = array<i32>} : memref<80xi32, #tpu.memory_space<vmem>>, vector<16xi32>,
    %eq3A_502 = arith.cmpi eq, %shift_right_logical3A_497, %and3A_494 : vector<16xi32>
    %jit3A_503 = arith.constant 10000 : i32
    %broadcast_in_dim3A_504 = vector.broadcast %jit3A_503 : i32 to vector<16xi32>
    %select_n3A_505 = arith.select %eq3A_502, %broadcast_in_dim3A_504, %shift_right_logical3A_497 : vector<16xi1>, vector<16xi32>
    %swap3A_506 = arith.constant 64 : index
    %swap3A_507 = tpu.vector_load %arg7[%swap3A_506] {strides = array<i32>} : memref<80xi32, #tpu.memory_space<vmem>>, vector<16xi32>,
    %swap3A_508 = vector.shape_cast %swap3A_507 : vector<16xi32> to vector<16xi32>
    %swap3A_509 = vector.shape_cast %select_n3A_505 : vector<16xi32> to vector<16xi32>
    tpu.vector_store %arg7[%swap3A_506], %swap3A_509 {strides = array<i32>} : memref<80xi32, #tpu.memory_space<vmem>>, vector<16xi32>,
    %dma_start3A_510 = arith.constant 0 : i32
    %dma_start3A_511 = arith.constant 0 : i32
    %dma_start3A_512 = tpu.memref_slice %arg2[%dma_start3A_510, %dma_start3A_511] : memref<10000x128xf32, #tpu.memory_space<hbm>> -> memref<10000x128xf32, #tpu.memory_space<hbm>>
    tpu.enqueue_indirect_dma source(%dma_start3A_512 : memref<10000x128xf32, #tpu.memory_space<hbm>>) target(%arg13 : memref<80x128xf32, #tpu.memory_space<vmem>>) offsets(%arg10 : memref<80xi32, #tpu.memory_space<vmem>>) semaphore(%arg19 : memref<!tpu.dma_semaphore, #tpu.memory_space<semaphore_mem>>)
    %dma_wait3A_513 = arith.constant 0 : i32
    %dma_wait3A_514 = arith.constant 0 : i32
    %dma_wait3A_515 = tpu.memref_slice %arg2[%dma_wait3A_513, %dma_wait3A_514] : memref<10000x128xf32, #tpu.memory_space<hbm>> -> memref<10000x128xf32, #tpu.memory_space<hbm>>
    tpu.wait_indirect_dma semaphore(%arg21 : memref<!tpu.dma_semaphore, #tpu.memory_space<semaphore_mem>>) src(%dma_wait3A_515 : memref<10000x128xf32, #tpu.memory_space<hbm>>) dst(%arg15 : memref<80x128xf32, #tpu.memory_space<vmem>>)
    %dma_start3A_516 = arith.constant 0 : i32
    %dma_start3A_517 = arith.constant 0 : i32
    %dma_start3A_518 = tpu.memref_slice %arg17[%dma_start3A_516, %dma_start3A_517] : memref<10240x128xf32, #tpu.memory_space<vmem_shared>> -> memref<10240x128xf32, #tpu.memory_space<vmem_shared>>
    tpu.enqueue_indirect_dma source(%arg15 : memref<80x128xf32, #tpu.memory_space<vmem>>) target(%dma_start3A_518 : memref<10240x128xf32, #tpu.memory_space<vmem_shared>>) offsets(%arg9 : memref<80xi32, #tpu.memory_space<vmem>>) semaphore(%arg24 : memref<!tpu.dma_semaphore, #tpu.memory_space<semaphore_mem>>) {add = true}
    %dma_start3A_519 = arith.constant 0 : i32
    %dma_start3A_520 = tpu.memref_slice %arg18[%dma_start3A_519] : memref<10240xf32, #tpu.memory_space<vmem_shared>> -> memref<10240xf32, #tpu.memory_space<vmem_shared>>
    tpu.enqueue_indirect_dma source(%arg16 : memref<80xf32, #tpu.memory_space<vmem>>) target(%dma_start3A_520 : memref<10240xf32, #tpu.memory_space<vmem_shared>>) offsets(%arg9 : memref<80xi32, #tpu.memory_space<vmem>>) semaphore(%arg27 : memref<!tpu.dma_semaphore, #tpu.memory_space<semaphore_mem>>) {add = true}
    %dma_wait3A_521 = arith.constant 0 : i32
    %dma_wait3A_522 = arith.constant 0 : i32
    %dma_wait3A_523 = tpu.memref_slice %arg17[%dma_wait3A_521, %dma_wait3A_522] : memref<10240x128xf32, #tpu.memory_space<vmem_shared>> -> memref<10240x128xf32, #tpu.memory_space<vmem_shared>>
    tpu.wait_indirect_dma semaphore(%arg23 : memref<!tpu.dma_semaphore, #tpu.memory_space<semaphore_mem>>) src(%arg14 : memref<80x128xf32, #tpu.memory_space<vmem>>) dst(%dma_wait3A_523 : memref<10240x128xf32, #tpu.memory_space<vmem_shared>>)
    %dma_wait3A_524 = arith.constant 0 : i32
    %dma_wait3A_525 = tpu.memref_slice %arg18[%dma_wait3A_524] : memref<10240xf32, #tpu.memory_space<vmem_shared>> -> memref<10240xf32, #tpu.memory_space<vmem_shared>>
    tpu.wait_indirect_dma semaphore(%arg26 : memref<!tpu.dma_semaphore, #tpu.memory_space<semaphore_mem>>) src(%arg16 : memref<80xf32, #tpu.memory_space<vmem>>) dst(%dma_wait3A_525 : memref<10240xf32, #tpu.memory_space<vmem_shared>>)
    %get3A_526 = arith.constant 9920 : index
    %get3A_527 = tpu.vector_load %arg6[%get3A_526] {strides = array<i32>} : memref<10000xi32, #tpu.memory_space<vmem>>, vector<16xi32>,
    %get3A_528 = vector.shape_cast %get3A_527 : vector<16xi32> to vector<16xi32>
    %and3A_529 = arith.constant 16383 : i32
    %and3A_530 = vector.broadcast %and3A_529 : i32 to vector<16xi32>
    %and3A_531 = arith.andi %get3A_528, %and3A_530 : vector<16xi32>
    %shift_right_logical3A_532 = arith.constant 14 : i32
    %shift_right_logical3A_533 = vector.broadcast %shift_right_logical3A_532 : i32 to vector<16xi32>
    %shift_right_logical3A_534 = arith.shrui %get3A_528, %shift_right_logical3A_533 : vector<16xi32>
    %swap3A_535 = arith.constant 0 : index
    %swap3A_536 = tpu.vector_load %arg11[%swap3A_535] {strides = array<i32>} : memref<80xi32, #tpu.memory_space<vmem>>, vector<16xi32>,
    %swap3A_537 = vector.shape_cast %swap3A_536 : vector<16xi32> to vector<16xi32>
    %swap3A_538 = vector.shape_cast %and3A_531 : vector<16xi32> to vector<16xi32>
    tpu.vector_store %arg11[%swap3A_535], %swap3A_538 {strides = array<i32>} : memref<80xi32, #tpu.memory_space<vmem>>, vector<16xi32>,
    %eq3A_539 = arith.cmpi eq, %shift_right_logical3A_534, %and3A_531 : vector<16xi32>
    %jit3A_540 = arith.constant 10000 : i32
    %broadcast_in_dim3A_541 = vector.broadcast %jit3A_540 : i32 to vector<16xi32>
    %select_n3A_542 = arith.select %eq3A_539, %broadcast_in_dim3A_541, %shift_right_logical3A_534 : vector<16xi1>, vector<16xi32>
    %swap3A_543 = arith.constant 0 : index
    %swap3A_544 = tpu.vector_load %arg8[%swap3A_543] {strides = array<i32>} : memref<80xi32, #tpu.memory_space<vmem>>, vector<16xi32>,
    %swap3A_545 = vector.shape_cast %swap3A_544 : vector<16xi32> to vector<16xi32>
    %swap3A_546 = vector.shape_cast %select_n3A_542 : vector<16xi32> to vector<16xi32>
    tpu.vector_store %arg8[%swap3A_543], %swap3A_546 {strides = array<i32>} : memref<80xi32, #tpu.memory_space<vmem>>, vector<16xi32>,
    %get3A_547 = arith.constant 9936 : index
    %get3A_548 = tpu.vector_load %arg6[%get3A_547] {strides = array<i32>} : memref<10000xi32, #tpu.memory_space<vmem>>, vector<16xi32>,
    %get3A_549 = vector.shape_cast %get3A_548 : vector<16xi32> to vector<16xi32>
    %and3A_550 = arith.constant 16383 : i32
    %and3A_551 = vector.broadcast %and3A_550 : i32 to vector<16xi32>
    %and3A_552 = arith.andi %get3A_549, %and3A_551 : vector<16xi32>
    %shift_right_logical3A_553 = arith.constant 14 : i32
    %shift_right_logical3A_554 = vector.broadcast %shift_right_logical3A_553 : i32 to vector<16xi32>
    %shift_right_logical3A_555 = arith.shrui %get3A_549, %shift_right_logical3A_554 : vector<16xi32>
    %swap3A_556 = arith.constant 16 : index
    %swap3A_557 = tpu.vector_load %arg11[%swap3A_556] {strides = array<i32>} : memref<80xi32, #tpu.memory_space<vmem>>, vector<16xi32>,
    %swap3A_558 = vector.shape_cast %swap3A_557 : vector<16xi32> to vector<16xi32>
    %swap3A_559 = vector.shape_cast %and3A_552 : vector<16xi32> to vector<16xi32>
    tpu.vector_store %arg11[%swap3A_556], %swap3A_559 {strides = array<i32>} : memref<80xi32, #tpu.memory_space<vmem>>, vector<16xi32>,
    %eq3A_560 = arith.cmpi eq, %shift_right_logical3A_555, %and3A_552 : vector<16xi32>
    %jit3A_561 = arith.constant 10000 : i32
    %broadcast_in_dim3A_562 = vector.broadcast %jit3A_561 : i32 to vector<16xi32>
    %select_n3A_563 = arith.select %eq3A_560, %broadcast_in_dim3A_562, %shift_right_logical3A_555 : vector<16xi1>, vector<16xi32>
    %swap3A_564 = arith.constant 16 : index
    %swap3A_565 = tpu.vector_load %arg8[%swap3A_564] {strides = array<i32>} : memref<80xi32, #tpu.memory_space<vmem>>, vector<16xi32>,
    %swap3A_566 = vector.shape_cast %swap3A_565 : vector<16xi32> to vector<16xi32>
    %swap3A_567 = vector.shape_cast %select_n3A_563 : vector<16xi32> to vector<16xi32>
    tpu.vector_store %arg8[%swap3A_564], %swap3A_567 {strides = array<i32>} : memref<80xi32, #tpu.memory_space<vmem>>, vector<16xi32>,
    %get3A_568 = arith.constant 9952 : index
    %get3A_569 = tpu.vector_load %arg6[%get3A_568] {strides = array<i32>} : memref<10000xi32, #tpu.memory_space<vmem>>, vector<16xi32>,
    %get3A_570 = vector.shape_cast %get3A_569 : vector<16xi32> to vector<16xi32>
    %and3A_571 = arith.constant 16383 : i32
    %and3A_572 = vector.broadcast %and3A_571 : i32 to vector<16xi32>
    %and3A_573 = arith.andi %get3A_570, %and3A_572 : vector<16xi32>
    %shift_right_logical3A_574 = arith.constant 14 : i32
    %shift_right_logical3A_575 = vector.broadcast %shift_right_logical3A_574 : i32 to vector<16xi32>
    %shift_right_logical3A_576 = arith.shrui %get3A_570, %shift_right_logical3A_575 : vector<16xi32>
    %swap3A_577 = arith.constant 32 : index
    %swap3A_578 = tpu.vector_load %arg11[%swap3A_577] {strides = array<i32>} : memref<80xi32, #tpu.memory_space<vmem>>, vector<16xi32>,
    %swap3A_579 = vector.shape_cast %swap3A_578 : vector<16xi32> to vector<16xi32>
    %swap3A_580 = vector.shape_cast %and3A_573 : vector<16xi32> to vector<16xi32>
    tpu.vector_store %arg11[%swap3A_577], %swap3A_580 {strides = array<i32>} : memref<80xi32, #tpu.memory_space<vmem>>, vector<16xi32>,
    %eq3A_581 = arith.cmpi eq, %shift_right_logical3A_576, %and3A_573 : vector<16xi32>
    %jit3A_582 = arith.constant 10000 : i32
    %broadcast_in_dim3A_583 = vector.broadcast %jit3A_582 : i32 to vector<16xi32>
    %select_n3A_584 = arith.select %eq3A_581, %broadcast_in_dim3A_583, %shift_right_logical3A_576 : vector<16xi1>, vector<16xi32>
    %swap3A_585 = arith.constant 32 : index
    %swap3A_586 = tpu.vector_load %arg8[%swap3A_585] {strides = array<i32>} : memref<80xi32, #tpu.memory_space<vmem>>, vector<16xi32>,
    %swap3A_587 = vector.shape_cast %swap3A_586 : vector<16xi32> to vector<16xi32>
    %swap3A_588 = vector.shape_cast %select_n3A_584 : vector<16xi32> to vector<16xi32>
    tpu.vector_store %arg8[%swap3A_585], %swap3A_588 {strides = array<i32>} : memref<80xi32, #tpu.memory_space<vmem>>, vector<16xi32>,
    %get3A_589 = arith.constant 9968 : index
    %get3A_590 = tpu.vector_load %arg6[%get3A_589] {strides = array<i32>} : memref<10000xi32, #tpu.memory_space<vmem>>, vector<16xi32>,
    %get3A_591 = vector.shape_cast %get3A_590 : vector<16xi32> to vector<16xi32>
    %and3A_592 = arith.constant 16383 : i32
    %and3A_593 = vector.broadcast %and3A_592 : i32 to vector<16xi32>
    %and3A_594 = arith.andi %get3A_591, %and3A_593 : vector<16xi32>
    %shift_right_logical3A_595 = arith.constant 14 : i32
    %shift_right_logical3A_596 = vector.broadcast %shift_right_logical3A_595 : i32 to vector<16xi32>
    %shift_right_logical3A_597 = arith.shrui %get3A_591, %shift_right_logical3A_596 : vector<16xi32>
    %swap3A_598 = arith.constant 48 : index
    %swap3A_599 = tpu.vector_load %arg11[%swap3A_598] {strides = array<i32>} : memref<80xi32, #tpu.memory_space<vmem>>, vector<16xi32>,
    %swap3A_600 = vector.shape_cast %swap3A_599 : vector<16xi32> to vector<16xi32>
    %swap3A_601 = vector.shape_cast %and3A_594 : vector<16xi32> to vector<16xi32>
    tpu.vector_store %arg11[%swap3A_598], %swap3A_601 {strides = array<i32>} : memref<80xi32, #tpu.memory_space<vmem>>, vector<16xi32>,
    %eq3A_602 = arith.cmpi eq, %shift_right_logical3A_597, %and3A_594 : vector<16xi32>
    %jit3A_603 = arith.constant 10000 : i32
    %broadcast_in_dim3A_604 = vector.broadcast %jit3A_603 : i32 to vector<16xi32>
    %select_n3A_605 = arith.select %eq3A_602, %broadcast_in_dim3A_604, %shift_right_logical3A_597 : vector<16xi1>, vector<16xi32>
    %swap3A_606 = arith.constant 48 : index
    %swap3A_607 = tpu.vector_load %arg8[%swap3A_606] {strides = array<i32>} : memref<80xi32, #tpu.memory_space<vmem>>, vector<16xi32>,
    %swap3A_608 = vector.shape_cast %swap3A_607 : vector<16xi32> to vector<16xi32>
    %swap3A_609 = vector.shape_cast %select_n3A_605 : vector<16xi32> to vector<16xi32>
    tpu.vector_store %arg8[%swap3A_606], %swap3A_609 {strides = array<i32>} : memref<80xi32, #tpu.memory_space<vmem>>, vector<16xi32>,
    %get3A_610 = arith.constant 9984 : index
    %get3A_611 = tpu.vector_load %arg6[%get3A_610] {strides = array<i32>} : memref<10000xi32, #tpu.memory_space<vmem>>, vector<16xi32>,
    %get3A_612 = vector.shape_cast %get3A_611 : vector<16xi32> to vector<16xi32>
    %and3A_613 = arith.constant 16383 : i32
    %and3A_614 = vector.broadcast %and3A_613 : i32 to vector<16xi32>
    %and3A_615 = arith.andi %get3A_612, %and3A_614 : vector<16xi32>
    %shift_right_logical3A_616 = arith.constant 14 : i32
    %shift_right_logical3A_617 = vector.broadcast %shift_right_logical3A_616 : i32 to vector<16xi32>
    %shift_right_logical3A_618 = arith.shrui %get3A_612, %shift_right_logical3A_617 : vector<16xi32>
    %swap3A_619 = arith.constant 64 : index
    %swap3A_620 = tpu.vector_load %arg11[%swap3A_619] {strides = array<i32>} : memref<80xi32, #tpu.memory_space<vmem>>, vector<16xi32>,
    %swap3A_621 = vector.shape_cast %swap3A_620 : vector<16xi32> to vector<16xi32>
    %swap3A_622 = vector.shape_cast %and3A_615 : vector<16xi32> to vector<16xi32>
    tpu.vector_store %arg11[%swap3A_619], %swap3A_622 {strides = array<i32>} : memref<80xi32, #tpu.memory_space<vmem>>, vector<16xi32>,
    %eq3A_623 = arith.cmpi eq, %shift_right_logical3A_618, %and3A_615 : vector<16xi32>
    %jit3A_624 = arith.constant 10000 : i32
    %broadcast_in_dim3A_625 = vector.broadcast %jit3A_624 : i32 to vector<16xi32>
    %select_n3A_626 = arith.select %eq3A_623, %broadcast_in_dim3A_625, %shift_right_logical3A_618 : vector<16xi1>, vector<16xi32>
    %swap3A_627 = arith.constant 64 : index
    %swap3A_628 = tpu.vector_load %arg8[%swap3A_627] {strides = array<i32>} : memref<80xi32, #tpu.memory_space<vmem>>, vector<16xi32>,
    %swap3A_629 = vector.shape_cast %swap3A_628 : vector<16xi32> to vector<16xi32>
    %swap3A_630 = vector.shape_cast %select_n3A_626 : vector<16xi32> to vector<16xi32>
    tpu.vector_store %arg8[%swap3A_627], %swap3A_630 {strides = array<i32>} : memref<80xi32, #tpu.memory_space<vmem>>, vector<16xi32>,
    %dma_start3A_631 = arith.constant 0 : i32
    %dma_start3A_632 = arith.constant 0 : i32
    %dma_start3A_633 = tpu.memref_slice %arg2[%dma_start3A_631, %dma_start3A_632] : memref<10000x128xf32, #tpu.memory_space<hbm>> -> memref<10000x128xf32, #tpu.memory_space<hbm>>
    tpu.enqueue_indirect_dma source(%dma_start3A_633 : memref<10000x128xf32, #tpu.memory_space<hbm>>) target(%arg14 : memref<80x128xf32, #tpu.memory_space<vmem>>) offsets(%arg11 : memref<80xi32, #tpu.memory_space<vmem>>) semaphore(%arg20 : memref<!tpu.dma_semaphore, #tpu.memory_space<semaphore_mem>>)
    %dma_wait3A_634 = arith.constant 0 : i32
    %dma_wait3A_635 = arith.constant 0 : i32
    %dma_wait3A_636 = tpu.memref_slice %arg2[%dma_wait3A_634, %dma_wait3A_635] : memref<10000x128xf32, #tpu.memory_space<hbm>> -> memref<10000x128xf32, #tpu.memory_space<hbm>>
    tpu.wait_indirect_dma semaphore(%arg19 : memref<!tpu.dma_semaphore, #tpu.memory_space<semaphore_mem>>) src(%dma_wait3A_636 : memref<10000x128xf32, #tpu.memory_space<hbm>>) dst(%arg13 : memref<80x128xf32, #tpu.memory_space<vmem>>)
    %dma_start3A_637 = arith.constant 0 : i32
    %dma_start3A_638 = arith.constant 0 : i32
    %dma_start3A_639 = tpu.memref_slice %arg17[%dma_start3A_637, %dma_start3A_638] : memref<10240x128xf32, #tpu.memory_space<vmem_shared>> -> memref<10240x128xf32, #tpu.memory_space<vmem_shared>>
    tpu.enqueue_indirect_dma source(%arg13 : memref<80x128xf32, #tpu.memory_space<vmem>>) target(%dma_start3A_639 : memref<10240x128xf32, #tpu.memory_space<vmem_shared>>) offsets(%arg7 : memref<80xi32, #tpu.memory_space<vmem>>) semaphore(%arg22 : memref<!tpu.dma_semaphore, #tpu.memory_space<semaphore_mem>>) {add = true}
    %dma_start3A_640 = arith.constant 0 : i32
    %dma_start3A_641 = tpu.memref_slice %arg18[%dma_start3A_640] : memref<10240xf32, #tpu.memory_space<vmem_shared>> -> memref<10240xf32, #tpu.memory_space<vmem_shared>>
    tpu.enqueue_indirect_dma source(%arg16 : memref<80xf32, #tpu.memory_space<vmem>>) target(%dma_start3A_641 : memref<10240xf32, #tpu.memory_space<vmem_shared>>) offsets(%arg7 : memref<80xi32, #tpu.memory_space<vmem>>) semaphore(%arg25 : memref<!tpu.dma_semaphore, #tpu.memory_space<semaphore_mem>>) {add = true}
    %dma_wait3A_642 = arith.constant 0 : i32
    %dma_wait3A_643 = arith.constant 0 : i32
    %dma_wait3A_644 = tpu.memref_slice %arg17[%dma_wait3A_642, %dma_wait3A_643] : memref<10240x128xf32, #tpu.memory_space<vmem_shared>> -> memref<10240x128xf32, #tpu.memory_space<vmem_shared>>
    tpu.wait_indirect_dma semaphore(%arg24 : memref<!tpu.dma_semaphore, #tpu.memory_space<semaphore_mem>>) src(%arg15 : memref<80x128xf32, #tpu.memory_space<vmem>>) dst(%dma_wait3A_644 : memref<10240x128xf32, #tpu.memory_space<vmem_shared>>)
    %dma_wait3A_645 = arith.constant 0 : i32
    %dma_wait3A_646 = tpu.memref_slice %arg18[%dma_wait3A_645] : memref<10240xf32, #tpu.memory_space<vmem_shared>> -> memref<10240xf32, #tpu.memory_space<vmem_shared>>
    tpu.wait_indirect_dma semaphore(%arg27 : memref<!tpu.dma_semaphore, #tpu.memory_space<semaphore_mem>>) src(%arg16 : memref<80xf32, #tpu.memory_space<vmem>>) dst(%dma_wait3A_646 : memref<10240xf32, #tpu.memory_space<vmem_shared>>)
    %dma_wait3A_647 = arith.constant 0 : i32
    %dma_wait3A_648 = arith.constant 0 : i32
    %dma_wait3A_649 = tpu.memref_slice %arg2[%dma_wait3A_647, %dma_wait3A_648] : memref<10000x128xf32, #tpu.memory_space<hbm>> -> memref<10000x128xf32, #tpu.memory_space<hbm>>
    tpu.wait_indirect_dma semaphore(%arg20 : memref<!tpu.dma_semaphore, #tpu.memory_space<semaphore_mem>>) src(%dma_wait3A_649 : memref<10000x128xf32, #tpu.memory_space<hbm>>) dst(%arg14 : memref<80x128xf32, #tpu.memory_space<vmem>>)
    %dma_start3A_650 = arith.constant 0 : i32
    %dma_start3A_651 = arith.constant 0 : i32
    %dma_start3A_652 = tpu.memref_slice %arg17[%dma_start3A_650, %dma_start3A_651] : memref<10240x128xf32, #tpu.memory_space<vmem_shared>> -> memref<10240x128xf32, #tpu.memory_space<vmem_shared>>
    tpu.enqueue_indirect_dma source(%arg14 : memref<80x128xf32, #tpu.memory_space<vmem>>) target(%dma_start3A_652 : memref<10240x128xf32, #tpu.memory_space<vmem_shared>>) offsets(%arg8 : memref<80xi32, #tpu.memory_space<vmem>>) semaphore(%arg23 : memref<!tpu.dma_semaphore, #tpu.memory_space<semaphore_mem>>) {add = true}
    %dma_start3A_653 = arith.constant 0 : i32
    %dma_start3A_654 = tpu.memref_slice %arg18[%dma_start3A_653] : memref<10240xf32, #tpu.memory_space<vmem_shared>> -> memref<10240xf32, #tpu.memory_space<vmem_shared>>
    tpu.enqueue_indirect_dma source(%arg16 : memref<80xf32, #tpu.memory_space<vmem>>) target(%dma_start3A_654 : memref<10240xf32, #tpu.memory_space<vmem_shared>>) offsets(%arg8 : memref<80xi32, #tpu.memory_space<vmem>>) semaphore(%arg26 : memref<!tpu.dma_semaphore, #tpu.memory_space<semaphore_mem>>) {add = true}
    %dma_wait3A_655 = arith.constant 0 : i32
    %dma_wait3A_656 = arith.constant 0 : i32
    %dma_wait3A_657 = tpu.memref_slice %arg17[%dma_wait3A_655, %dma_wait3A_656] : memref<10240x128xf32, #tpu.memory_space<vmem_shared>> -> memref<10240x128xf32, #tpu.memory_space<vmem_shared>>
    tpu.wait_indirect_dma semaphore(%arg22 : memref<!tpu.dma_semaphore, #tpu.memory_space<semaphore_mem>>) src(%arg13 : memref<80x128xf32, #tpu.memory_space<vmem>>) dst(%dma_wait3A_657 : memref<10240x128xf32, #tpu.memory_space<vmem_shared>>)
    %dma_wait3A_658 = arith.constant 0 : i32
    %dma_wait3A_659 = tpu.memref_slice %arg18[%dma_wait3A_658] : memref<10240xf32, #tpu.memory_space<vmem_shared>> -> memref<10240xf32, #tpu.memory_space<vmem_shared>>
    tpu.wait_indirect_dma semaphore(%arg25 : memref<!tpu.dma_semaphore, #tpu.memory_space<semaphore_mem>>) src(%arg16 : memref<80xf32, #tpu.memory_space<vmem>>) dst(%dma_wait3A_659 : memref<10240xf32, #tpu.memory_space<vmem_shared>>)
    %dma_wait3A_660 = arith.constant 0 : i32
    %dma_wait3A_661 = arith.constant 0 : i32
    %dma_wait3A_662 = tpu.memref_slice %arg17[%dma_wait3A_660, %dma_wait3A_661] : memref<10240x128xf32, #tpu.memory_space<vmem_shared>> -> memref<10240x128xf32, #tpu.memory_space<vmem_shared>>
    tpu.wait_indirect_dma semaphore(%arg23 : memref<!tpu.dma_semaphore, #tpu.memory_space<semaphore_mem>>) src(%arg14 : memref<80x128xf32, #tpu.memory_space<vmem>>) dst(%dma_wait3A_662 : memref<10240x128xf32, #tpu.memory_space<vmem_shared>>)
    %dma_wait3A_663 = arith.constant 0 : i32
    %dma_wait3A_664 = tpu.memref_slice %arg18[%dma_wait3A_663] : memref<10240xf32, #tpu.memory_space<vmem_shared>> -> memref<10240xf32, #tpu.memory_space<vmem_shared>>
    tpu.wait_indirect_dma semaphore(%arg26 : memref<!tpu.dma_semaphore, #tpu.memory_space<semaphore_mem>>) src(%arg16 : memref<80xf32, #tpu.memory_space<vmem>>) dst(%dma_wait3A_664 : memref<10240xf32, #tpu.memory_space<vmem_shared>>)
    %barrier3A_665 = arith.constant 0 : index
    tpu.barrier barrier_id(%barrier3A_665)
    "tpu.region"() ({
      %run_scoped3A_666 = tpu.sem_alloc : memref<!tpu.dma_semaphore, #tpu.memory_space<semaphore_mem>>
      %dma_start3A_667 = arith.constant 0 : i32
      %dma_start3A_668 = tpu.memref_slice %arg4[%arg0, %mul3A_31, %dma_start3A_667] : memref<2x10240x128xf32, #tpu.memory_space<hbm>> -> memref<1x640x128xf32, #tpu.memory_space<hbm>>
      %dma_start3A_669 = tpu.memref_squeeze %dma_start3A_668 : memref<1x640x128xf32, #tpu.memory_space<hbm>> -> memref<640x128xf32, #tpu.memory_space<hbm>>
      %dma_start3A_670 = arith.constant 0 : i32
      %dma_start3A_671 = tpu.memref_slice %arg17[%mul3A_31, %dma_start3A_670] : memref<10240x128xf32, #tpu.memory_space<vmem_shared>> -> memref<640x128xf32, #tpu.memory_space<vmem_shared>>
      tpu.enqueue_dma source(%dma_start3A_671 : memref<640x128xf32, #tpu.memory_space<vmem_shared>>) target(%dma_start3A_669 : memref<640x128xf32, #tpu.memory_space<hbm>>) target_semaphore(%run_scoped3A_666 : memref<!tpu.dma_semaphore, #tpu.memory_space<semaphore_mem>>)
      %dma_wait3A_672 = arith.constant 0 : i32
      %dma_wait3A_673 = tpu.memref_slice %arg4[%arg0, %mul3A_31, %dma_wait3A_672] : memref<2x10240x128xf32, #tpu.memory_space<hbm>> -> memref<1x640x128xf32, #tpu.memory_space<hbm>>
      %dma_wait3A_674 = tpu.memref_squeeze %dma_wait3A_673 : memref<1x640x128xf32, #tpu.memory_space<hbm>> -> memref<640x128xf32, #tpu.memory_space<hbm>>
      %dma_wait3A_675 = arith.constant 0 : i32
      %dma_wait3A_676 = tpu.memref_slice %arg17[%mul3A_31, %dma_wait3A_675] : memref<10240x128xf32, #tpu.memory_space<vmem_shared>> -> memref<640x128xf32, #tpu.memory_space<vmem_shared>>
      tpu.wait_dma2 semaphore(%run_scoped3A_666 : memref<!tpu.dma_semaphore, #tpu.memory_space<semaphore_mem>>) src(%dma_wait3A_676 : memref<640x128xf32, #tpu.memory_space<vmem_shared>>) dst(%dma_wait3A_674 : memref<640x128xf32, #tpu.memory_space<hbm>>)
      tpu.yield
    }) : () -> ()
    "tpu.region"() ({
      %run_scoped3A_666 = tpu.sem_alloc : memref<!tpu.dma_semaphore, #tpu.memory_space<semaphore_mem>>
      %dma_start3A_667 = tpu.memref_slice %arg5[%arg0, %mul3A_31] : memref<2x10240xf32, #tpu.memory_space<hbm>> -> memref<1x640xf32, #tpu.memory_space<hbm>>
      %dma_start3A_668 = tpu.memref_squeeze %dma_start3A_667 : memref<1x640xf32, #tpu.memory_space<hbm>> -> memref<640xf32, #tpu.memory_space<hbm>>
      %dma_start3A_669 = tpu.memref_slice %arg18[%mul3A_31] : memref<10240xf32, #tpu.memory_space<vmem_shared>> -> memref<640xf32, #tpu.memory_space<vmem_shared>>
      tpu.enqueue_dma source(%dma_start3A_669 : memref<640xf32, #tpu.memory_space<vmem_shared>>) target(%dma_start3A_668 : memref<640xf32, #tpu.memory_space<hbm>>) target_semaphore(%run_scoped3A_666 : memref<!tpu.dma_semaphore, #tpu.memory_space<semaphore_mem>>)
      %dma_wait3A_670 = tpu.memref_slice %arg5[%arg0, %mul3A_31] : memref<2x10240xf32, #tpu.memory_space<hbm>> -> memref<1x640xf32, #tpu.memory_space<hbm>>
      %dma_wait3A_671 = tpu.memref_squeeze %dma_wait3A_670 : memref<1x640xf32, #tpu.memory_space<hbm>> -> memref<640xf32, #tpu.memory_space<hbm>>
      %dma_wait3A_672 = tpu.memref_slice %arg18[%mul3A_31] : memref<10240xf32, #tpu.memory_space<vmem_shared>> -> memref<640xf32, #tpu.memory_space<vmem_shared>>
      tpu.wait_dma2 semaphore(%run_scoped3A_666 : memref<!tpu.dma_semaphore, #tpu.memory_space<semaphore_mem>>) src(%dma_wait3A_672 : memref<640xf32, #tpu.memory_space<vmem_shared>>) dst(%dma_wait3A_671 : memref<640xf32, #tpu.memory_space<hbm>>)
      tpu.yield
    }) : () -> ()
    return
  }
}

module attributes {stable_mosaic.version = 14 : i64} {
  func.func @_tc_body(%arg0: i32, %arg1: memref<2x2048x128xf32, #tpu.memory_space<vmem>>, %arg2: memref<2x16x128xf32, #tpu.memory_space<vmem>>, %arg3: memref<2048x128xf32, #tpu.memory_space<vmem>>, %arg4: memref<256x128xf32, #tpu.memory_space<vmem>>, %arg5: memref<1x128xf32, #tpu.memory_space<vmem>>, %arg6: memref<2048x128xf32, #tpu.memory_space<vmem>>) attributes {dimension_semantics = [#tpu.dimension_semantics<arbitrary>], iteration_bounds = array<i64: 5>, scalar_prefetch = 0 : i64, scratch_operands = 0 : i64, tpu.core_type = #tpu.core_type<tc>, window_params = [{transform_indices = @transform_0, window_bounds = array<i64: 2, 2048, 128>}, {transform_indices = @transform_1, window_bounds = array<i64: 2, 16, 128>}, {transform_indices = @transform_2, window_bounds = array<i64: 2048, 128>}, {pipeline_mode = #tpu.pipeline_mode<synchronous>, transform_indices = @transform_3, window_bounds = array<i64: 256, 128>}, {pipeline_mode = #tpu.pipeline_mode<synchronous>, transform_indices = @transform_4, window_bounds = array<i64: 1, 128>}, {transform_indices = @transform_5, window_bounds = array<i64: 2048, 128>}]} {
    %get3A = arith.constant 0 : index
    %get3A_0 = arith.constant 0 : index
    %get3A_1 = arith.constant 0 : index
    %get3A_2 = vector.load %arg2[%get3A, %get3A_0, %get3A_1] : memref<2x16x128xf32, #tpu.memory_space<vmem>>, vector<1x16x128xf32>
    %get3A_3 = vector.shape_cast %get3A_2 : vector<1x16x128xf32> to vector<16x128xf32>
    %get3A_4 = arith.constant 1 : index
    %get3A_5 = arith.constant 0 : index
    %get3A_6 = arith.constant 0 : index
    %get3A_7 = vector.load %arg2[%get3A_4, %get3A_5, %get3A_6] : memref<2x16x128xf32, #tpu.memory_space<vmem>>, vector<1x16x128xf32>
    %get3A_8 = vector.shape_cast %get3A_7 : vector<1x16x128xf32> to vector<16x128xf32>
    %add3A = arith.addf %get3A_3, %get3A_8 : vector<16x128xf32>
    %max3A = arith.constant 1.000000e+00 : f32
    %max3A_9 = vector.broadcast %max3A : f32 to vector<16x128xf32>
    %max3A_10 = arith.maximumf %add3A, %max3A_9 : vector<16x128xf32>
    %div3A = arith.constant 1.000000e+00 : f32
    %div3A_11 = vector.broadcast %div3A : f32 to vector<16x128xf32>
    %div3A_12 = arith.divf %div3A_11, %max3A_10 : vector<16x128xf32>
    %broadcast_in_dim3A = vector.shape_cast %div3A_12 : vector<16x128xf32> to vector<16x128x1xf32>
    %broadcast_in_dim3A_13 = vector.shape_cast %broadcast_in_dim3A : vector<16x128x1xf32> to vector<16x128x1xf32>
    %broadcast_in_dim3A_14 = vector.broadcast %broadcast_in_dim3A_13 : vector<16x128x1xf32> to vector<16x128x128xf32>
    %get3A_15 = arith.constant 0 : index
    %get3A_16 = arith.constant 0 : index
    %get3A_17 = arith.constant 0 : index
    %get3A_18 = vector.load %arg1[%get3A_15, %get3A_16, %get3A_17] : memref<2x2048x128xf32, #tpu.memory_space<vmem>>, vector<1x2048x128xf32>
    %get3A_19 = vector.shape_cast %get3A_18 : vector<1x2048x128xf32> to vector<2048x128xf32>
    %get3A_20 = arith.constant 1 : index
    %get3A_21 = arith.constant 0 : index
    %get3A_22 = arith.constant 0 : index
    %get3A_23 = vector.load %arg1[%get3A_20, %get3A_21, %get3A_22] : memref<2x2048x128xf32, #tpu.memory_space<vmem>>, vector<1x2048x128xf32>
    %get3A_24 = vector.shape_cast %get3A_23 : vector<1x2048x128xf32> to vector<2048x128xf32>
    %add3A_25 = arith.addf %get3A_19, %get3A_24 : vector<2048x128xf32>
    %reshape3A = vector.shape_cast %add3A_25 : vector<2048x128xf32> to vector<16x128x128xf32>
    %mul3A = arith.mulf %reshape3A, %broadcast_in_dim3A_14 : vector<16x128x128xf32>
    %reshape3A_26 = vector.shape_cast %mul3A : vector<16x128x128xf32> to vector<2048x128xf32>
    %get3A_27 = arith.constant 0 : index
    %get3A_28 = arith.constant 0 : index
    %get3A_29 = vector.load %arg4[%get3A_27, %get3A_28] : memref<256x128xf32, #tpu.memory_space<vmem>>, vector<128x128xf32>
    %dot_general3A = arith.constant dense<0.000000e+00> : vector<2048x128xf32>
    %dot_general3A_30 = tpu.matmul %reshape3A_26, %get3A_29, %dot_general3A {dimension_numbers = #tpu.dot_dimension_numbers<[1], [0], [0], [1], [0, 0, 1, 1], [], []>, transpose_lhs_hint = false} : vector<2048x128xf32>, vector<128x128xf32>, vector<2048x128xf32> -> vector<2048x128xf32>
    %get3A_31 = arith.constant 0 : index
    %get3A_32 = arith.constant 0 : index
    %get3A_33 = vector.load %arg3[%get3A_31, %get3A_32] : memref<2048x128xf32, #tpu.memory_space<vmem>>, vector<2048x128xf32>
    %get3A_34 = arith.constant 128 : index
    %get3A_35 = arith.constant 0 : index
    %get3A_36 = vector.load %arg4[%get3A_34, %get3A_35] : memref<256x128xf32, #tpu.memory_space<vmem>>, vector<128x128xf32>
    %dot_general3A_37 = arith.constant dense<0.000000e+00> : vector<2048x128xf32>
    %dot_general3A_38 = tpu.matmul %get3A_33, %get3A_36, %dot_general3A_37 {dimension_numbers = #tpu.dot_dimension_numbers<[1], [0], [0], [1], [0, 0, 1, 1], [], []>, transpose_lhs_hint = false} : vector<2048x128xf32>, vector<128x128xf32>, vector<2048x128xf32> -> vector<2048x128xf32>
    %add3A_39 = arith.addf %dot_general3A_30, %dot_general3A_38 : vector<2048x128xf32>
    %get3A_40 = arith.constant 0 : index
    %get3A_41 = arith.constant 0 : index
    %get3A_42 = vector.load %arg5[%get3A_40, %get3A_41] : memref<1x128xf32, #tpu.memory_space<vmem>>, vector<1x128xf32>
    %add3A_43 = vector.broadcast %get3A_42 : vector<1x128xf32> to vector<2048x128xf32>
    %add3A_44 = arith.addf %add3A_39, %add3A_43 : vector<2048x128xf32>
    %mul3A_45 = arith.mulf %add3A_44, %add3A_44 : vector<2048x128xf32>
    %reduce_sum3A = arith.constant dense<0.000000e+00> : vector<2048xf32>
    %reduce_sum3A_46 = vector.multi_reduction <add>, %mul3A_45, %reduce_sum3A [1] : vector<2048x128xf32> to vector<2048xf32>
    %broadcast_in_dim3A_47 = vector.shape_cast %reduce_sum3A_46 : vector<2048xf32> to vector<2048x1xf32>
    %sqrt3A = math.sqrt %broadcast_in_dim3A_47 : vector<2048x1xf32>
    %max3A_48 = arith.constant 9.99999996E-13 : f32
    %max3A_49 = vector.broadcast %max3A_48 : f32 to vector<2048x1xf32>
    %max3A_50 = arith.maximumf %sqrt3A, %max3A_49 : vector<2048x1xf32>
    %div3A_51 = vector.broadcast %max3A_50 : vector<2048x1xf32> to vector<2048x128xf32>
    %div3A_52 = arith.divf %add3A_44, %div3A_51 : vector<2048x128xf32>
    %swap3A = arith.constant 0 : index
    %swap3A_53 = arith.constant 0 : index
    %swap3A_54 = vector.load %arg6[%swap3A, %swap3A_53] : memref<2048x128xf32, #tpu.memory_space<vmem>>, vector<2048x128xf32>
    tpu.vector_store %arg6[%swap3A, %swap3A_53], %div3A_52 {strides = array<i32>} : memref<2048x128xf32, #tpu.memory_space<vmem>>, vector<2048x128xf32>,
    return
  }
  func.func @transform_0(%arg0: i32) -> (i32, i32, i32) {
    %c0_i32 = arith.constant 0 : i32
    %c0_i32_0 = arith.constant 0 : i32
    %c0_i32_1 = arith.constant 0 : i32
    return %c0_i32, %arg0, %c0_i32_0 : i32, i32, i32
  }
  func.func @transform_1(%arg0: i32) -> (i32, i32, i32) {
    %c0_i32 = arith.constant 0 : i32
    %c0_i32_0 = arith.constant 0 : i32
    %c0_i32_1 = arith.constant 0 : i32
    return %c0_i32, %arg0, %c0_i32_0 : i32, i32, i32
  }
  func.func @transform_2(%arg0: i32) -> (i32, i32) {
    %c0_i32 = arith.constant 0 : i32
    %c0_i32_0 = arith.constant 0 : i32
    return %arg0, %c0_i32 : i32, i32
  }
  func.func @transform_3(%arg0: i32) -> (i32, i32) {
    %c0_i32 = arith.constant 0 : i32
    %c0_i32_0 = arith.constant 0 : i32
    %c0_i32_1 = arith.constant 0 : i32
    return %c0_i32, %c0_i32_0 : i32, i32
  }
  func.func @transform_4(%arg0: i32) -> (i32, i32) {
    %c0_i32 = arith.constant 0 : i32
    %c0_i32_0 = arith.constant 0 : i32
    %c0_i32_1 = arith.constant 0 : i32
    return %c0_i32, %c0_i32_0 : i32, i32
  }
  func.func @transform_5(%arg0: i32) -> (i32, i32) {
    %c0_i32 = arith.constant 0 : i32
    %c0_i32_0 = arith.constant 0 : i32
    return %arg0, %c0_i32 : i32, i32
  }
}

</mosaic_0001>

<sc_bundles>
// kernel: kernel.4.cloned.1.call-start
scs
__scs_entry_jumppad:
0x0: {  	(pc) =	sbr.rel $0x88, $3  }
0x1: {  	(tag) =	ssettag $0x0;
	lr =	simm.s32 $0x1  }
0x2: {  	[smem:$0x3F9D] =	sst lr;
	_ =	strace $0xD0000000  }
0x3: {  	_ = 	snop  }
0x4: {  	_ = 	snop  }
0x5: {  	_ = 	snop  }
0x6: {  	_ = 	snop  }
0x7: {  	_ = 	snop  }
__scs_overlays_trampoline_lowered:
0x8: {  	[smem:$0x3FAC] =	sst s0  }
0x9: {  	[smem:$0x3FAD] =	sst s1  }
0xa: {  	[smem:$0x3FAE] =	sst s2  }
0xb: {  	[smem:$0x3FAF] =	sst s3  }
0xc: {  	[smem:$0x3FB0] =	sst s4  }
0xd: {  	[smem:$0x3FB1] =	sst s5  }
0xe: {  	[smem:$0x3FB2] =	sst s6  }
0xf: {  	[smem:$0x3FB3] =	sst s7  }
0x10: {  	[smem:$0x3FB4] =	sst s8  }
0x11: {  	[smem:$0x3FB5] =	sst s9;
	s0 =	simm.s32 @!p0 $0x0  }
0x12: {  	s1 =	sld [smem:$0x3F9B];
	s0 =	simm.s32 @p0 $0x1  }
0x13: {  	[smem:$0x3FB6] =	sst s0;
	s0 =	simm.s32 @!p1 $0x0  }
0x14: {  	s2 =	sld [smem:$0x3F9A];
	s0 =	simm.s32 @p1 $0x1  }
0x15: {  	[smem:$0x3FB7] =	sst s0;
	s0 =	simm.s32 @!p2 $0x0  }
0x16: {  	s3 =	sld [smem:$0x3FDB];
	s0 =	simm.s32 @p2 $0x1  }
0x17: {  	s4 =	simm.s32 $0x1BF5;
	[smem:$0x3FB9] =	sst s0  }
0x18: {  	s0 =	sld [smem:$0x3F9C];
	_ =	swait.ge [sflag:s4], $0x0  }
0x19: {  	s7 =	sld [smem:$0x3F9D]  }
0x1a: {  	s8 =	sadd.s32 $0xFFFFE003, lr  }
0x1b: {  	s9 =	sadd.s32 $0xFFFFFEF7, lr;
	s5 =	simm.s32 $0xFFFFFFFF;
	p2 =	slt.u32 s8, $0xFFFFF086  }
0x1c: {  	p1 =	slt.u32 s9, $0xF7A;
	s5 =	simm.s32 @!p2 $0x0  }
0x1d: {  	s5 =	simm.s32 @p1 $0x1;
	p0 =	seq.s32 s7, s2  }
0x1e: {  	s7 =	smul.u32 @!p0 $0xF7A, s2;
	p2 =	seq.s32 @!p0 s5, $0x0  }
0x1f: {  	s9 =	smul.u32 $0xF7A, s1;
	s8 =	simm.s32 @!p0 $0x1BF5;
	p2 =	por !p2, p0  }
0x20: {  	[sflag:s8] =	ssyncset.s32 @!p0 $0xFFFFF086;
	s6 =	sadd.s32 @!p0 s3, s7;
	s7 =	simm.s32 @!p0 $0x108  }
0x21: {  	s3 =	sadd.s32 s3, s9;
	s6 =	sadd.s32 @!p0 $0x88, s6;
	s7 =	simm.s32 @p2 $0x1082  }
0x22: {  	[simem:s7], [sflag:s8] =	dma.local @!p0 [hbm:s6], $0xF7A  }
0x23: {  	s9 =	sor.u32 $0xD0000000, s2;
	s6 =	simm.s32 $0x108;
	_ =	swait.ge @!p0 [sflag:s8], $0x0  }
0x24: {  	s3 =	sadd.s32 $0x88, s3;
	s6 =	simm.s32 @!p1 $0x1082;
	[sflag:s4] =	ssyncset.s32 $0xFFFFF086  }
0x25: {  	[simem:s6], [sflag:s4] =	dma.local [hbm:s3], $0xF7A  }
0x26: {  	[smem:$0x3F9D] =	sst s1;
	(tag) =	ssettag s2;
	_ =	strace s9  }
0x27: {  	s1 =	sld [smem:$0x3FAD]  }
0x28: {  	s2 =	sld [smem:$0x3FAE]  }
0x29: {  	s4 =	sld [smem:$0x3FB0]  }
0x2a: {  	p0 =	seq.s32 s5, $0x0;
	s5 =	sld [smem:$0x3FB1]  }
0x2b: {  	s6 =	sld [smem:$0x3FB2]  }
0x2c: {  	s7 =	sld [smem:$0x3FB3]  }
0x2d: {  	s3 =	simm.s32 $0x108;
	s8 =	sld [smem:$0x3FB4]  }
0x2e: {  	s3 =	simm.s32 @!p0 $0x1082;
	s9 =	sld [smem:$0x3FB5]  }
0x2f: {  	lr =	sadd.s32 s0, s3;
	s0 =	sld [smem:$0x3FAC]  }
0x30: {  	s3 =	sld [smem:$0x3FAF]  }
0x31: {  	[smem:$0x3FB8] =	sst s10  }
0x32: {  	s10 =	sld [smem:$0x3FB6];
	_ =	sdelay $0x3  }
0x33: {  	p0 =	seq.s32 s10, $0x1;
	s10 =	sld [smem:$0x3FB8];
	_ =	sdelay $0x3  }
0x34: {  	[smem:$0x3FB8] =	sst s10  }
0x35: {  	s10 =	sld [smem:$0x3FB7];
	_ =	sdelay $0x3  }
0x36: {  	p1 =	seq.s32 s10, $0x1;
	s10 =	sld [smem:$0x3FB8];
	_ =	sdelay $0x3  }
0x37: {  	[smem:$0x3FB8] =	sst s10  }
0x38: {  	s10 =	sld [smem:$0x3FB9]  }
0x39: {  	_ = 	snop;
	(pc) =	sbr.ind lr, $3  }
0x3a: {  	_ = 	snop  }
0x3b: {  	_ = 	snop  }
0x3c: {  	p2 =	seq.s32 s10, $0x1;
	s10 =	sld [smem:$0x3FB8]  }
0x3d: {  	_ =	shalt  }
0x3e: {  	_ =	shalt  }
0x3f: {  	_ =	shalt  }
0x40: {  	_ =	shalt  }
0x41: {  	_ =	shalt  }
0x42: {  	_ =	shalt  }
0x43: {  	_ =	shalt  }
0x44: {  	_ =	shalt  }
0x45: {  	_ =	shalt  }
0x46: {  	_ =	shalt  }
0x47: {  	_ =	shalt  }
0x48: {  	_ =	shalt  }
0x49: {  	_ =	shalt  }
0x4a: {  	_ =	shalt  }
0x4b: {  	_ =	shalt  }
0x4c: {  	_ =	shalt  }
0x4d: {  	_ =	shalt  }
0x4e: {  	_ =	shalt  }
0x4f: {  	_ =	shalt  }
0x50: {  	_ =	shalt  }
0x51: {  	_ =	shalt  }
0x52: {  	_ =	shalt  }
0x53: {  	_ =	shalt  }
0x54: {  	_ =	shalt  }
0x55: {  	_ =	shalt  }
0x56: {  	_ =	shalt  }
0x57: {  	_ =	shalt  }
0x58: {  	_ =	shalt  }
0x59: {  	_ =	shalt  }
0x5a: {  	_ =	shalt  }
0x5b: {  	_ =	shalt  }
0x5c: {  	_ =	shalt  }
0x5d: {  	_ =	shalt  }
0x5e: {  	_ =	shalt  }
0x5f: {  	_ =	shalt  }
0x60: {  	_ =	shalt  }
0x61: {  	_ =	shalt  }
0x62: {  	_ =	shalt  }
0x63: {  	_ =	shalt  }
0x64: {  	_ =	shalt  }
0x65: {  	_ =	shalt  }
0x66: {  	_ =	shalt  }
0x67: {  	_ =	shalt  }
0x68: {  	_ =	shalt  }
0x69: {  	_ =	shalt  }
0x6a: {  	_ =	shalt  }
0x6b: {  	_ =	shalt  }
0x6c: {  	_ =	shalt  }
0x6d: {  	_ =	shalt  }
0x6e: {  	_ =	shalt  }
0x6f: {  	_ =	shalt  }
0x70: {  	_ =	shalt  }
0x71: {  	_ =	shalt  }
0x72: {  	_ =	shalt  }
0x73: {  	_ =	shalt  }
0x74: {  	_ =	shalt  }
0x75: {  	_ =	shalt  }
0x76: {  	_ =	shalt  }
0x77: {  	_ =	shalt  }
0x78: {  	_ =	shalt  }
0x79: {  	_ =	shalt  }
0x7a: {  	_ =	shalt  }
0x7b: {  	_ =	shalt  }
0x7c: {  	_ =	shalt  }
0x7d: {  	_ =	shalt  }
0x7e: {  	_ =	shalt  }
0x7f: {  	_ =	shalt  }
0x80: {  	_ =	shalt  }
0x81: {  	_ =	shalt  }
0x82: {  	_ =	shalt  }
0x83: {  	_ =	shalt  }
0x84: {  	_ =	shalt  }
0x85: {  	_ =	shalt  }
0x86: {  	_ =	shalt  }
0x87: {  	_ =	shalt  }
.Lfunc_end0:
.L_simem_size_0:
called_computation_lowered:
.L_overlay_start_0:
0x88: {  	s2 =	sld [smem:$0x3FD9]  }
0x89: {  	s3 =	sld [smem:$0x3FFE];
	_ =	sdelay $0x1  }
0x8a: {  	s1 =	srdreg.scid  }
0x8b: {  	s0 =	sand.u32 $0x1, s1  }
0x8c: {  	s17 =	sshll.u32 s0, $0xA;
	s2 =	sadd.s32 s3, s2  }
0x8d: {  	s2 =	sadd.s32 s2, s17  }
0x8e: {  	[smem:$0x3FC4] =	sst s2  }
0x8f: {  	_ = 	snop  }
0x90: {  	s2 =	sld [smem:$0x3FC9]  }
0x91: {  	s18 =	sld [smem:$0x3FD0];
	(tm) =	ssettm $0x1  }
0x92: {  	s4 =	sld [smem:$0x3FFB];
	_ =	sdelay $0x3  }
0x93: {  	_ =	strace s4  }
0x94: {  	s4 =	sld [smem:$0x3FFC];
	_ =	sdelay $0x3  }
0x95: {  	_ =	strace s4  }
0x96: {  	s4 =	sld [smem:$0x3FFD];
	_ =	sdelay $0x3  }
0x97: {  	_ =	strace s4  }
0x98: {  	_ =	strace $0x8FFFFFFF  }
0x99: {  	s19 =	sld [smem:$0x3FDB];
	_ =	sdelay $0x1  }
0x9a: {  	s5 =	simm.s32 $_scs_section_size  }
0x9b: {  	s6 =	simm.s32 $_size__tile_overlayer_lowered;
	s7 =	simm.s32 $_tile_overlayer_lowered  }
0x9c: {  	s22 =	simm.s32 $0x1BFF;
	s21 =	sshll.u32 s7, $0x1;
	s4 =	sadd.s32 s5, s19  }
0x9d: {  	s8 =	simm.s32 $0x0;
	s20 =	sshll.u32 s6, $0x1;
	s6 =	sadd.s32 s21, s4  }
0x9e: {  	[timem:s8], [sflag:s22] =	dma.local [hbm:s6], s20  }
0x9f: {  	_ =	swait.ge [sflag:s22], s20  }
0xa0: {  	s5 =	ssub.s32 $0x0, s20;
	[sflag:s22] =	ssyncset.done $0x0  }
0xa1: {  	[sflag:s22] =	ssyncadd.s32 s5;
	_ =	sdelay $0x1  }
0xa2: {  	s23 =	simm.s32 $0x1B8B  }
0xa3: {  	_ =	swait.ge [sflag:s23], $0x1  }
0xa4: {  	[sflag:s23] =	ssyncset.done $0x0  }
0xa5: {  	s25 =	simm.s32 $0x1B8E;
	s24 =	sld [smem:$0x3FFE];
	[sflag:s23] =	ssyncadd.s32 $0xFFFFFFFF  }
0xa6: {  	s26 =	simm.s32 $execute0_lowered;
	[smem:$0x3FD2] =	sst s25  }
0xa7: {  	s6 =	sshll.u32 s26, $0x1;
	_ =	strace $0x80000046;
	[dreg:$0x1] =	wrdreg $0xFFFFFFFF  }
0xa8: {  	s28 =	simm.s32 $_size_execute0_lowered;
	s4 =	sadd.s32 s4, s6;
	[dreg:$0x0] =	wrdreg $0x0  }
0xa9: {  	s6 =	sshll.u32 s28, $0x1;
	[dreg:$0x2] =	wrdreg s4  }
0xaa: {  	[dreg:$0x3] =	wrdreg s6  }
0xab: {  	[dreg:$0x4] =	wrdreg $0xC0  }
0xac: {  	_ =	task [dreg:s8], $0x5FFFF  }
0xad: {  	[dreg:$0x1] =	wrdreg $0xFFFFFFFF  }
0xae: {  	[dreg:$0x0] =	wrdreg $0x60  }
0xaf: {  	[dreg:$0x2] =	wrdreg s2  }
0xb0: {  	[dreg:$0x3] =	wrdreg s18  }
0xb1: {  	[dreg:$0x4] =	wrdreg s24  }
0xb2: {  	[dreg:$0x5] =	wrdreg $0xA3000  }
0xb3: {  	[dreg:$0x6] =	wrdreg $0x1E3000  }
0xb4: {  	[dreg:$0x7] =	wrdreg $0x9  }
0xb5: {  	_ =	task.clear_ibuf [dreg:s8], $0x8FFFF;
	_ =	strace $0x90000046  }
0xb6: {  	s29 =	simm.s32 $0x9;
	_ =	strace $0x80000048  }
0xb7: {  	_ =	swait.ge [sflag:s29], $0x1  }
0xb8: {  	[sflag:s29] =	ssyncadd.s32 $0xFFFFFFFF  }
0xb9: {  	_ =	strace $0x90000048  }
0xba: {  	_ =	sfence  }
0xbb: {  	s30 =	sld [smem:$0x0];
	_ =	sdelay $0x2  }
0xbc: {  	s31 =	sshll.u32 s1, $0xD;
	s1 =	sshrl.u32 s1, $0x2  }
0xbd: {  	s3 =	sand.u32 $0x4000, s31;
	s1 =	sadd.s32 s1, s30  }
0xbe: {  	s0 =	sor.u32 s3, s0;
	s1 =	sshll.u32 s1, $0x11  }
0xbf: {  	s0 =	sor.u32 s1, s0  }
0xc0: {  	s0 =	sadd.s32 $0x8F2B, s0  }
0xc1: {  	[sflag:s0] =	ssyncadd.remote.s32 $0x1  }
0xc2: {  	_ =	sfence.sel $0xFFFF  }
0xc3: {  	[dreg:$0x0] =	wrdreg $0xFFFFFFFF;
	(pc) =	sbr.abs _section_cstart, $3  }
0xc4: {  	[dreg:$0x1] =	wrdreg $0xFFFFFFFF  }
0xc5: {  	_ =	task.clear_ibuf [dreg:s8], $0x2FFFF;
	_ =	strace $0x9FFFFFFF  }
0xc6: {  	(tm) =	ssettm $0x7FFFFFFF  }
0xc7: {  	_ =	shalt  }
tec
execute0_lowered:
.L_overlay_start_1:
0x0: {  	(tag) =	ssettag $0x1  }
0x1: {  	s0 =	rddreg [dreg:$0x0]  }
0x2: {  	s1 =	rddreg [dreg:$0x1]  }
0x3: {  	s2 =	rddreg [dreg:$0x2];
	s4 =	srdreg.scid  }
0x4: {  	s3 =	rddreg [dreg:$0x3];
	s11 =	stileid.u32  }
0x5: {  	s9 =	simm.s32 $0x0;
	s28 =	simm.s32 $0x2980;
	s7 =	smul.u32 $0x14000, s11  }
0x6: {  	s29 =	simm.s32 $0x5280;
	s30 =	simm.s32 $0x1;
	s8 =	smul.u32 $0x500, s11  }
0x7: {  	s5 =	sand.u32 $0x1, s4;
	s4 =	rddreg [dreg:$0x4];
	s21 =	smul.u32 $0x50000, s11  }
0x8: {  	s31 =	simm.s32 $0x2780;
	[smem:$0x7FF] =	sst s9;
	s26 =	smul.u32 $0xA00, s11  }
0x9: {  	s20 =	sshll.u32 s11, $0x1;
	s9 =	simm.s32 $0x4;
	s6 =	smul.u32 $0x140000, s5  }
0xa: {  	s19 =	sshll.u32 s5, $0x7;
	_ =	strace $0x80000047;
	s22 =	sor.u32 s5, s20  }
0xb: {  	s5 =	ssub.s32 $0x2, s5;
	s23 =	smul.u32 $0x4E2, s22;
	s24 =	sshrl.u32 s21, $0x2  }
0xc: {  	s25 =	sshrl.u32 s5, $0x1;
	s14 =	sshrl.u32 s26, $0x2;
	s6 =	sadd.s32 s7, s6  }
0xd: {  	s7 =	sor.u32 s19, s8;
	s5 =	ssub.s32 s5, s25;
	s17 =	sadd.s32 s14, s4  }
0xe: {  	s8 =	simm.s32 $0x2800;
	s1 =	sadd.s32 s1, s23;
	[dreg:$0x15] =	wrdreg s17  }
0xf: {  	s14 =	simm.s32 $0x5;
	s20 =	sadd.s32 $0x80, s17;
	[dreg:$0x6] =	wrdreg s1  }
0x10: {  	s6 =	sshrl.u32 s6, $0x3;
	s21 =	sadd.s32 $0x100, s17;
	[dreg:$0xe] =	wrdreg s20  }
0x11: {  	s7 =	sshrl.u32 s7, $0x3;
	s22 =	sadd.s32 $0x180, s17;
	[dreg:$0xf] =	wrdreg s21  }
0x12: {  	s23 =	sadd.s32 $0x200, s17;
	s26 =	smax.u32 s5, $0x1;
	[dreg:$0x10] =	wrdreg s22  }
0x13: {  	s10 =	sadd.s32 s6, s2;
	s6 =	sadd.s32 s24, s3;
	[dreg:$0x11] =	wrdreg s23  }
0x14: {  	s5 =	simm.s32 $0x2A00;
	[dreg:$0x14] =	wrdreg s26;
	s11 =	sadd.s32 $0x2800, s6  }
0x15: {  	s17 =	simm.s32 $0x9;
	s12 =	sadd.s32 $0x5000, s6;
	[dreg:$0x7] =	wrdreg s11  }
0x16: {  	s2 =	sadd.s32 s7, s2;
	s13 =	sadd.s32 $0x7800, s6;
	[dreg:$0x8] =	wrdreg s12  }
0x17: {  	s23 =	simm.s32 $0xA;
	s15 =	sadd.s32 $0xA000, s6;
	[dreg:$0x9] =	wrdreg s13  }
0x18: {  	s26 =	simm.s32 $0x2900;
	s16 =	sadd.s32 $0xC800, s6;
	[dreg:$0xa] =	wrdreg s15  }
0x19: {  	s1 =	simm.s32 $0x7A80;
	s18 =	sadd.s32 $0xF000, s6;
	[dreg:$0xb] =	wrdreg s16  }
0x1a: {  	s7 =	simm.s32 $0x2;
	s19 =	sadd.s32 $0x11800, s6;
	[dreg:$0xc] =	wrdreg s18  }
0x1b: {  	s22 =	simm.s32 $0x20;
	s24 =	sadd.s32 $0x1C00, s10;
	[dreg:$0xd] =	wrdreg s19  }
0x1c: {  	s25 =	sadd.s32 $0x1200, s2;
	s2 =	simm.s32 $0xA280;
	[dreg:$0x12] =	wrdreg s24  }
0x1d: {  	s10 =	simm.s32 $0x7;
	[dreg:$0x13] =	wrdreg s25;
	s24 =	simm.s32 $0x2A80  }
0x1e: {  	s25 =	simm.s32 $0x50;
	s11 =	simm.s32 $0x3;
	s12 =	simm.s32 $0x2880  }
0x1f: {  	v0 =	vimm.f32 $0.0e+00;
	v1 =	vimm.f32 $1.000000000e+00;
	s15 =	simm.s32 $0x8;
	s16 =	simm.s32 $0x6;
	s18 =	simm.s32 $0x0  }
.LBB2_1:
0x20: {  	s19 =	simm.s32 $0x0;
	s20 =	rddreg [dreg:$0x6]  }
0x21: {  	[tilespmem:s19], [sflag:$0xA] =	stream.linear.gather [hbm4b:s20+s19], $0x2710, $0x38;
	[tilespmem:$0x1E580] =	vst v63  }
0x22: {  	_ =	swait.ge [sflag:s23], $0x2710  }
0x23: {  	[sflag:s23] =	ssyncset.done $0x0  }
0x24: {  	s19 =	simm.s32 $0x0;
	s20 =	simm.s32 $0x200;
	[sflag:s23] =	ssyncadd.s32 $0xFFFFD8F0  }
.LBB2_2:
0x25: {  	p0 =	sne.s32 s20, $0x9E00;
	[tilespmem:s19+$0x2AF0] =	vst v0  }
0x26: {  	[tilespmem:s19+$0x2A80] =	vst v0  }
0x27: {  	[tilespmem:s19+$0x2A90] =	vst v0  }
.Ltmp0:
0x28: {  	[tilespmem:s19+$0x2AA0] =	vst v0;
	(pc) =	sbr.rel @p0 .LBB2_2-.Ltmp0, $4  }
0x29: {  	[tilespmem:s19+$0x2AB0] =	vst v0  }
0x2a: {  	[tilespmem:s19+$0x2AC0] =	vst v0  }
0x2b: {  	[tilespmem:s19+$0x2AD0] =	vst v0  }
0x2c: {  	[tilespmem:s19+$0x2AE0] =	vst v0;
	s19 =	sshra.s32 s20, $0x2;
	s20 =	sadd.s32 $0x200, s20  }
0x2d: {  	[tilespmem:s19+$0x2AF0] =	vst v0  }
0x2e: {  	[tilespmem:s19+$0x2A80] =	vst v0  }
0x2f: {  	[tilespmem:s19+$0x2A90] =	vst v0  }
0x30: {  	[tilespmem:s19+$0x2AA0] =	vst v0  }
0x31: {  	[tilespmem:s19+$0x2AB0] =	vst v0  }
0x32: {  	[tilespmem:s19+$0x2AC0] =	vst v0  }
0x33: {  	[tilespmem:s19+$0x2AD0] =	vst v0  }
0x34: {  	[tilespmem:s19+$0x2AE0] =	vst v0  }
0x35: {  	[tilespmem:$0xA280] =	vst v1  }
0x36: {  	[tilespmem:$0xA290] =	vst v1  }
0x37: {  	[tilespmem:$0xA2A0] =	vst v1  }
0x38: {  	[tilespmem:$0xA2B0] =	vst v1  }
0x39: {  	[tilespmem:$0xA2C0] =	vst v1  }
0x3a: {  	[spmem:s6] =	stream.linear.scatter [tilespmem:s24], [sflag:$0xA], $0x2800, $0x38;
	[tilespmem:$0x1E580] =	vst v63  }
0x3b: {  	_ =	swait.ge [sflag:s23], $0x2800  }
0x3c: {  	[sflag:s23] =	ssyncset.done $0x0  }
0x3d: {  	s13 =	rddreg [dreg:$0x7];
	[sflag:s23] =	ssyncadd.s32 $0xFFFFD800  }
0x3e: {  	[spmem:s13] =	stream.linear.scatter [tilespmem:s24], [sflag:$0xA], $0x2800, $0x38;
	[tilespmem:$0x1E580] =	vst v63  }
0x3f: {  	_ =	swait.ge [sflag:s23], $0x2800  }
0x40: {  	[sflag:s23] =	ssyncset.done $0x0  }
0x41: {  	s20 =	rddreg [dreg:$0x8];
	[sflag:s23] =	ssyncadd.s32 $0xFFFFD800  }
0x42: {  	[spmem:s20] =	stream.linear.scatter [tilespmem:s24], [sflag:$0xA], $0x2800, $0x38;
	[tilespmem:$0x1E580] =	vst v63  }
0x43: {  	_ =	swait.ge [sflag:s23], $0x2800  }
0x44: {  	[sflag:s23] =	ssyncset.done $0x0  }
0x45: {  	s21 =	rddreg [dreg:$0x9];
	[sflag:s23] =	ssyncadd.s32 $0xFFFFD800  }
0x46: {  	[spmem:s21] =	stream.linear.scatter [tilespmem:s24], [sflag:$0xA], $0x2800, $0x38;
	[tilespmem:$0x1E580] =	vst v63  }
0x47: {  	_ =	swait.ge [sflag:s23], $0x2800  }
0x48: {  	[sflag:s23] =	ssyncset.done $0x0  }
0x49: {  	s13 =	rddreg [dreg:$0xa];
	[sflag:s23] =	ssyncadd.s32 $0xFFFFD800  }
0x4a: {  	[spmem:s13] =	stream.linear.scatter [tilespmem:s24], [sflag:$0xA], $0x2800, $0x38;
	[tilespmem:$0x1E580] =	vst v63  }
0x4b: {  	_ =	swait.ge [sflag:s23], $0x2800  }
0x4c: {  	[sflag:s23] =	ssyncset.done $0x0  }
0x4d: {  	s20 =	rddreg [dreg:$0xb];
	[sflag:s23] =	ssyncadd.s32 $0xFFFFD800  }
0x4e: {  	[spmem:s20] =	stream.linear.scatter [tilespmem:s24], [sflag:$0xA], $0x2800, $0x38;
	[tilespmem:$0x1E580] =	vst v63  }
0x4f: {  	_ =	swait.ge [sflag:s23], $0x2800  }
0x50: {  	[sflag:s23] =	ssyncset.done $0x0  }
0x51: {  	s21 =	rddreg [dreg:$0xc];
	[sflag:s23] =	ssyncadd.s32 $0xFFFFD800  }
0x52: {  	[spmem:s21] =	stream.linear.scatter [tilespmem:s24], [sflag:$0xA], $0x2800, $0x38;
	[tilespmem:$0x1E580] =	vst v63  }
0x53: {  	_ =	swait.ge [sflag:s23], $0x2800  }
0x54: {  	[sflag:s23] =	ssyncset.done $0x0  }
0x55: {  	s13 =	rddreg [dreg:$0xd];
	[sflag:s23] =	ssyncadd.s32 $0xFFFFD800  }
0x56: {  	[spmem:s13] =	stream.linear.scatter [tilespmem:s24], [sflag:$0xA], $0x2800, $0x38;
	[tilespmem:$0x1E580] =	vst v63  }
0x57: {  	_ =	swait.ge [sflag:s23], $0x2800  }
0x58: {  	[sflag:s23] =	ssyncset.done $0x0  }
0x59: {  	s13 =	rddreg [dreg:$0x15];
	[sflag:s23] =	ssyncadd.s32 $0xFFFFD800  }
0x5a: {  	[spmem:s13] =	stream.linear.scatter [tilespmem:s24], [sflag:$0xA], $0x80, $0x38;
	[tilespmem:$0x1E580] =	vst v63  }
0x5b: {  	_ =	swait.ge [sflag:s23], $0x80  }
0x5c: {  	[sflag:s23] =	ssyncset.done $0x0  }
0x5d: {  	s20 =	rddreg [dreg:$0xe];
	[sflag:s23] =	ssyncadd.s32 $0xFFFFFF80  }
0x5e: {  	[spmem:s20] =	stream.linear.scatter [tilespmem:s24], [sflag:$0xA], $0x80, $0x38;
	[tilespmem:$0x1E580] =	vst v63  }
0x5f: {  	_ =	swait.ge [sflag:s23], $0x80  }
0x60: {  	[sflag:s23] =	ssyncset.done $0x0  }
0x61: {  	s21 =	rddreg [dreg:$0xf];
	[sflag:s23] =	ssyncadd.s32 $0xFFFFFF80  }
0x62: {  	[spmem:s21] =	stream.linear.scatter [tilespmem:s24], [sflag:$0xA], $0x80, $0x38;
	[tilespmem:$0x1E580] =	vst v63  }
0x63: {  	_ =	swait.ge [sflag:s23], $0x80  }
0x64: {  	[sflag:s23] =	ssyncset.done $0x0  }
0x65: {  	s13 =	rddreg [dreg:$0x10];
	[sflag:s23] =	ssyncadd.s32 $0xFFFFFF80  }
0x66: {  	[spmem:s13] =	stream.linear.scatter [tilespmem:s24], [sflag:$0xA], $0x80, $0x38;
	[tilespmem:$0x1E580] =	vst v63  }
0x67: {  	_ =	swait.ge [sflag:s23], $0x80  }
0x68: {  	[sflag:s23] =	ssyncset.done $0x0  }
0x69: {  	s20 =	rddreg [dreg:$0x11];
	[sflag:s23] =	ssyncadd.s32 $0xFFFFFF80  }
0x6a: {  	[spmem:s20] =	stream.linear.scatter [tilespmem:s24], [sflag:$0xA], $0x80, $0x38;
	[tilespmem:$0x1E580] =	vst v63  }
0x6b: {  	_ =	swait.ge [sflag:s23], $0x80  }
0x6c: {  	[sflag:s23] =	ssyncset.done $0x0  }
0x6d: {  	[sflag:s23] =	ssyncadd.s32 $0xFFFFFF80  }
0x6e: {  	[bflag:$0x0] =	sbarrier.arrive $0xFFFF  }
0x6f: {  	v2 =	vld [tilespmem:$0x0];
	_ =	sdelay $0x2  }
0x70: {  	v3 =	vld [tilespmem:$0x10]  }
0x71: {  	v4 =	vld [tilespmem:$0x20]  }
0x72: {  	v6 =	vld [tilespmem:$0x30];
	v5 =	vand.u32 $0x3FFF, v2;
	v2 =	vshrl.u32 v2, $0xE  }
0x73: {  	vm0 =	veq.s32 v2, v5  }
0x74: {  	[tilespmem:$0x2900] =	vst v5;
	v2 =	vsel vm0, $0x2710, v2  }
0x75: {  	v43 =	vand.u32 $0x3FFF, v3;
	[tilespmem:$0x2780] =	vst v2;
	v2 =	vld [tilespmem:$0x40]  }
0x76: {  	v3 =	vshrl.u32 v3, $0xE;
	v44 =	vand.u32 $0x3FFF, v4;
	[tilespmem:$0x2910] =	vst v43  }
0x77: {  	v4 =	vshrl.u32 v4, $0xE;
	v45 =	vand.u32 $0x3FFF, v6;
	vm11 =	veq.s32 v3, v43;
	[tilespmem:$0x2920] =	vst v44  }
0x78: {  	v46 =	vshrl.u32 v6, $0xE;
	vm12 =	veq.s32 v4, v44;
	[tilespmem:$0x2930] =	vst v45;
	v3 =	vsel vm11, $0x2710, v3  }
0x79: {  	vm13 =	veq.s32 v46, v45;
	[tilespmem:$0x2790] =	vst v3;
	v3 =	vsel vm12, $0x2710, v4  }
0x7a: {  	[tilespmem:$0x27A0] =	vst v3;
	v3 =	vsel vm13, $0x2710, v46;
	v47 =	vand.u32 $0x3FFF, v2;
	v2 =	vshrl.u32 v2, $0xE  }
0x7b: {  	[tilespmem:$0x27B0] =	vst v3;
	vm14 =	veq.s32 v2, v47  }
0x7c: {  	[tilespmem:$0x2940] =	vst v47;
	v2 =	vsel vm14, $0x2710, v2  }
0x7d: {  	[tilespmem:$0x27C0] =	vst v2  }
0x7e: {  	[tilespmem:s24], [sflag:$0x1] =	stream.indirect.gather [hbm4b:s0+s25], $0x80, s26, s25, $0xb8;
	[tilespmem:$0x1E580] =	vst v63  }
0x7f: {  	v2 =	vld [tilespmem:$0x50];
	_ =	sdelay $0x2  }
0x80: {  	v3 =	vld [tilespmem:$0x60]  }
0x81: {  	v48 =	vld [tilespmem:$0x70]  }
0x82: {  	v50 =	vld [tilespmem:$0x80];
	v49 =	vand.u32 $0x3FFF, v2;
	v2 =	vshrl.u32 v2, $0xE  }
0x83: {  	vm15 =	veq.s32 v2, v49  }
0x84: {  	[tilespmem:$0x2980] =	vst v49;
	v2 =	vsel vm15, $0x2710, v2  }
0x85: {  	v51 =	vand.u32 $0x3FFF, v3;
	[tilespmem:$0x2800] =	vst v2;
	v2 =	vld [tilespmem:$0x90]  }
0x86: {  	v3 =	vshrl.u32 v3, $0xE;
	v52 =	vand.u32 $0x3FFF, v48;
	[tilespmem:$0x2990] =	vst v51  }
0x87: {  	v4 =	vshrl.u32 v48, $0xE;
	v53 =	vand.u32 $0x3FFF, v50;
	vm4 =	veq.s32 v3, v51;
	[tilespmem:$0x29A0] =	vst v52  }
0x88: {  	v54 =	vshrl.u32 v50, $0xE;
	vm5 =	veq.s32 v4, v52;
	[tilespmem:$0x29B0] =	vst v53;
	v3 =	vsel vm4, $0x2710, v3  }
0x89: {  	vm6 =	veq.s32 v54, v53;
	[tilespmem:$0x2810] =	vst v3;
	v3 =	vsel vm5, $0x2710, v4  }
0x8a: {  	[tilespmem:$0x2820] =	vst v3;
	v3 =	vsel vm6, $0x2710, v54;
	v55 =	vand.u32 $0x3FFF, v2;
	v2 =	vshrl.u32 v2, $0xE  }
0x8b: {  	[tilespmem:$0x2830] =	vst v3;
	vm7 =	veq.s32 v2, v55  }
0x8c: {  	[tilespmem:$0x29C0] =	vst v55;
	v2 =	vsel vm7, $0x2710, v2  }
0x8d: {  	[tilespmem:$0x2840] =	vst v2  }
0x8e: {  	[tilespmem:s29], [sflag:$0x2] =	stream.indirect.gather [hbm4b:s0+s25], $0x80, s28, s25, $0xb8;
	[tilespmem:$0x1E580] =	vst v63  }
0x8f: {  	_ =	swait.ge [sflag:s30], $0x2800  }
0x90: {  	[sflag:s30] =	ssyncset.done $0x0  }
0x91: {  	[sflag:s30] =	ssyncadd.s32 $0xFFFFD800  }
0x92: {  	[spmem:s3] =	stream.indirect.scatter.add.f32 [tilespmem:s24], [sflag:$0x4], $0x80, s31, s25, $0xb8;
	[tilespmem:$0x1E580] =	vst v63  }
0x93: {  	_ = 	snop  }
0x94: {  	[spmem:s4] =	stream.indirect.scatter.add.f32 [tilespmem:s2], [sflag:$0x7], $0x1, s31, s25, $0xb8;
	[tilespmem:$0x1E580] =	vst v63  }
0x95: {  	v2 =	vld [tilespmem:$0xA0];
	_ =	sdelay $0x2  }
0x96: {  	v3 =	vld [tilespmem:$0xB0]  }
0x97: {  	v56 =	vld [tilespmem:$0xC0]  }
0x98: {  	v58 =	vld [tilespmem:$0xD0];
	v57 =	vand.u32 $0x3FFF, v2;
	v2 =	vshrl.u32 v2, $0xE  }
0x99: {  	vm8 =	veq.s32 v2, v57  }
0x9a: {  	[tilespmem:$0x2A00] =	vst v57;
	v2 =	vsel vm8, $0x2710, v2  }
0x9b: {  	v59 =	vand.u32 $0x3FFF, v3;
	[tilespmem:$0x2880] =	vst v2;
	v2 =	vld [tilespmem:$0xE0]  }
0x9c: {  	v3 =	vshrl.u32 v3, $0xE;
	v60 =	vand.u32 $0x3FFF, v56;
	[tilespmem:$0x2A10] =	vst v59  }
0x9d: {  	v4 =	vshrl.u32 v56, $0xE;
	v61 =	vand.u32 $0x3FFF, v58;
	vm9 =	veq.s32 v3, v59;
	[tilespmem:$0x2A20] =	vst v60  }
0x9e: {  	v62 =	vshrl.u32 v58, $0xE;
	vm10 =	veq.s32 v4, v60;
	[tilespmem:$0x2A30] =	vst v61;
	v3 =	vsel vm9, $0x2710, v3  }
0x9f: {  	vm11 =	veq.s32 v62, v61;
	[tilespmem:$0x2890] =	vst v3;
	v3 =	vsel vm10, $0x2710, v4  }
0xa0: {  	[tilespmem:$0x28A0] =	vst v3;
	v3 =	vsel vm11, $0x2710, v62;
	v63 =	vand.u32 $0x3FFF, v2;
	v2 =	vshrl.u32 v2, $0xE  }
0xa1: {  	[tilespmem:$0x28B0] =	vst v3;
	vm12 =	veq.s32 v2, v63  }
0xa2: {  	[tilespmem:$0x2A40] =	vst v63;
	v2 =	vsel vm12, $0x2710, v2  }
0xa3: {  	[tilespmem:$0x28C0] =	vst v2  }
0xa4: {  	[tilespmem:s1], [sflag:$0x3] =	stream.indirect.gather [hbm4b:s0+s25], $0x80, s5, s25, $0xb8;
	[tilespmem:$0x1E580] =	vst v63  }
0xa5: {  	_ =	swait.ge [sflag:s7], $0x2800  }
0xa6: {  	[sflag:s7] =	ssyncset.done $0x0  }
0xa7: {  	[sflag:s7] =	ssyncadd.s32 $0xFFFFD800  }
0xa8: {  	[spmem:s3] =	stream.indirect.scatter.add.f32 [tilespmem:s29], [sflag:$0x5], $0x80, s8, s25, $0xb8;
	[tilespmem:$0x1E580] =	vst v63  }
0xa9: {  	_ = 	snop  }
0xaa: {  	[spmem:s4] =	stream.indirect.scatter.add.f32 [tilespmem:s2], [sflag:$0x8], $0x1, s8, s25, $0xb8;
	[tilespmem:$0x1E580] =	vst v63  }
0xab: {  	_ =	swait.ge [sflag:s9], $0x2800  }
0xac: {  	[sflag:s9] =	ssyncset.done $0x0  }
0xad: {  	[sflag:s9] =	ssyncadd.s32 $0xFFFFD800  }
0xae: {  	_ =	swait.ge [sflag:s10], $0x50  }
0xaf: {  	[sflag:s10] =	ssyncset.done $0x0  }
0xb0: {  	s21 =	simm.s32 $0x1D0;
	[sflag:s10] =	ssyncadd.s32 $0xFFFFFFB0  }
0xb1: {  	v2 =	vld [tilespmem:s21+$0xFFFFFF20];
	_ =	sdelay $0x4  }
0xb2: {  	v3 =	vand.u32 $0x3FFF, v2;
	v2 =	vshrl.u32 v2, $0xE  }
0xb3: {  	vm13 =	veq.s32 v2, v3  }
0xb4: {  	s20 =	simm.s32 $0x0;
	[tilespmem:$0x2900] =	vst v3;
	v2 =	vsel vm13, $0x2710, v2  }
0xb5: {  	s20 =	sand.u32 $0x3FF0, s20;
	[tilespmem:$0x2780] =	vst v2  }
0xb6: {  	v2 =	vld [tilespmem:s20+$0x100];
	_ =	sdelay $0x4  }
0xb7: {  	v3 =	vand.u32 $0x3FFF, v2;
	v2 =	vshrl.u32 v2, $0xE  }
0xb8: {  	vm14 =	veq.s32 v2, v3  }
0xb9: {  	[tilespmem:$0x2910] =	vst v3;
	v2 =	vsel vm14, $0x2710, v2  }
0xba: {  	[tilespmem:$0x2790] =	vst v2  }
0xbb: {  	v2 =	vld [tilespmem:s21+$0xFFFFFF40];
	_ =	sdelay $0x4  }
0xbc: {  	v3 =	vand.u32 $0x3FFF, v2;
	v2 =	vshrl.u32 v2, $0xE  }
0xbd: {  	vm15 =	veq.s32 v2, v3  }
0xbe: {  	[tilespmem:$0x2920] =	vst v3;
	v2 =	vsel vm15, $0x2710, v2  }
0xbf: {  	[tilespmem:$0x27A0] =	vst v2  }
0xc0: {  	v2 =	vld [tilespmem:s21+$0xFFFFFF50];
	_ =	sdelay $0x4  }
0xc1: {  	v3 =	vand.u32 $0x3FFF, v2;
	v2 =	vshrl.u32 v2, $0xE  }
0xc2: {  	vm4 =	veq.s32 v2, v3  }
0xc3: {  	[tilespmem:$0x2930] =	vst v3;
	v2 =	vsel vm4, $0x2710, v2  }
0xc4: {  	[tilespmem:$0x27B0] =	vst v2  }
0xc5: {  	v2 =	vld [tilespmem:s21+$0xFFFFFF60];
	_ =	sdelay $0x4  }
0xc6: {  	v3 =	vand.u32 $0x3FFF, v2;
	v2 =	vshrl.u32 v2, $0xE  }
0xc7: {  	vm5 =	veq.s32 v2, v3  }
0xc8: {  	[tilespmem:$0x2940] =	vst v3;
	v2 =	vsel vm5, $0x2710, v2  }
0xc9: {  	[tilespmem:$0x27C0] =	vst v2  }
0xca: {  	[tilespmem:s24], [sflag:$0x1] =	stream.indirect.gather [hbm4b:s0+s25], $0x80, s26, s25, $0xb8;
	[tilespmem:$0x1E580] =	vst v63  }
0xcb: {  	_ =	swait.ge [sflag:s11], $0x2800  }
0xcc: {  	[sflag:s11] =	ssyncset.done $0x0  }
0xcd: {  	[sflag:s11] =	ssyncadd.s32 $0xFFFFD800  }
0xce: {  	[spmem:s3] =	stream.indirect.scatter.add.f32 [tilespmem:s1], [sflag:$0x6], $0x80, s12, s25, $0xb8;
	[tilespmem:$0x1E580] =	vst v63  }
0xcf: {  	_ = 	snop  }
0xd0: {  	[spmem:s4] =	stream.indirect.scatter.add.f32 [tilespmem:s2], [sflag:$0x9], $0x1, s12, s25, $0xb8;
	[tilespmem:$0x1E580] =	vst v63  }
0xd1: {  	_ =	swait.ge [sflag:s14], $0x2800  }
0xd2: {  	[sflag:s14] =	ssyncset.done $0x0  }
0xd3: {  	[sflag:s14] =	ssyncadd.s32 $0xFFFFD800  }
0xd4: {  	_ =	swait.ge [sflag:s15], $0x50  }
0xd5: {  	[sflag:s15] =	ssyncset.done $0x0  }
0xd6: {  	[sflag:s15] =	ssyncadd.s32 $0xFFFFFFB0  }
0xd7: {  	v2 =	vld [tilespmem:s21+$0xFFFFFF70];
	_ =	sdelay $0x4  }
0xd8: {  	v3 =	vand.u32 $0x3FFF, v2;
	v2 =	vshrl.u32 v2, $0xE  }
0xd9: {  	vm6 =	veq.s32 v2, v3  }
0xda: {  	[tilespmem:$0x2980] =	vst v3;
	v2 =	vsel vm6, $0x2710, v2  }
0xdb: {  	[tilespmem:$0x2800] =	vst v2  }
0xdc: {  	v2 =	vld [tilespmem:s21+$0xFFFFFF80];
	_ =	sdelay $0x4  }
0xdd: {  	v3 =	vand.u32 $0x3FFF, v2;
	v2 =	vshrl.u32 v2, $0xE  }
0xde: {  	vm7 =	veq.s32 v2, v3  }
0xdf: {  	[tilespmem:$0x2990] =	vst v3;
	v2 =	vsel vm7, $0x2710, v2  }
0xe0: {  	[tilespmem:$0x2810] =	vst v2  }
0xe1: {  	v2 =	vld [tilespmem:s21+$0xFFFFFF90];
	_ =	sdelay $0x4  }
0xe2: {  	v3 =	vand.u32 $0x3FFF, v2;
	v2 =	vshrl.u32 v2, $0xE  }
0xe3: {  	vm8 =	veq.s32 v2, v3  }
0xe4: {  	[tilespmem:$0x29A0] =	vst v3;
	v2 =	vsel vm8, $0x2710, v2  }
0xe5: {  	[tilespmem:$0x2820] =	vst v2  }
0xe6: {  	v2 =	vld [tilespmem:s21+$0xFFFFFFA0];
	_ =	sdelay $0x4  }
0xe7: {  	v3 =	vand.u32 $0x3FFF, v2;
	v2 =	vshrl.u32 v2, $0xE  }
0xe8: {  	vm9 =	veq.s32 v2, v3  }
0xe9: {  	[tilespmem:$0x29B0] =	vst v3;
	v2 =	vsel vm9, $0x2710, v2  }
0xea: {  	[tilespmem:$0x2830] =	vst v2  }
0xeb: {  	v2 =	vld [tilespmem:s20+$0x180];
	_ =	sdelay $0x4  }
0xec: {  	v3 =	vand.u32 $0x3FFF, v2;
	v2 =	vshrl.u32 v2, $0xE  }
0xed: {  	vm10 =	veq.s32 v2, v3  }
0xee: {  	[tilespmem:$0x29C0] =	vst v3;
	v2 =	vsel vm10, $0x2710, v2  }
0xef: {  	[tilespmem:$0x2840] =	vst v2  }
0xf0: {  	[tilespmem:s29], [sflag:$0x2] =	stream.indirect.gather [hbm4b:s0+s25], $0x80, s28, s25, $0xb8;
	[tilespmem:$0x1E580] =	vst v63  }
0xf1: {  	_ =	swait.ge [sflag:s30], $0x2800  }
0xf2: {  	[sflag:s30] =	ssyncset.done $0x0  }
0xf3: {  	[sflag:s30] =	ssyncadd.s32 $0xFFFFD800  }
0xf4: {  	[spmem:s3] =	stream.indirect.scatter.add.f32 [tilespmem:s24], [sflag:$0x4], $0x80, s31, s25, $0xb8;
	[tilespmem:$0x1E580] =	vst v63  }
0xf5: {  	_ = 	snop  }
0xf6: {  	[spmem:s4] =	stream.indirect.scatter.add.f32 [tilespmem:s2], [sflag:$0x7], $0x1, s31, s25, $0xb8;
	[tilespmem:$0x1E580] =	vst v63  }
0xf7: {  	_ =	swait.ge [sflag:s16], $0x2800  }
0xf8: {  	[sflag:s16] =	ssyncset.done $0x0  }
0xf9: {  	[sflag:s16] =	ssyncadd.s32 $0xFFFFD800  }
0xfa: {  	_ =	swait.ge [sflag:s17], $0x50  }
0xfb: {  	[sflag:s17] =	ssyncset.done $0x0  }
0xfc: {  	[sflag:s17] =	ssyncadd.s32 $0xFFFFFFB0  }
0xfd: {  	v2 =	vld [tilespmem:s21+$0xFFFFFFC0];
	_ =	sdelay $0x4  }
0xfe: {  	v3 =	vand.u32 $0x3FFF, v2;
	v2 =	vshrl.u32 v2, $0xE  }
0xff: {  	vm11 =	veq.s32 v2, v3  }
0x100: {  	[tilespmem:$0x2A00] =	vst v3;
	v2 =	vsel vm11, $0x2710, v2  }
0x101: {  	[tilespmem:$0x2880] =	vst v2  }
0x102: {  	v2 =	vld [tilespmem:s21+$0xFFFFFFD0];
	_ =	sdelay $0x4  }
0x103: {  	v3 =	vand.u32 $0x3FFF, v2;
	v2 =	vshrl.u32 v2, $0xE  }
0x104: {  	vm12 =	veq.s32 v2, v3  }
0x105: {  	[tilespmem:$0x2A10] =	vst v3;
	v2 =	vsel vm12, $0x2710, v2  }
0x106: {  	[tilespmem:$0x2890] =	vst v2  }
0x107: {  	v2 =	vld [tilespmem:s21+$0xFFFFFFE0];
	_ =	sdelay $0x4  }
0x108: {  	v3 =	vand.u32 $0x3FFF, v2;
	v2 =	vshrl.u32 v2, $0xE  }
0x109: {  	vm13 =	veq.s32 v2, v3  }
0x10a: {  	[tilespmem:$0x2A20] =	vst v3;
	v2 =	vsel vm13, $0x2710, v2  }
0x10b: {  	[tilespmem:$0x28A0] =	vst v2  }
0x10c: {  	v2 =	vld [tilespmem:s21+$0xFFFFFFF0];
	_ =	sdelay $0x4  }
0x10d: {  	v3 =	vand.u32 $0x3FFF, v2;
	v2 =	vshrl.u32 v2, $0xE  }
0x10e: {  	vm14 =	veq.s32 v2, v3  }
0x10f: {  	[tilespmem:$0x2A30] =	vst v3;
	v2 =	vsel vm14, $0x2710, v2  }
0x110: {  	[tilespmem:$0x28B0] =	vst v2  }
0x111: {  	v2 =	vld [tilespmem:s21+$0x0];
	_ =	sdelay $0x4  }
0x112: {  	v3 =	vand.u32 $0x3FFF, v2;
	v2 =	vshrl.u32 v2, $0xE  }
0x113: {  	vm15 =	veq.s32 v2, v3  }
0x114: {  	[tilespmem:$0x2A40] =	vst v3;
	v2 =	vsel vm15, $0x2710, v2  }
0x115: {  	[tilespmem:$0x28C0] =	vst v2  }
0x116: {  	[tilespmem:s1], [sflag:$0x3] =	stream.indirect.gather [hbm4b:s0+s25], $0x80, s5, s25, $0xb8;
	[tilespmem:$0x1E580] =	vst v63  }
0x117: {  	_ =	swait.ge [sflag:s7], $0x2800  }
0x118: {  	[sflag:s7] =	ssyncset.done $0x0  }
0x119: {  	s19 =	simm.s32 $0xF0;
	s20 =	simm.s32 $0x2C0;
	[sflag:s7] =	ssyncadd.s32 $0xFFFFD800  }
0x11a: {  	[spmem:s3] =	stream.indirect.scatter.add.f32 [tilespmem:s29], [sflag:$0x5], $0x80, s8, s25, $0xb8;
	[tilespmem:$0x1E580] =	vst v63  }
.LBB2_4:
0x11b: {  	[spmem:s4] =	stream.indirect.scatter.add.f32 [tilespmem:s2], [sflag:$0x8], $0x1, s8, s25, $0xb8;
	[tilespmem:$0x1E580] =	vst v63  }
0x11c: {  	s21 =	smov.u32 s19  }
0x11d: {  	p0 =	sne.s32 s19, $0x2490;
	s19 =	sadd.s32 $0xF0, s19;
	_ =	swait.ge [sflag:s9], $0x2800  }
0x11e: {  	[sflag:s9] =	ssyncset.done $0x0  }
0x11f: {  	[sflag:s9] =	ssyncadd.s32 $0xFFFFD800  }
0x120: {  	_ =	swait.ge [sflag:s10], $0x50  }
0x121: {  	[sflag:s10] =	ssyncset.done $0x0  }
0x122: {  	[sflag:s10] =	ssyncadd.s32 $0xFFFFFFB0  }
0x123: {  	v2 =	vld [tilespmem:s20+$0xFFFFFF20];
	_ =	sdelay $0x4  }
0x124: {  	v3 =	vand.u32 $0x3FFF, v2;
	v2 =	vshrl.u32 v2, $0xE  }
0x125: {  	vm0 =	veq.s32 v2, v3  }
0x126: {  	[tilespmem:$0x2900] =	vst v3;
	v2 =	vsel vm0, $0x2710, v2  }
0x127: {  	s21 =	sand.u32 $0x3FF0, s21;
	[tilespmem:$0x2780] =	vst v2  }
0x128: {  	v2 =	vld [tilespmem:s21+$0x100];
	_ =	sdelay $0x4  }
0x129: {  	v3 =	vand.u32 $0x3FFF, v2;
	v2 =	vshrl.u32 v2, $0xE  }
0x12a: {  	[tilespmem:$0x2910] =	vst v3;
	vm0 =	veq.s32 v2, v3  }
0x12b: {  	v2 =	vsel vm0, $0x2710, v2  }
0x12c: {  	[tilespmem:$0x2790] =	vst v2  }
0x12d: {  	v2 =	vld [tilespmem:s20+$0xFFFFFF40];
	_ =	sdelay $0x4  }
0x12e: {  	v3 =	vand.u32 $0x3FFF, v2;
	v2 =	vshrl.u32 v2, $0xE  }
0x12f: {  	[tilespmem:$0x2920] =	vst v3;
	vm0 =	veq.s32 v2, v3  }
0x130: {  	v2 =	vsel vm0, $0x2710, v2  }
0x131: {  	[tilespmem:$0x27A0] =	vst v2  }
0x132: {  	v2 =	vld [tilespmem:s20+$0xFFFFFF50];
	_ =	sdelay $0x4  }
0x133: {  	v3 =	vand.u32 $0x3FFF, v2;
	v2 =	vshrl.u32 v2, $0xE  }
0x134: {  	[tilespmem:$0x2930] =	vst v3;
	vm0 =	veq.s32 v2, v3  }
0x135: {  	v2 =	vsel vm0, $0x2710, v2  }
0x136: {  	[tilespmem:$0x27B0] =	vst v2  }
0x137: {  	v2 =	vld [tilespmem:s20+$0xFFFFFF60];
	_ =	sdelay $0x4  }
0x138: {  	v3 =	vand.u32 $0x3FFF, v2;
	v2 =	vshrl.u32 v2, $0xE  }
0x139: {  	[tilespmem:$0x2940] =	vst v3;
	vm0 =	veq.s32 v2, v3  }
0x13a: {  	v2 =	vsel vm0, $0x2710, v2  }
0x13b: {  	[tilespmem:$0x27C0] =	vst v2  }
0x13c: {  	[tilespmem:s24], [sflag:$0x1] =	stream.indirect.gather [hbm4b:s0+s25], $0x80, s26, s25, $0xb8;
	[tilespmem:$0x1E580] =	vst v63  }
0x13d: {  	_ =	swait.ge [sflag:s11], $0x2800  }
0x13e: {  	[sflag:s11] =	ssyncset.done $0x0  }
0x13f: {  	[sflag:s11] =	ssyncadd.s32 $0xFFFFD800  }
0x140: {  	[spmem:s3] =	stream.indirect.scatter.add.f32 [tilespmem:s1], [sflag:$0x6], $0x80, s12, s25, $0xb8;
	[tilespmem:$0x1E580] =	vst v63  }
0x141: {  	_ = 	snop  }
0x142: {  	[spmem:s4] =	stream.indirect.scatter.add.f32 [tilespmem:s2], [sflag:$0x9], $0x1, s12, s25, $0xb8;
	[tilespmem:$0x1E580] =	vst v63  }
0x143: {  	_ =	swait.ge [sflag:s14], $0x2800  }
0x144: {  	[sflag:s14] =	ssyncset.done $0x0  }
0x145: {  	[sflag:s14] =	ssyncadd.s32 $0xFFFFD800  }
0x146: {  	_ =	swait.ge [sflag:s15], $0x50  }
0x147: {  	[sflag:s15] =	ssyncset.done $0x0  }
0x148: {  	[sflag:s15] =	ssyncadd.s32 $0xFFFFFFB0  }
0x149: {  	v2 =	vld [tilespmem:s20+$0xFFFFFF70];
	_ =	sdelay $0x4  }
0x14a: {  	v3 =	vand.u32 $0x3FFF, v2;
	v2 =	vshrl.u32 v2, $0xE  }
0x14b: {  	vm0 =	veq.s32 v2, v3  }
0x14c: {  	[tilespmem:$0x2980] =	vst v3;
	v2 =	vsel vm0, $0x2710, v2  }
0x14d: {  	[tilespmem:$0x2800] =	vst v2  }
0x14e: {  	v2 =	vld [tilespmem:s20+$0xFFFFFF80];
	_ =	sdelay $0x4  }
0x14f: {  	v3 =	vand.u32 $0x3FFF, v2;
	v2 =	vshrl.u32 v2, $0xE  }
0x150: {  	[tilespmem:$0x2990] =	vst v3;
	vm0 =	veq.s32 v2, v3  }
0x151: {  	v2 =	vsel vm0, $0x2710, v2  }
0x152: {  	[tilespmem:$0x2810] =	vst v2  }
0x153: {  	v2 =	vld [tilespmem:s20+$0xFFFFFF90];
	_ =	sdelay $0x4  }
0x154: {  	v3 =	vand.u32 $0x3FFF, v2;
	v2 =	vshrl.u32 v2, $0xE  }
0x155: {  	[tilespmem:$0x29A0] =	vst v3;
	vm0 =	veq.s32 v2, v3  }
0x156: {  	v2 =	vsel vm0, $0x2710, v2  }
0x157: {  	[tilespmem:$0x2820] =	vst v2  }
0x158: {  	v2 =	vld [tilespmem:s20+$0xFFFFFFA0];
	_ =	sdelay $0x4  }
0x159: {  	v3 =	vand.u32 $0x3FFF, v2;
	v2 =	vshrl.u32 v2, $0xE  }
0x15a: {  	[tilespmem:$0x29B0] =	vst v3;
	vm0 =	veq.s32 v2, v3  }
0x15b: {  	v2 =	vsel vm0, $0x2710, v2  }
0x15c: {  	[tilespmem:$0x2830] =	vst v2  }
0x15d: {  	v2 =	vld [tilespmem:s21+$0x180];
	_ =	sdelay $0x4  }
0x15e: {  	v3 =	vand.u32 $0x3FFF, v2;
	v2 =	vshrl.u32 v2, $0xE  }
0x15f: {  	[tilespmem:$0x29C0] =	vst v3;
	vm0 =	veq.s32 v2, v3  }
0x160: {  	v2 =	vsel vm0, $0x2710, v2  }
0x161: {  	[tilespmem:$0x2840] =	vst v2  }
0x162: {  	[tilespmem:s29], [sflag:$0x2] =	stream.indirect.gather [hbm4b:s0+s25], $0x80, s28, s25, $0xb8;
	[tilespmem:$0x1E580] =	vst v63  }
0x163: {  	_ =	swait.ge [sflag:s30], $0x2800  }
0x164: {  	[sflag:s30] =	ssyncset.done $0x0  }
0x165: {  	[sflag:s30] =	ssyncadd.s32 $0xFFFFD800  }
0x166: {  	[spmem:s3] =	stream.indirect.scatter.add.f32 [tilespmem:s24], [sflag:$0x4], $0x80, s31, s25, $0xb8;
	[tilespmem:$0x1E580] =	vst v63  }
0x167: {  	_ = 	snop  }
0x168: {  	[spmem:s4] =	stream.indirect.scatter.add.f32 [tilespmem:s2], [sflag:$0x7], $0x1, s31, s25, $0xb8;
	[tilespmem:$0x1E580] =	vst v63  }
0x169: {  	_ =	swait.ge [sflag:s16], $0x2800  }
0x16a: {  	[sflag:s16] =	ssyncset.done $0x0  }
0x16b: {  	[sflag:s16] =	ssyncadd.s32 $0xFFFFD800  }
0x16c: {  	_ =	swait.ge [sflag:s17], $0x50  }
0x16d: {  	[sflag:s17] =	ssyncset.done $0x0  }
0x16e: {  	[sflag:s17] =	ssyncadd.s32 $0xFFFFFFB0  }
0x16f: {  	v2 =	vld [tilespmem:s20+$0xFFFFFFC0];
	_ =	sdelay $0x4  }
0x170: {  	v3 =	vand.u32 $0x3FFF, v2;
	v2 =	vshrl.u32 v2, $0xE  }
0x171: {  	vm0 =	veq.s32 v2, v3  }
0x172: {  	[tilespmem:$0x2A00] =	vst v3;
	v2 =	vsel vm0, $0x2710, v2  }
0x173: {  	[tilespmem:$0x2880] =	vst v2  }
0x174: {  	v2 =	vld [tilespmem:s20+$0xFFFFFFD0];
	_ =	sdelay $0x4  }
0x175: {  	v3 =	vand.u32 $0x3FFF, v2;
	v2 =	vshrl.u32 v2, $0xE  }
0x176: {  	[tilespmem:$0x2A10] =	vst v3;
	vm0 =	veq.s32 v2, v3  }
0x177: {  	v2 =	vsel vm0, $0x2710, v2  }
0x178: {  	[tilespmem:$0x2890] =	vst v2  }
0x179: {  	v2 =	vld [tilespmem:s20+$0xFFFFFFE0];
	_ =	sdelay $0x4  }
0x17a: {  	v3 =	vand.u32 $0x3FFF, v2;
	v2 =	vshrl.u32 v2, $0xE  }
0x17b: {  	[tilespmem:$0x2A20] =	vst v3;
	vm0 =	veq.s32 v2, v3  }
0x17c: {  	v2 =	vsel vm0, $0x2710, v2  }
0x17d: {  	[tilespmem:$0x28A0] =	vst v2  }
0x17e: {  	v2 =	vld [tilespmem:s20+$0xFFFFFFF0];
	_ =	sdelay $0x4  }
0x17f: {  	v3 =	vand.u32 $0x3FFF, v2;
	v2 =	vshrl.u32 v2, $0xE  }
0x180: {  	[tilespmem:$0x2A30] =	vst v3;
	vm0 =	veq.s32 v2, v3  }
0x181: {  	v2 =	vsel vm0, $0x2710, v2  }
0x182: {  	[tilespmem:$0x28B0] =	vst v2  }
0x183: {  	v2 =	vld [tilespmem:s20+$0x0];
	_ =	sdelay $0x4  }
0x184: {  	v3 =	vand.u32 $0x3FFF, v2;
	v2 =	vshrl.u32 v2, $0xE  }
0x185: {  	[tilespmem:$0x2A40] =	vst v3;
	vm0 =	veq.s32 v2, v3  }
0x186: {  	v2 =	vsel vm0, $0x2710, v2  }
0x187: {  	[tilespmem:$0x28C0] =	vst v2  }
0x188: {  	[tilespmem:s1], [sflag:$0x3] =	stream.indirect.gather [hbm4b:s0+s25], $0x80, s5, s25, $0xb8;
	[tilespmem:$0x1E580] =	vst v63  }
.Ltmp1:
0x189: {  	_ =	swait.ge [sflag:s7], $0x2800;
	(pc) =	sbr.rel @p0 .LBB2_4-.Ltmp1, $4  }
0x18a: {  	[sflag:s7] =	ssyncset.done $0x0  }
0x18b: {  	[sflag:s7] =	ssyncadd.s32 $0xFFFFD800  }
0x18c: {  	[spmem:s3] =	stream.indirect.scatter.add.f32 [tilespmem:s29], [sflag:$0x5], $0x80, s8, s25, $0xb8;
	[tilespmem:$0x1E580] =	vst v63  }
0x18d: {  	s20 =	sadd.s32 $0xF0, s20  }
0x18e: {  	[spmem:s4] =	stream.indirect.scatter.add.f32 [tilespmem:s2], [sflag:$0x8], $0x1, s8, s25, $0xb8;
	[tilespmem:$0x1E580] =	vst v63  }
0x18f: {  	_ =	swait.ge [sflag:s9], $0x2800  }
0x190: {  	[sflag:s9] =	ssyncset.done $0x0  }
0x191: {  	[sflag:s9] =	ssyncadd.s32 $0xFFFFD800  }
0x192: {  	_ =	swait.ge [sflag:s10], $0x50  }
0x193: {  	[sflag:s10] =	ssyncset.done $0x0  }
0x194: {  	[sflag:s10] =	ssyncadd.s32 $0xFFFFFFB0  }
0x195: {  	v2 =	vld [tilespmem:$0x2670];
	_ =	sdelay $0x2  }
0x196: {  	v3 =	vld [tilespmem:$0x2680]  }
0x197: {  	v4 =	vld [tilespmem:$0x2690]  }
0x198: {  	v6 =	vld [tilespmem:$0x26A0];
	v5 =	vand.u32 $0x3FFF, v2;
	v2 =	vshrl.u32 v2, $0xE  }
0x199: {  	vm0 =	veq.s32 v2, v5  }
0x19a: {  	[tilespmem:$0x2900] =	vst v5;
	v2 =	vsel vm0, $0x2710, v2  }
0x19b: {  	v51 =	vand.u32 $0x3FFF, v3;
	[tilespmem:$0x2780] =	vst v2;
	v2 =	vld [tilespmem:$0x26B0]  }
0x19c: {  	v3 =	vshrl.u32 v3, $0xE;
	v52 =	vand.u32 $0x3FFF, v4;
	[tilespmem:$0x2910] =	vst v51  }
0x19d: {  	v4 =	vshrl.u32 v4, $0xE;
	v53 =	vand.u32 $0x3FFF, v6;
	vm7 =	veq.s32 v3, v51;
	[tilespmem:$0x2920] =	vst v52  }
0x19e: {  	v54 =	vshrl.u32 v6, $0xE;
	vm8 =	veq.s32 v4, v52;
	[tilespmem:$0x2930] =	vst v53;
	v3 =	vsel vm7, $0x2710, v3  }
0x19f: {  	vm9 =	veq.s32 v54, v53;
	[tilespmem:$0x2790] =	vst v3;
	v3 =	vsel vm8, $0x2710, v4  }
0x1a0: {  	[tilespmem:$0x27A0] =	vst v3;
	v3 =	vsel vm9, $0x2710, v54;
	v55 =	vand.u32 $0x3FFF, v2;
	v2 =	vshrl.u32 v2, $0xE  }
0x1a1: {  	[tilespmem:$0x27B0] =	vst v3;
	vm10 =	veq.s32 v2, v55  }
0x1a2: {  	[tilespmem:$0x2940] =	vst v55;
	v2 =	vsel vm10, $0x2710, v2  }
0x1a3: {  	[tilespmem:$0x27C0] =	vst v2  }
0x1a4: {  	[tilespmem:s24], [sflag:$0x1] =	stream.indirect.gather [hbm4b:s0+s25], $0x80, s26, s25, $0xb8;
	[tilespmem:$0x1E580] =	vst v63  }
0x1a5: {  	_ =	swait.ge [sflag:s11], $0x2800  }
0x1a6: {  	[sflag:s11] =	ssyncset.done $0x0  }
0x1a7: {  	[sflag:s11] =	ssyncadd.s32 $0xFFFFD800  }
0x1a8: {  	[spmem:s3] =	stream.indirect.scatter.add.f32 [tilespmem:s1], [sflag:$0x6], $0x80, s12, s25, $0xb8;
	[tilespmem:$0x1E580] =	vst v63  }
0x1a9: {  	_ = 	snop  }
0x1aa: {  	[spmem:s4] =	stream.indirect.scatter.add.f32 [tilespmem:s2], [sflag:$0x9], $0x1, s12, s25, $0xb8;
	[tilespmem:$0x1E580] =	vst v63  }
0x1ab: {  	_ =	swait.ge [sflag:s14], $0x2800  }
0x1ac: {  	[sflag:s14] =	ssyncset.done $0x0  }
0x1ad: {  	[sflag:s14] =	ssyncadd.s32 $0xFFFFD800  }
0x1ae: {  	_ =	swait.ge [sflag:s15], $0x50  }
0x1af: {  	[sflag:s15] =	ssyncset.done $0x0  }
0x1b0: {  	[sflag:s15] =	ssyncadd.s32 $0xFFFFFFB0  }
0x1b1: {  	v2 =	vld [tilespmem:$0x26C0];
	_ =	sdelay $0x2  }
0x1b2: {  	v3 =	vld [tilespmem:$0x26D0]  }
0x1b3: {  	v56 =	vld [tilespmem:$0x26E0]  }
0x1b4: {  	v58 =	vld [tilespmem:$0x26F0];
	v57 =	vand.u32 $0x3FFF, v2;
	v2 =	vshrl.u32 v2, $0xE  }
0x1b5: {  	vm11 =	veq.s32 v2, v57  }
0x1b6: {  	[tilespmem:$0x2980] =	vst v57;
	v2 =	vsel vm11, $0x2710, v2  }
0x1b7: {  	v59 =	vand.u32 $0x3FFF, v3;
	[tilespmem:$0x2800] =	vst v2;
	v2 =	vld [tilespmem:$0x2700]  }
0x1b8: {  	v3 =	vshrl.u32 v3, $0xE;
	v60 =	vand.u32 $0x3FFF, v56;
	[tilespmem:$0x2990] =	vst v59  }
0x1b9: {  	v4 =	vshrl.u32 v56, $0xE;
	v61 =	vand.u32 $0x3FFF, v58;
	vm12 =	veq.s32 v3, v59;
	[tilespmem:$0x29A0] =	vst v60  }
0x1ba: {  	v62 =	vshrl.u32 v58, $0xE;
	vm13 =	veq.s32 v4, v60;
	[tilespmem:$0x29B0] =	vst v61;
	v3 =	vsel vm12, $0x2710, v3  }
0x1bb: {  	vm14 =	veq.s32 v62, v61;
	[tilespmem:$0x2810] =	vst v3;
	v3 =	vsel vm13, $0x2710, v4  }
0x1bc: {  	[tilespmem:$0x2820] =	vst v3;
	v3 =	vsel vm14, $0x2710, v62;
	v63 =	vand.u32 $0x3FFF, v2;
	v2 =	vshrl.u32 v2, $0xE  }
0x1bd: {  	[tilespmem:$0x2830] =	vst v3;
	vm15 =	veq.s32 v2, v63  }
0x1be: {  	[tilespmem:$0x29C0] =	vst v63;
	v2 =	vsel vm15, $0x2710, v2  }
0x1bf: {  	[tilespmem:$0x2840] =	vst v2  }
0x1c0: {  	[tilespmem:s29], [sflag:$0x2] =	stream.indirect.gather [hbm4b:s0+s25], $0x80, s28, s25, $0xb8;
	[tilespmem:$0x1E580] =	vst v63  }
0x1c1: {  	_ =	swait.ge [sflag:s30], $0x2800  }
0x1c2: {  	[sflag:s30] =	ssyncset.done $0x0  }
0x1c3: {  	[sflag:s30] =	ssyncadd.s32 $0xFFFFD800  }
0x1c4: {  	[spmem:s3] =	stream.indirect.scatter.add.f32 [tilespmem:s24], [sflag:$0x4], $0x80, s31, s25, $0xb8;
	[tilespmem:$0x1E580] =	vst v63  }
0x1c5: {  	_ = 	snop  }
0x1c6: {  	[spmem:s4] =	stream.indirect.scatter.add.f32 [tilespmem:s2], [sflag:$0x7], $0x1, s31, s25, $0xb8;
	[tilespmem:$0x1E580] =	vst v63  }
0x1c7: {  	_ =	swait.ge [sflag:s16], $0x2800  }
0x1c8: {  	[sflag:s16] =	ssyncset.done $0x0  }
0x1c9: {  	[sflag:s16] =	ssyncadd.s32 $0xFFFFD800  }
0x1ca: {  	_ =	swait.ge [sflag:s17], $0x50  }
0x1cb: {  	[sflag:s17] =	ssyncset.done $0x0  }
0x1cc: {  	[sflag:s17] =	ssyncadd.s32 $0xFFFFFFB0  }
0x1cd: {  	_ =	swait.ge [sflag:s7], $0x2800  }
0x1ce: {  	[sflag:s7] =	ssyncset.done $0x0  }
0x1cf: {  	[sflag:s7] =	ssyncadd.s32 $0xFFFFD800  }
0x1d0: {  	[spmem:s3] =	stream.indirect.scatter.add.f32 [tilespmem:s29], [sflag:$0x5], $0x80, s8, s25, $0xb8;
	[tilespmem:$0x1E580] =	vst v63  }
0x1d1: {  	_ = 	snop  }
0x1d2: {  	[spmem:s4] =	stream.indirect.scatter.add.f32 [tilespmem:s2], [sflag:$0x8], $0x1, s8, s25, $0xb8;
	[tilespmem:$0x1E580] =	vst v63  }
0x1d3: {  	_ =	swait.ge [sflag:s9], $0x2800  }
0x1d4: {  	[sflag:s9] =	ssyncset.done $0x0  }
0x1d5: {  	[sflag:s9] =	ssyncadd.s32 $0xFFFFD800  }
0x1d6: {  	_ =	swait.ge [sflag:s10], $0x50  }
0x1d7: {  	[sflag:s10] =	ssyncset.done $0x0  }
0x1d8: {  	[sflag:s10] =	ssyncadd.s32 $0xFFFFFFB0  }
0x1d9: {  	_ =	swait.ge [sflag:s14], $0x2800  }
0x1da: {  	[sflag:s14] =	ssyncset.done $0x0  }
0x1db: {  	[sflag:s14] =	ssyncadd.s32 $0xFFFFD800  }
0x1dc: {  	_ =	swait.ge [sflag:s15], $0x50  }
0x1dd: {  	[sflag:s15] =	ssyncset.done $0x0  }
0x1de: {  	s19 =	stileid.u32;
	[sflag:s15] =	ssyncadd.s32 $0xFFFFFFB0  }
0x1df: {  	s19 =	sshll.u32 s19, $0x6;
	[bflag:$0x0] =	sbarrier.arrive $0xFFFF  }
0x1e0: {  	s20 =	sshrl.u32 s6, $0x3;
	s19 =	sor.u32 $0x1C0A, s19;
	s21 =	rddreg [dreg:$0x12]  }
0x1e1: {  	[hbm:s21], [sflag:s19] =	dma.local [spmem:s20], $0x2800  }
0x1e2: {  	_ =	swait.ge [sflag:s23], $0x2800  }
0x1e3: {  	s13 =	rddreg [dreg:$0x15]  }
0x1e4: {  	[sflag:s23] =	ssyncset.done $0x0;
	s21 =	rddreg [dreg:$0x13]  }
0x1e5: {  	[sflag:s23] =	ssyncadd.s32 $0xFFFFD800;
	s20 =	sshrl.u32 s13, $0x3;
	s13 =	simm.s32 $0x10  }
0x1e6: {  	[hbm:s21@s22], [sflag:s19] =	dma.strided [spmem:s20@s13], $0x50, s30, $0x10   }
0x1e7: {  	_ =	swait.ge [sflag:s23], $0x50  }
0x1e8: {  	s18 =	sadd.s32 $0x1, s18;
	s21 =	rddreg [dreg:$0x14]  }
0x1e9: {  	p0 =	sne.s32 s18, s21  }
.Ltmp2:
0x1ea: {  	_ = 	snop;
	(pc) =	sbr.rel @p0 .LBB2_1-.Ltmp2, $3  }
0x1eb: {  	_ =	sdelay $0x1  }
0x1ec: {  	[sflag:s23] =	ssyncset.done $0x0  }
0x1ed: {  	[sflag:s23] =	ssyncadd.s32 $0xFFFFFFB0  }
0x1ee: {  	_ =	sfence.sel $0x180000  }
0x1ef: {  	[bflag:$0x0] =	sbarrier.arrive $0xFFFF  }
0x1f0: {  	_ =	strace $0x90000047  }
0x1f1: {  	s0 =	stileid.u32;
	[bflag:$0x2] =	sbarrier.arrive $0xFFFF  }
0x1f2: {  	p0 =	sne.s32 s0, $0x0;
	s0 =	rddreg [dreg:$0x5]  }
0x1f3: {  	s0 =	sadd.s32 @!p0 $0x100000, s0  }
0x1f4: {  	[sflag:s0] =	ssyncadd.tile.s32 @!p0 $0x1;
	_ =	shalt  }
.Lfunc_end2:
_tile_overlayer_lowered:
.L_overlay_start_2:
0x1f5: {  	(tag) =	ssettag $0x2  }
0x1f6: {  	s0 =	rddreg [dreg:$0x0];
	s2 =	stileid.u32  }
0x1f7: {  	s1 =	rddreg [dreg:$0x1];
	p0 =	sne.s32 s2, $0x0  }
0x1f8: {  	s3 =	rddreg [dreg:$0x2];
	[bflag:$0x3] =	sbarrier.arrive $0xFFFF;
	s2 =	simm.s32 @!p0 $0x1C0A  }
0x1f9: {  	[timem:s3], [sflag:s2] =	dma.local @!p0 [hbm:s0], s1  }
0x1fa: {  	s0 =	simm.s32 @!p0 $0xA  }
0x1fb: {  	_ =	swait.ge @!p0 [sflag:s0], s1  }
0x1fc: {  	s1 =	ssub.s32 @!p0 $0x0, s1;
	[sflag:s0] =	ssyncset.done @!p0 $0x0  }
0x1fd: {  	[sflag:s0] =	ssyncadd.s32 @!p0 s1  }
0x1fe: {  	[bflag:$0x3] =	sbarrier.arrive $0xFFFF  }
0x1ff: {  	_ =	shalt  }

</sc_bundles>
